<compile_context>
chip_gen: v7x
topology: tpu7x:2x2x1
jax: 0.10.2.dev20260603
libtpu: 0.0.44.dev20260713+nightly
codegen_flags: <defaults>
</compile_context>

<pallas_src>
import functools

import jax
import jax.numpy as jnp
from jax import lax
from jax.experimental import pallas as pl
from jax.experimental.pallas import tpu as pltpu
from jax.experimental.pallas import tpu_sc as plsc

_NUM_EXPERTS = 64
_TOP_K = 2
_B, _S, _D = 4, 8192, 768
_LANES = _D // 16

_HEAD_S = 7680
_TAIL_S = _S - _HEAD_S
_S_BLK = 256
_N_BLK = _HEAD_S // _S_BLK

_NC, _NS = 2, 16
_NW = _NC * _NS
_JPB = 8
_RPW = _TAIL_S // _JPB
_HLANES = _LANES // 2
_CH = 32
_NCH = _RPW // _CH


def _tc_head_kernel(x_ref, out_ref):
    step = pl.program_id(0)

    @pl.when(step == 0)
    def _init():
        out_ref[...] = jnp.zeros_like(out_ref)

    out_ref[...] += jnp.sum(x_ref[...], axis=1)


_sc_mesh = plsc.VectorSubcoreMesh(core_axis_name="c", subcore_axis_name="s")


@functools.partial(
    pl.kernel,
    mesh=_sc_mesh,
    out_type=jax.ShapeDtypeStruct((_NW, _D), jnp.float32),
    scratch_types=[
        pltpu.VMEM((2, _CH, _D), jnp.float32),
        pltpu.VMEM((_D,), jnp.float32),
        pltpu.VMEM((2, _CH), jnp.int32),
        pltpu.SemaphoreType.DMA,
        pltpu.SemaphoreType.DMA,
    ],
    cost_estimate=pl.CostEstimate(
        flops=_B * _TAIL_S * _D,
        bytes_accessed=_B * _TAIL_S * _D * 4,
        transcendentals=0,
    ),
)
def _sc_tail_kernel(x_hbm, out_hbm, buf, accv, idxv, sem0, sem1):
    cid = lax.axis_index("c")
    sid = lax.axis_index("s")
    wid = sid * _NC + cid
    b = wid // _JPB
    j = wid % _JPB
    row0 = b * _S + _HEAD_S + j * _RPW

    sems = (sem0, sem1)
    lane_iota = lax.iota(jnp.int32, 16)

    def start(ci, slot):
        base = row0 + ci * _CH
        for g in range(_CH // 16):
            idxv[slot, pl.ds(16 * g, 16)] = base + 16 * g + lane_iota
        return pltpu.async_copy(
            x_hbm.at[idxv.at[slot]], buf.at[slot], sems[slot])

    for k in range(_LANES):
        accv[pl.ds(16 * k, 16)] = jnp.zeros((16,), jnp.float32)

    handles = {0: start(0, 0)}
    for ci in range(_NCH):
        slot = ci % 2
        if ci + 1 < _NCH:
            handles[(ci + 1) % 2] = start(ci + 1, (ci + 1) % 2)
        handles[slot].wait()

        for half in range(2):

            def row_body(r, a):
                return tuple(
                    a[k] + buf[slot, r, pl.ds(16 * (half * _HLANES + k), 16)]
                    for k in range(_HLANES))

            acc = lax.fori_loop(
                0, _CH, row_body,
                tuple(jnp.zeros((16,), jnp.float32)
                      for _ in range(_HLANES)))
            for k in range(_HLANES):
                kk = half * _HLANES + k
                accv[pl.ds(16 * kk, 16)] = accv[pl.ds(16 * kk, 16)] + acc[k]
    pltpu.sync_copy(accv, out_hbm.at[wid])


def _finalize_kernel(head_ref, parts_ref, wh_ref, bh_ref, wo_ref, bo_ref,
                     w_out_ref, i_out_ref):
    total = head_ref[...] + jnp.sum(parts_ref[...], axis=1)
    r = total * (1.0 / _S)
    h = r @ wh_ref[...] + bh_ref[...]
    h = h * jax.nn.sigmoid(h)
    logits = h @ wo_ref[...] + bo_ref[...]

    iota = jax.lax.broadcasted_iota(jnp.int32, logits.shape, 1)
    m1 = jnp.max(logits, axis=-1, keepdims=True)
    i1 = jnp.min(jnp.where(logits == m1, iota, _NUM_EXPERTS),
                 axis=-1, keepdims=True)
    masked = jnp.where(iota == i1, -jnp.inf, logits)
    m2 = jnp.max(masked, axis=-1, keepdims=True)
    i2 = jnp.min(jnp.where(masked == m2, iota, _NUM_EXPERTS),
                 axis=-1, keepdims=True)

    e2 = jnp.exp(m2 - m1)
    denom = 1.0 + e2
    w_out_ref[...] = jnp.concatenate([1.0 / denom, e2 / denom], axis=-1)
    i_out_ref[...] = jnp.concatenate([i1, i2], axis=-1).astype(jnp.int32)


@jax.jit
def kernel(x, W_hidden, b_hidden, W_out, b_out):
    x2d = x.reshape(_B * _S, _D)
    parts = _sc_tail_kernel(x2d)

    head = pl.pallas_call(
        _tc_head_kernel,
        grid=(_N_BLK,),
        in_specs=[pl.BlockSpec((_B, _S_BLK, _D), lambda s: (0, s, 0))],
        out_specs=pl.BlockSpec((_B, _D), lambda s: (0, 0)),
        out_shape=jax.ShapeDtypeStruct((_B, _D), jnp.float32),
        compiler_params=pltpu.CompilerParams(
            dimension_semantics=("arbitrary",),
        ),
    )(x)

    w, i = pl.pallas_call(
        _finalize_kernel,
        out_shape=(
            jax.ShapeDtypeStruct((_B, _TOP_K), jnp.float32),
            jax.ShapeDtypeStruct((_B, _TOP_K), jnp.int32),
        ),
    )(head, parts.reshape(_B, _JPB, _D), W_hidden,
      b_hidden.reshape(1, _D), W_out, b_out.reshape(1, _NUM_EXPERTS))
    return w, i

# --- scband reference (transcript-rebuilt; emitter-appended) ---
"""Pipeline reference for scband-top-kgate-24532853195083 (READ-ONLY COPY).

The authoritative reference and input builder live on the scoring server;
editing this copy changes nothing except your own understanding.
"""

import jax, jax.numpy as jnp
import numpy as np

NUM_EXPERTS = 64
TOP_K = 2
B, S, D = 4, 8192, 768

def setup_inputs(seed: int = 0) -> dict:
    key = jax.random.key(seed)
    k_x, k_wh, k_bh, k_wo, k_bo = jax.random.split(key, 5)
    x = jax.random.normal(k_x, (B, S, D), dtype=jnp.float32)
    # flax Dense default init: lecun_normal kernel, zeros bias
    W_hidden = jax.random.normal(k_wh, (D, D), dtype=jnp.float32) / np.sqrt(D)
    b_hidden = jnp.zeros((D,), dtype=jnp.float32)
    W_out = jax.random.normal(k_wo, (D, NUM_EXPERTS), dtype=jnp.float32) / np.sqrt(D)
    b_out = jnp.zeros((NUM_EXPERTS,), dtype=jnp.float32)
    return {"x": x, "W_hidden": W_hidden, "b_hidden": b_hidden, "W_out": W_out, "b_out": b_out}

def reference(x, W_hidden, b_hidden, W_out, b_out):
    # routing at the sequence level: mean over seq dimension
    routing_input = jnp.mean(x, axis=1)                      # [B, D]
    gate_hidden = routing_input @ W_hidden + b_hidden        # [B, D]
    gate_hidden = jax.nn.silu(gate_hidden)
    logits = gate_hidden @ W_out + b_out                     # [B, E]
    top_k_logits, top_k_indices = jax.lax.top_k(logits, k=TOP_K)
    top_k_weights = jax.nn.softmax(top_k_logits, axis=-1)
    return (top_k_weights, top_k_indices)

if __name__ == "__main__":
    import jax
    _d = setup_inputs()
    print(jax.jit(kernel)(*tuple(_d.values())))

</pallas_src>

<mosaic_0001>
#map = affine_map<(d0, d1) -> (0, 0)>
module attributes {stable_mosaic.version = 14 : i64} {
  func.func @_sc_tail_kernel(%arg0: i32, %arg1: i32, %arg2: memref<32768x768xf32, #tpu.memory_space<hbm>>, %arg3: memref<32x768xf32, #tpu.memory_space<hbm>>, %arg4: memref<2x32x768xf32, #tpu.memory_space<vmem>>, %arg5: memref<768xf32, #tpu.memory_space<vmem>>, %arg6: memref<2x32xi32, #tpu.memory_space<vmem>>, %arg7: memref<!tpu.dma_semaphore, #tpu.memory_space<semaphore_mem>>, %arg8: memref<!tpu.dma_semaphore, #tpu.memory_space<semaphore_mem>>) attributes {dimension_semantics = [#tpu.dimension_semantics<core_parallel>, #tpu.dimension_semantics<subcore_parallel>], iteration_bounds = array<i64: 2, 16>, scalar_prefetch = 0 : i64, scratch_operands = 5 : i64, tpu.core_type = #tpu.core_type<sc_vector_subcore>, window_params = [{transform_indices = #map}, {transform_indices = #map}]} {
    %mul3A = arith.constant 2 : i32
    %mul3A_0 = arith.muli %arg1, %mul3A : i32
    %add3A = arith.addi %mul3A_0, %arg0 : i32
    %jit3A = arith.constant 8 : i32
    %div3A = arith.divsi %add3A, %jit3A : i32
    %sign3A = arith.constant 0 : i32
    %sign3A_1 = arith.cmpi sgt, %add3A, %sign3A : i32
    %sign3A_2 = arith.extui %sign3A_1 : i1 to i32
    %sign3A_3 = arith.constant 0 : i32
    %sign3A_4 = arith.cmpi slt, %add3A, %sign3A_3 : i32
    %sign3A_5 = arith.extui %sign3A_4 : i1 to i32
    %sign3A_6 = arith.subi %sign3A_2, %sign3A_5 : i32
    %sign3A_7 = arith.constant 0 : i32
    %sign3A_8 = arith.cmpi sgt, %jit3A, %sign3A_7 : i32
    %sign3A_9 = arith.extui %sign3A_8 : i1 to i32
    %sign3A_10 = arith.constant 0 : i32
    %sign3A_11 = arith.cmpi slt, %jit3A, %sign3A_10 : i32
    %sign3A_12 = arith.extui %sign3A_11 : i1 to i32
    %sign3A_13 = arith.subi %sign3A_9, %sign3A_12 : i32
    %ne3A = arith.cmpi ne, %sign3A_6, %sign3A_13 : i32
    %rem3A = arith.remsi %add3A, %jit3A : i32
    %ne3A_14 = arith.constant 0 : i32
    %ne3A_15 = arith.cmpi ne, %rem3A, %ne3A_14 : i32
    %and3A = arith.andi %ne3A, %ne3A_15 : i1
    %sub3A = arith.constant 1 : i32
    %sub3A_16 = arith.subi %div3A, %sub3A : i32
    %select_n3A = arith.select %and3A, %sub3A_16, %div3A : i32
    %jit3A_17 = arith.constant 8 : i32
    %eq3A = arith.constant 0 : i32
    %eq3A_18 = arith.cmpi eq, %jit3A_17, %eq3A : i32
    %jit3A_19 = arith.constant 1 : i32
    %select_n3A_20 = arith.select %eq3A_18, %jit3A_19, %jit3A_17 : i32
    %rem3A_21 = arith.remsi %add3A, %select_n3A_20 : i32
    %ne3A_22 = arith.constant 0 : i32
    %ne3A_23 = arith.cmpi ne, %rem3A_21, %ne3A_22 : i32
    %lt3A = arith.constant 0 : i32
    %lt3A_24 = arith.cmpi slt, %rem3A_21, %lt3A : i32
    %lt3A_25 = arith.constant 0 : i32
    %lt3A_26 = arith.cmpi slt, %select_n3A_20, %lt3A_25 : i32
    %ne3A_27 = arith.xori %lt3A_24, %lt3A_26 : i1
    %and3A_28 = arith.andi %ne3A_27, %ne3A_23 : i1
    %add3A_29 = arith.addi %rem3A_21, %select_n3A_20 : i32
    %select_n3A_30 = arith.select %and3A_28, %add3A_29, %rem3A_21 : i32
    %mul3A_31 = arith.constant 8192 : i32
    %mul3A_32 = arith.muli %select_n3A, %mul3A_31 : i32
    %add3A_33 = arith.constant 7680 : i32
    %add3A_34 = arith.addi %mul3A_32, %add3A_33 : i32
    %mul3A_35 = arith.constant 64 : i32
    %mul3A_36 = arith.muli %select_n3A_30, %mul3A_35 : i32
    %add3A_37 = arith.addi %add3A_34, %mul3A_36 : i32
    %iota3A = tpu.iota {dimensions = array<i32: 0>} : vector<16xi32>
    %broadcast_in_dim3A = arith.constant 0.000000e+00 : f32
    %broadcast_in_dim3A_38 = vector.broadcast %broadcast_in_dim3A : f32 to vector<16xf32>
    %swap3A = arith.constant 0 : index
    %swap3A_39 = tpu.vector_load %arg5[%swap3A] {strides = array<i32>} : memref<768xf32, #tpu.memory_space<vmem>>, vector<16xf32>,
    %swap3A_40 = vector.shape_cast %swap3A_39 : vector<16xf32> to vector<16xf32>
    %swap3A_41 = vector.shape_cast %broadcast_in_dim3A_38 : vector<16xf32> to vector<16xf32>
    tpu.vector_store %arg5[%swap3A], %swap3A_41 {strides = array<i32>} : memref<768xf32, #tpu.memory_space<vmem>>, vector<16xf32>,
    %broadcast_in_dim3A_42 = arith.constant 0.000000e+00 : f32
    %broadcast_in_dim3A_43 = vector.broadcast %broadcast_in_dim3A_42 : f32 to vector<16xf32>
    %swap3A_44 = arith.constant 16 : index
    %swap3A_45 = tpu.vector_load %arg5[%swap3A_44] {strides = array<i32>} : memref<768xf32, #tpu.memory_space<vmem>>, vector<16xf32>,
    %swap3A_46 = vector.shape_cast %swap3A_45 : vector<16xf32> to vector<16xf32>
    %swap3A_47 = vector.shape_cast %broadcast_in_dim3A_43 : vector<16xf32> to vector<16xf32>
    tpu.vector_store %arg5[%swap3A_44], %swap3A_47 {strides = array<i32>} : memref<768xf32, #tpu.memory_space<vmem>>, vector<16xf32>,
    %broadcast_in_dim3A_48 = arith.constant 0.000000e+00 : f32
    %broadcast_in_dim3A_49 = vector.broadcast %broadcast_in_dim3A_48 : f32 to vector<16xf32>
    %swap3A_50 = arith.constant 32 : index
    %swap3A_51 = tpu.vector_load %arg5[%swap3A_50] {strides = array<i32>} : memref<768xf32, #tpu.memory_space<vmem>>, vector<16xf32>,
    %swap3A_52 = vector.shape_cast %swap3A_51 : vector<16xf32> to vector<16xf32>
    %swap3A_53 = vector.shape_cast %broadcast_in_dim3A_49 : vector<16xf32> to vector<16xf32>
    tpu.vector_store %arg5[%swap3A_50], %swap3A_53 {strides = array<i32>} : memref<768xf32, #tpu.memory_space<vmem>>, vector<16xf32>,
    %broadcast_in_dim3A_54 = arith.constant 0.000000e+00 : f32
    %broadcast_in_dim3A_55 = vector.broadcast %broadcast_in_dim3A_54 : f32 to vector<16xf32>
    %swap3A_56 = arith.constant 48 : index
    %swap3A_57 = tpu.vector_load %arg5[%swap3A_56] {strides = array<i32>} : memref<768xf32, #tpu.memory_space<vmem>>, vector<16xf32>,
    %swap3A_58 = vector.shape_cast %swap3A_57 : vector<16xf32> to vector<16xf32>
    %swap3A_59 = vector.shape_cast %broadcast_in_dim3A_55 : vector<16xf32> to vector<16xf32>
    tpu.vector_store %arg5[%swap3A_56], %swap3A_59 {strides = array<i32>} : memref<768xf32, #tpu.memory_space<vmem>>, vector<16xf32>,
    %broadcast_in_dim3A_60 = arith.constant 0.000000e+00 : f32
    %broadcast_in_dim3A_61 = vector.broadcast %broadcast_in_dim3A_60 : f32 to vector<16xf32>
    %swap3A_62 = arith.constant 64 : index
    %swap3A_63 = tpu.vector_load %arg5[%swap3A_62] {strides = array<i32>} : memref<768xf32, #tpu.memory_space<vmem>>, vector<16xf32>,
    %swap3A_64 = vector.shape_cast %swap3A_63 : vector<16xf32> to vector<16xf32>
    %swap3A_65 = vector.shape_cast %broadcast_in_dim3A_61 : vector<16xf32> to vector<16xf32>
    tpu.vector_store %arg5[%swap3A_62], %swap3A_65 {strides = array<i32>} : memref<768xf32, #tpu.memory_space<vmem>>, vector<16xf32>,
    %broadcast_in_dim3A_66 = arith.constant 0.000000e+00 : f32
    %broadcast_in_dim3A_67 = vector.broadcast %broadcast_in_dim3A_66 : f32 to vector<16xf32>
    %swap3A_68 = arith.constant 80 : index
    %swap3A_69 = tpu.vector_load %arg5[%swap3A_68] {strides = array<i32>} : memref<768xf32, #tpu.memory_space<vmem>>, vector<16xf32>,
    %swap3A_70 = vector.shape_cast %swap3A_69 : vector<16xf32> to vector<16xf32>
    %swap3A_71 = vector.shape_cast %broadcast_in_dim3A_67 : vector<16xf32> to vector<16xf32>
    tpu.vector_store %arg5[%swap3A_68], %swap3A_71 {strides = array<i32>} : memref<768xf32, #tpu.memory_space<vmem>>, vector<16xf32>,
    %broadcast_in_dim3A_72 = arith.constant 0.000000e+00 : f32
    %broadcast_in_dim3A_73 = vector.broadcast %broadcast_in_dim3A_72 : f32 to vector<16xf32>
    %swap3A_74 = arith.constant 96 : index
    %swap3A_75 = tpu.vector_load %arg5[%swap3A_74] {strides = array<i32>} : memref<768xf32, #tpu.memory_space<vmem>>, vector<16xf32>,
    %swap3A_76 = vector.shape_cast %swap3A_75 : vector<16xf32> to vector<16xf32>
    %swap3A_77 = vector.shape_cast %broadcast_in_dim3A_73 : vector<16xf32> to vector<16xf32>
    tpu.vector_store %arg5[%swap3A_74], %swap3A_77 {strides = array<i32>} : memref<768xf32, #tpu.memory_space<vmem>>, vector<16xf32>,
    %broadcast_in_dim3A_78 = arith.constant 0.000000e+00 : f32
    %broadcast_in_dim3A_79 = vector.broadcast %broadcast_in_dim3A_78 : f32 to vector<16xf32>
    %swap3A_80 = arith.constant 112 : index
    %swap3A_81 = tpu.vector_load %arg5[%swap3A_80] {strides = array<i32>} : memref<768xf32, #tpu.memory_space<vmem>>, vector<16xf32>,
    %swap3A_82 = vector.shape_cast %swap3A_81 : vector<16xf32> to vector<16xf32>
    %swap3A_83 = vector.shape_cast %broadcast_in_dim3A_79 : vector<16xf32> to vector<16xf32>
    tpu.vector_store %arg5[%swap3A_80], %swap3A_83 {strides = array<i32>} : memref<768xf32, #tpu.memory_space<vmem>>, vector<16xf32>,
    %broadcast_in_dim3A_84 = arith.constant 0.000000e+00 : f32
    %broadcast_in_dim3A_85 = vector.broadcast %broadcast_in_dim3A_84 : f32 to vector<16xf32>
    %swap3A_86 = arith.constant 128 : index
    %swap3A_87 = tpu.vector_load %arg5[%swap3A_86] {strides = array<i32>} : memref<768xf32, #tpu.memory_space<vmem>>, vector<16xf32>,
    %swap3A_88 = vector.shape_cast %swap3A_87 : vector<16xf32> to vector<16xf32>
    %swap3A_89 = vector.shape_cast %broadcast_in_dim3A_85 : vector<16xf32> to vector<16xf32>
    tpu.vector_store %arg5[%swap3A_86], %swap3A_89 {strides = array<i32>} : memref<768xf32, #tpu.memory_space<vmem>>, vector<16xf32>,
    %broadcast_in_dim3A_90 = arith.constant 0.000000e+00 : f32
    %broadcast_in_dim3A_91 = vector.broadcast %broadcast_in_dim3A_90 : f32 to vector<16xf32>
    %swap3A_92 = arith.constant 144 : index
    %swap3A_93 = tpu.vector_load %arg5[%swap3A_92] {strides = array<i32>} : memref<768xf32, #tpu.memory_space<vmem>>, vector<16xf32>,
    %swap3A_94 = vector.shape_cast %swap3A_93 : vector<16xf32> to vector<16xf32>
    %swap3A_95 = vector.shape_cast %broadcast_in_dim3A_91 : vector<16xf32> to vector<16xf32>
    tpu.vector_store %arg5[%swap3A_92], %swap3A_95 {strides = array<i32>} : memref<768xf32, #tpu.memory_space<vmem>>, vector<16xf32>,
    %broadcast_in_dim3A_96 = arith.constant 0.000000e+00 : f32
    %broadcast_in_dim3A_97 = vector.broadcast %broadcast_in_dim3A_96 : f32 to vector<16xf32>
    %swap3A_98 = arith.constant 160 : index
    %swap3A_99 = tpu.vector_load %arg5[%swap3A_98] {strides = array<i32>} : memref<768xf32, #tpu.memory_space<vmem>>, vector<16xf32>,
    %swap3A_100 = vector.shape_cast %swap3A_99 : vector<16xf32> to vector<16xf32>
    %swap3A_101 = vector.shape_cast %broadcast_in_dim3A_97 : vector<16xf32> to vector<16xf32>
    tpu.vector_store %arg5[%swap3A_98], %swap3A_101 {strides = array<i32>} : memref<768xf32, #tpu.memory_space<vmem>>, vector<16xf32>,
    %broadcast_in_dim3A_102 = arith.constant 0.000000e+00 : f32
    %broadcast_in_dim3A_103 = vector.broadcast %broadcast_in_dim3A_102 : f32 to vector<16xf32>
    %swap3A_104 = arith.constant 176 : index
    %swap3A_105 = tpu.vector_load %arg5[%swap3A_104] {strides = array<i32>} : memref<768xf32, #tpu.memory_space<vmem>>, vector<16xf32>,
    %swap3A_106 = vector.shape_cast %swap3A_105 : vector<16xf32> to vector<16xf32>
    %swap3A_107 = vector.shape_cast %broadcast_in_dim3A_103 : vector<16xf32> to vector<16xf32>
    tpu.vector_store %arg5[%swap3A_104], %swap3A_107 {strides = array<i32>} : memref<768xf32, #tpu.memory_space<vmem>>, vector<16xf32>,
    %broadcast_in_dim3A_108 = arith.constant 0.000000e+00 : f32
    %broadcast_in_dim3A_109 = vector.broadcast %broadcast_in_dim3A_108 : f32 to vector<16xf32>
    %swap3A_110 = arith.constant 192 : index
    %swap3A_111 = tpu.vector_load %arg5[%swap3A_110] {strides = array<i32>} : memref<768xf32, #tpu.memory_space<vmem>>, vector<16xf32>,
    %swap3A_112 = vector.shape_cast %swap3A_111 : vector<16xf32> to vector<16xf32>
    %swap3A_113 = vector.shape_cast %broadcast_in_dim3A_109 : vector<16xf32> to vector<16xf32>
    tpu.vector_store %arg5[%swap3A_110], %swap3A_113 {strides = array<i32>} : memref<768xf32, #tpu.memory_space<vmem>>, vector<16xf32>,
    %broadcast_in_dim3A_114 = arith.constant 0.000000e+00 : f32
    %broadcast_in_dim3A_115 = vector.broadcast %broadcast_in_dim3A_114 : f32 to vector<16xf32>
    %swap3A_116 = arith.constant 208 : index
    %swap3A_117 = tpu.vector_load %arg5[%swap3A_116] {strides = array<i32>} : memref<768xf32, #tpu.memory_space<vmem>>, vector<16xf32>,
    %swap3A_118 = vector.shape_cast %swap3A_117 : vector<16xf32> to vector<16xf32>
    %swap3A_119 = vector.shape_cast %broadcast_in_dim3A_115 : vector<16xf32> to vector<16xf32>
    tpu.vector_store %arg5[%swap3A_116], %swap3A_119 {strides = array<i32>} : memref<768xf32, #tpu.memory_space<vmem>>, vector<16xf32>,
    %broadcast_in_dim3A_120 = arith.constant 0.000000e+00 : f32
    %broadcast_in_dim3A_121 = vector.broadcast %broadcast_in_dim3A_120 : f32 to vector<16xf32>
    %swap3A_122 = arith.constant 224 : index
    %swap3A_123 = tpu.vector_load %arg5[%swap3A_122] {strides = array<i32>} : memref<768xf32, #tpu.memory_space<vmem>>, vector<16xf32>,
    %swap3A_124 = vector.shape_cast %swap3A_123 : vector<16xf32> to vector<16xf32>
    %swap3A_125 = vector.shape_cast %broadcast_in_dim3A_121 : vector<16xf32> to vector<16xf32>
    tpu.vector_store %arg5[%swap3A_122], %swap3A_125 {strides = array<i32>} : memref<768xf32, #tpu.memory_space<vmem>>, vector<16xf32>,
    %broadcast_in_dim3A_126 = arith.constant 0.000000e+00 : f32
    %broadcast_in_dim3A_127 = vector.broadcast %broadcast_in_dim3A_126 : f32 to vector<16xf32>
    %swap3A_128 = arith.constant 240 : index
    %swap3A_129 = tpu.vector_load %arg5[%swap3A_128] {strides = array<i32>} : memref<768xf32, #tpu.memory_space<vmem>>, vector<16xf32>,
    %swap3A_130 = vector.shape_cast %swap3A_129 : vector<16xf32> to vector<16xf32>
    %swap3A_131 = vector.shape_cast %broadcast_in_dim3A_127 : vector<16xf32> to vector<16xf32>
    tpu.vector_store %arg5[%swap3A_128], %swap3A_131 {strides = array<i32>} : memref<768xf32, #tpu.memory_space<vmem>>, vector<16xf32>,
    %broadcast_in_dim3A_132 = arith.constant 0.000000e+00 : f32
    %broadcast_in_dim3A_133 = vector.broadcast %broadcast_in_dim3A_132 : f32 to vector<16xf32>
    %swap3A_134 = arith.constant 256 : index
    %swap3A_135 = tpu.vector_load %arg5[%swap3A_134] {strides = array<i32>} : memref<768xf32, #tpu.memory_space<vmem>>, vector<16xf32>,
    %swap3A_136 = vector.shape_cast %swap3A_135 : vector<16xf32> to vector<16xf32>
    %swap3A_137 = vector.shape_cast %broadcast_in_dim3A_133 : vector<16xf32> to vector<16xf32>
    tpu.vector_store %arg5[%swap3A_134], %swap3A_137 {strides = array<i32>} : memref<768xf32, #tpu.memory_space<vmem>>, vector<16xf32>,
    %broadcast_in_dim3A_138 = arith.constant 0.000000e+00 : f32
    %broadcast_in_dim3A_139 = vector.broadcast %broadcast_in_dim3A_138 : f32 to vector<16xf32>
    %swap3A_140 = arith.constant 272 : index
    %swap3A_141 = tpu.vector_load %arg5[%swap3A_140] {strides = array<i32>} : memref<768xf32, #tpu.memory_space<vmem>>, vector<16xf32>,
    %swap3A_142 = vector.shape_cast %swap3A_141 : vector<16xf32> to vector<16xf32>
    %swap3A_143 = vector.shape_cast %broadcast_in_dim3A_139 : vector<16xf32> to vector<16xf32>
    tpu.vector_store %arg5[%swap3A_140], %swap3A_143 {strides = array<i32>} : memref<768xf32, #tpu.memory_space<vmem>>, vector<16xf32>,
    %broadcast_in_dim3A_144 = arith.constant 0.000000e+00 : f32
    %broadcast_in_dim3A_145 = vector.broadcast %broadcast_in_dim3A_144 : f32 to vector<16xf32>
    %swap3A_146 = arith.constant 288 : index
    %swap3A_147 = tpu.vector_load %arg5[%swap3A_146] {strides = array<i32>} : memref<768xf32, #tpu.memory_space<vmem>>, vector<16xf32>,
    %swap3A_148 = vector.shape_cast %swap3A_147 : vector<16xf32> to vector<16xf32>
    %swap3A_149 = vector.shape_cast %broadcast_in_dim3A_145 : vector<16xf32> to vector<16xf32>
    tpu.vector_store %arg5[%swap3A_146], %swap3A_149 {strides = array<i32>} : memref<768xf32, #tpu.memory_space<vmem>>, vector<16xf32>,
    %broadcast_in_dim3A_150 = arith.constant 0.000000e+00 : f32
    %broadcast_in_dim3A_151 = vector.broadcast %broadcast_in_dim3A_150 : f32 to vector<16xf32>
    %swap3A_152 = arith.constant 304 : index
    %swap3A_153 = tpu.vector_load %arg5[%swap3A_152] {strides = array<i32>} : memref<768xf32, #tpu.memory_space<vmem>>, vector<16xf32>,
    %swap3A_154 = vector.shape_cast %swap3A_153 : vector<16xf32> to vector<16xf32>
    %swap3A_155 = vector.shape_cast %broadcast_in_dim3A_151 : vector<16xf32> to vector<16xf32>
    tpu.vector_store %arg5[%swap3A_152], %swap3A_155 {strides = array<i32>} : memref<768xf32, #tpu.memory_space<vmem>>, vector<16xf32>,
    %broadcast_in_dim3A_156 = arith.constant 0.000000e+00 : f32
    %broadcast_in_dim3A_157 = vector.broadcast %broadcast_in_dim3A_156 : f32 to vector<16xf32>
    %swap3A_158 = arith.constant 320 : index
    %swap3A_159 = tpu.vector_load %arg5[%swap3A_158] {strides = array<i32>} : memref<768xf32, #tpu.memory_space<vmem>>, vector<16xf32>,
    %swap3A_160 = vector.shape_cast %swap3A_159 : vector<16xf32> to vector<16xf32>
    %swap3A_161 = vector.shape_cast %broadcast_in_dim3A_157 : vector<16xf32> to vector<16xf32>
    tpu.vector_store %arg5[%swap3A_158], %swap3A_161 {strides = array<i32>} : memref<768xf32, #tpu.memory_space<vmem>>, vector<16xf32>,
    %broadcast_in_dim3A_162 = arith.constant 0.000000e+00 : f32
    %broadcast_in_dim3A_163 = vector.broadcast %broadcast_in_dim3A_162 : f32 to vector<16xf32>
    %swap3A_164 = arith.constant 336 : index
    %swap3A_165 = tpu.vector_load %arg5[%swap3A_164] {strides = array<i32>} : memref<768xf32, #tpu.memory_space<vmem>>, vector<16xf32>,
    %swap3A_166 = vector.shape_cast %swap3A_165 : vector<16xf32> to vector<16xf32>
    %swap3A_167 = vector.shape_cast %broadcast_in_dim3A_163 : vector<16xf32> to vector<16xf32>
    tpu.vector_store %arg5[%swap3A_164], %swap3A_167 {strides = array<i32>} : memref<768xf32, #tpu.memory_space<vmem>>, vector<16xf32>,
    %broadcast_in_dim3A_168 = arith.constant 0.000000e+00 : f32
    %broadcast_in_dim3A_169 = vector.broadcast %broadcast_in_dim3A_168 : f32 to vector<16xf32>
    %swap3A_170 = arith.constant 352 : index
    %swap3A_171 = tpu.vector_load %arg5[%swap3A_170] {strides = array<i32>} : memref<768xf32, #tpu.memory_space<vmem>>, vector<16xf32>,
    %swap3A_172 = vector.shape_cast %swap3A_171 : vector<16xf32> to vector<16xf32>
    %swap3A_173 = vector.shape_cast %broadcast_in_dim3A_169 : vector<16xf32> to vector<16xf32>
    tpu.vector_store %arg5[%swap3A_170], %swap3A_173 {strides = array<i32>} : memref<768xf32, #tpu.memory_space<vmem>>, vector<16xf32>,
    %broadcast_in_dim3A_174 = arith.constant 0.000000e+00 : f32
    %broadcast_in_dim3A_175 = vector.broadcast %broadcast_in_dim3A_174 : f32 to vector<16xf32>
    %swap3A_176 = arith.constant 368 : index
    %swap3A_177 = tpu.vector_load %arg5[%swap3A_176] {strides = array<i32>} : memref<768xf32, #tpu.memory_space<vmem>>, vector<16xf32>,
    %swap3A_178 = vector.shape_cast %swap3A_177 : vector<16xf32> to vector<16xf32>
    %swap3A_179 = vector.shape_cast %broadcast_in_dim3A_175 : vector<16xf32> to vector<16xf32>
    tpu.vector_store %arg5[%swap3A_176], %swap3A_179 {strides = array<i32>} : memref<768xf32, #tpu.memory_space<vmem>>, vector<16xf32>,
    %broadcast_in_dim3A_180 = arith.constant 0.000000e+00 : f32
    %broadcast_in_dim3A_181 = vector.broadcast %broadcast_in_dim3A_180 : f32 to vector<16xf32>
    %swap3A_182 = arith.constant 384 : index
    %swap3A_183 = tpu.vector_load %arg5[%swap3A_182] {strides = array<i32>} : memref<768xf32, #tpu.memory_space<vmem>>, vector<16xf32>,
    %swap3A_184 = vector.shape_cast %swap3A_183 : vector<16xf32> to vector<16xf32>
    %swap3A_185 = vector.shape_cast %broadcast_in_dim3A_181 : vector<16xf32> to vector<16xf32>
    tpu.vector_store %arg5[%swap3A_182], %swap3A_185 {strides = array<i32>} : memref<768xf32, #tpu.memory_space<vmem>>, vector<16xf32>,
    %broadcast_in_dim3A_186 = arith.constant 0.000000e+00 : f32
    %broadcast_in_dim3A_187 = vector.broadcast %broadcast_in_dim3A_186 : f32 to vector<16xf32>
    %swap3A_188 = arith.constant 400 : index
    %swap3A_189 = tpu.vector_load %arg5[%swap3A_188] {strides = array<i32>} : memref<768xf32, #tpu.memory_space<vmem>>, vector<16xf32>,
    %swap3A_190 = vector.shape_cast %swap3A_189 : vector<16xf32> to vector<16xf32>
    %swap3A_191 = vector.shape_cast %broadcast_in_dim3A_187 : vector<16xf32> to vector<16xf32>
    tpu.vector_store %arg5[%swap3A_188], %swap3A_191 {strides = array<i32>} : memref<768xf32, #tpu.memory_space<vmem>>, vector<16xf32>,
    %broadcast_in_dim3A_192 = arith.constant 0.000000e+00 : f32
    %broadcast_in_dim3A_193 = vector.broadcast %broadcast_in_dim3A_192 : f32 to vector<16xf32>
    %swap3A_194 = arith.constant 416 : index
    %swap3A_195 = tpu.vector_load %arg5[%swap3A_194] {strides = array<i32>} : memref<768xf32, #tpu.memory_space<vmem>>, vector<16xf32>,
    %swap3A_196 = vector.shape_cast %swap3A_195 : vector<16xf32> to vector<16xf32>
    %swap3A_197 = vector.shape_cast %broadcast_in_dim3A_193 : vector<16xf32> to vector<16xf32>
    tpu.vector_store %arg5[%swap3A_194], %swap3A_197 {strides = array<i32>} : memref<768xf32, #tpu.memory_space<vmem>>, vector<16xf32>,
    %broadcast_in_dim3A_198 = arith.constant 0.000000e+00 : f32
    %broadcast_in_dim3A_199 = vector.broadcast %broadcast_in_dim3A_198 : f32 to vector<16xf32>
    %swap3A_200 = arith.constant 432 : index
    %swap3A_201 = tpu.vector_load %arg5[%swap3A_200] {strides = array<i32>} : memref<768xf32, #tpu.memory_space<vmem>>, vector<16xf32>,
    %swap3A_202 = vector.shape_cast %swap3A_201 : vector<16xf32> to vector<16xf32>
    %swap3A_203 = vector.shape_cast %broadcast_in_dim3A_199 : vector<16xf32> to vector<16xf32>
    tpu.vector_store %arg5[%swap3A_200], %swap3A_203 {strides = array<i32>} : memref<768xf32, #tpu.memory_space<vmem>>, vector<16xf32>,
    %broadcast_in_dim3A_204 = arith.constant 0.000000e+00 : f32
    %broadcast_in_dim3A_205 = vector.broadcast %broadcast_in_dim3A_204 : f32 to vector<16xf32>
    %swap3A_206 = arith.constant 448 : index
    %swap3A_207 = tpu.vector_load %arg5[%swap3A_206] {strides = array<i32>} : memref<768xf32, #tpu.memory_space<vmem>>, vector<16xf32>,
    %swap3A_208 = vector.shape_cast %swap3A_207 : vector<16xf32> to vector<16xf32>
    %swap3A_209 = vector.shape_cast %broadcast_in_dim3A_205 : vector<16xf32> to vector<16xf32>
    tpu.vector_store %arg5[%swap3A_206], %swap3A_209 {strides = array<i32>} : memref<768xf32, #tpu.memory_space<vmem>>, vector<16xf32>,
    %broadcast_in_dim3A_210 = arith.constant 0.000000e+00 : f32
    %broadcast_in_dim3A_211 = vector.broadcast %broadcast_in_dim3A_210 : f32 to vector<16xf32>
    %swap3A_212 = arith.constant 464 : index
    %swap3A_213 = tpu.vector_load %arg5[%swap3A_212] {strides = array<i32>} : memref<768xf32, #tpu.memory_space<vmem>>, vector<16xf32>,
    %swap3A_214 = vector.shape_cast %swap3A_213 : vector<16xf32> to vector<16xf32>
    %swap3A_215 = vector.shape_cast %broadcast_in_dim3A_211 : vector<16xf32> to vector<16xf32>
    tpu.vector_store %arg5[%swap3A_212], %swap3A_215 {strides = array<i32>} : memref<768xf32, #tpu.memory_space<vmem>>, vector<16xf32>,
    %broadcast_in_dim3A_216 = arith.constant 0.000000e+00 : f32
    %broadcast_in_dim3A_217 = vector.broadcast %broadcast_in_dim3A_216 : f32 to vector<16xf32>
    %swap3A_218 = arith.constant 480 : index
    %swap3A_219 = tpu.vector_load %arg5[%swap3A_218] {strides = array<i32>} : memref<768xf32, #tpu.memory_space<vmem>>, vector<16xf32>,
    %swap3A_220 = vector.shape_cast %swap3A_219 : vector<16xf32> to vector<16xf32>
    %swap3A_221 = vector.shape_cast %broadcast_in_dim3A_217 : vector<16xf32> to vector<16xf32>
    tpu.vector_store %arg5[%swap3A_218], %swap3A_221 {strides = array<i32>} : memref<768xf32, #tpu.memory_space<vmem>>, vector<16xf32>,
    %broadcast_in_dim3A_222 = arith.constant 0.000000e+00 : f32
    %broadcast_in_dim3A_223 = vector.broadcast %broadcast_in_dim3A_222 : f32 to vector<16xf32>
    %swap3A_224 = arith.constant 496 : index
    %swap3A_225 = tpu.vector_load %arg5[%swap3A_224] {strides = array<i32>} : memref<768xf32, #tpu.memory_space<vmem>>, vector<16xf32>,
    %swap3A_226 = vector.shape_cast %swap3A_225 : vector<16xf32> to vector<16xf32>
    %swap3A_227 = vector.shape_cast %broadcast_in_dim3A_223 : vector<16xf32> to vector<16xf32>
    tpu.vector_store %arg5[%swap3A_224], %swap3A_227 {strides = array<i32>} : memref<768xf32, #tpu.memory_space<vmem>>, vector<16xf32>,
    %broadcast_in_dim3A_228 = arith.constant 0.000000e+00 : f32
    %broadcast_in_dim3A_229 = vector.broadcast %broadcast_in_dim3A_228 : f32 to vector<16xf32>
    %swap3A_230 = arith.constant 512 : index
    %swap3A_231 = tpu.vector_load %arg5[%swap3A_230] {strides = array<i32>} : memref<768xf32, #tpu.memory_space<vmem>>, vector<16xf32>,
    %swap3A_232 = vector.shape_cast %swap3A_231 : vector<16xf32> to vector<16xf32>
    %swap3A_233 = vector.shape_cast %broadcast_in_dim3A_229 : vector<16xf32> to vector<16xf32>
    tpu.vector_store %arg5[%swap3A_230], %swap3A_233 {strides = array<i32>} : memref<768xf32, #tpu.memory_space<vmem>>, vector<16xf32>,
    %broadcast_in_dim3A_234 = arith.constant 0.000000e+00 : f32
    %broadcast_in_dim3A_235 = vector.broadcast %broadcast_in_dim3A_234 : f32 to vector<16xf32>
    %swap3A_236 = arith.constant 528 : index
    %swap3A_237 = tpu.vector_load %arg5[%swap3A_236] {strides = array<i32>} : memref<768xf32, #tpu.memory_space<vmem>>, vector<16xf32>,
    %swap3A_238 = vector.shape_cast %swap3A_237 : vector<16xf32> to vector<16xf32>
    %swap3A_239 = vector.shape_cast %broadcast_in_dim3A_235 : vector<16xf32> to vector<16xf32>
    tpu.vector_store %arg5[%swap3A_236], %swap3A_239 {strides = array<i32>} : memref<768xf32, #tpu.memory_space<vmem>>, vector<16xf32>,
    %broadcast_in_dim3A_240 = arith.constant 0.000000e+00 : f32
    %broadcast_in_dim3A_241 = vector.broadcast %broadcast_in_dim3A_240 : f32 to vector<16xf32>
    %swap3A_242 = arith.constant 544 : index
    %swap3A_243 = tpu.vector_load %arg5[%swap3A_242] {strides = array<i32>} : memref<768xf32, #tpu.memory_space<vmem>>, vector<16xf32>,
    %swap3A_244 = vector.shape_cast %swap3A_243 : vector<16xf32> to vector<16xf32>
    %swap3A_245 = vector.shape_cast %broadcast_in_dim3A_241 : vector<16xf32> to vector<16xf32>
    tpu.vector_store %arg5[%swap3A_242], %swap3A_245 {strides = array<i32>} : memref<768xf32, #tpu.memory_space<vmem>>, vector<16xf32>,
    %broadcast_in_dim3A_246 = arith.constant 0.000000e+00 : f32
    %broadcast_in_dim3A_247 = vector.broadcast %broadcast_in_dim3A_246 : f32 to vector<16xf32>
    %swap3A_248 = arith.constant 560 : index
    %swap3A_249 = tpu.vector_load %arg5[%swap3A_248] {strides = array<i32>} : memref<768xf32, #tpu.memory_space<vmem>>, vector<16xf32>,
    %swap3A_250 = vector.shape_cast %swap3A_249 : vector<16xf32> to vector<16xf32>
    %swap3A_251 = vector.shape_cast %broadcast_in_dim3A_247 : vector<16xf32> to vector<16xf32>
    tpu.vector_store %arg5[%swap3A_248], %swap3A_251 {strides = array<i32>} : memref<768xf32, #tpu.memory_space<vmem>>, vector<16xf32>,
    %broadcast_in_dim3A_252 = arith.constant 0.000000e+00 : f32
    %broadcast_in_dim3A_253 = vector.broadcast %broadcast_in_dim3A_252 : f32 to vector<16xf32>
    %swap3A_254 = arith.constant 576 : index
    %swap3A_255 = tpu.vector_load %arg5[%swap3A_254] {strides = array<i32>} : memref<768xf32, #tpu.memory_space<vmem>>, vector<16xf32>,
    %swap3A_256 = vector.shape_cast %swap3A_255 : vector<16xf32> to vector<16xf32>
    %swap3A_257 = vector.shape_cast %broadcast_in_dim3A_253 : vector<16xf32> to vector<16xf32>
    tpu.vector_store %arg5[%swap3A_254], %swap3A_257 {strides = array<i32>} : memref<768xf32, #tpu.memory_space<vmem>>, vector<16xf32>,
    %broadcast_in_dim3A_258 = arith.constant 0.000000e+00 : f32
    %broadcast_in_dim3A_259 = vector.broadcast %broadcast_in_dim3A_258 : f32 to vector<16xf32>
    %swap3A_260 = arith.constant 592 : index
    %swap3A_261 = tpu.vector_load %arg5[%swap3A_260] {strides = array<i32>} : memref<768xf32, #tpu.memory_space<vmem>>, vector<16xf32>,
    %swap3A_262 = vector.shape_cast %swap3A_261 : vector<16xf32> to vector<16xf32>
    %swap3A_263 = vector.shape_cast %broadcast_in_dim3A_259 : vector<16xf32> to vector<16xf32>
    tpu.vector_store %arg5[%swap3A_260], %swap3A_263 {strides = array<i32>} : memref<768xf32, #tpu.memory_space<vmem>>, vector<16xf32>,
    %broadcast_in_dim3A_264 = arith.constant 0.000000e+00 : f32
    %broadcast_in_dim3A_265 = vector.broadcast %broadcast_in_dim3A_264 : f32 to vector<16xf32>
    %swap3A_266 = arith.constant 608 : index
    %swap3A_267 = tpu.vector_load %arg5[%swap3A_266] {strides = array<i32>} : memref<768xf32, #tpu.memory_space<vmem>>, vector<16xf32>,
    %swap3A_268 = vector.shape_cast %swap3A_267 : vector<16xf32> to vector<16xf32>
    %swap3A_269 = vector.shape_cast %broadcast_in_dim3A_265 : vector<16xf32> to vector<16xf32>
    tpu.vector_store %arg5[%swap3A_266], %swap3A_269 {strides = array<i32>} : memref<768xf32, #tpu.memory_space<vmem>>, vector<16xf32>,
    %broadcast_in_dim3A_270 = arith.constant 0.000000e+00 : f32
    %broadcast_in_dim3A_271 = vector.broadcast %broadcast_in_dim3A_270 : f32 to vector<16xf32>
    %swap3A_272 = arith.constant 624 : index
    %swap3A_273 = tpu.vector_load %arg5[%swap3A_272] {strides = array<i32>} : memref<768xf32, #tpu.memory_space<vmem>>, vector<16xf32>,
    %swap3A_274 = vector.shape_cast %swap3A_273 : vector<16xf32> to vector<16xf32>
    %swap3A_275 = vector.shape_cast %broadcast_in_dim3A_271 : vector<16xf32> to vector<16xf32>
    tpu.vector_store %arg5[%swap3A_272], %swap3A_275 {strides = array<i32>} : memref<768xf32, #tpu.memory_space<vmem>>, vector<16xf32>,
    %broadcast_in_dim3A_276 = arith.constant 0.000000e+00 : f32
    %broadcast_in_dim3A_277 = vector.broadcast %broadcast_in_dim3A_276 : f32 to vector<16xf32>
    %swap3A_278 = arith.constant 640 : index
    %swap3A_279 = tpu.vector_load %arg5[%swap3A_278] {strides = array<i32>} : memref<768xf32, #tpu.memory_space<vmem>>, vector<16xf32>,
    %swap3A_280 = vector.shape_cast %swap3A_279 : vector<16xf32> to vector<16xf32>
    %swap3A_281 = vector.shape_cast %broadcast_in_dim3A_277 : vector<16xf32> to vector<16xf32>
    tpu.vector_store %arg5[%swap3A_278], %swap3A_281 {strides = array<i32>} : memref<768xf32, #tpu.memory_space<vmem>>, vector<16xf32>,
    %broadcast_in_dim3A_282 = arith.constant 0.000000e+00 : f32
    %broadcast_in_dim3A_283 = vector.broadcast %broadcast_in_dim3A_282 : f32 to vector<16xf32>
    %swap3A_284 = arith.constant 656 : index
    %swap3A_285 = tpu.vector_load %arg5[%swap3A_284] {strides = array<i32>} : memref<768xf32, #tpu.memory_space<vmem>>, vector<16xf32>,
    %swap3A_286 = vector.shape_cast %swap3A_285 : vector<16xf32> to vector<16xf32>
    %swap3A_287 = vector.shape_cast %broadcast_in_dim3A_283 : vector<16xf32> to vector<16xf32>
    tpu.vector_store %arg5[%swap3A_284], %swap3A_287 {strides = array<i32>} : memref<768xf32, #tpu.memory_space<vmem>>, vector<16xf32>,
    %broadcast_in_dim3A_288 = arith.constant 0.000000e+00 : f32
    %broadcast_in_dim3A_289 = vector.broadcast %broadcast_in_dim3A_288 : f32 to vector<16xf32>
    %swap3A_290 = arith.constant 672 : index
    %swap3A_291 = tpu.vector_load %arg5[%swap3A_290] {strides = array<i32>} : memref<768xf32, #tpu.memory_space<vmem>>, vector<16xf32>,
    %swap3A_292 = vector.shape_cast %swap3A_291 : vector<16xf32> to vector<16xf32>
    %swap3A_293 = vector.shape_cast %broadcast_in_dim3A_289 : vector<16xf32> to vector<16xf32>
    tpu.vector_store %arg5[%swap3A_290], %swap3A_293 {strides = array<i32>} : memref<768xf32, #tpu.memory_space<vmem>>, vector<16xf32>,
    %broadcast_in_dim3A_294 = arith.constant 0.000000e+00 : f32
    %broadcast_in_dim3A_295 = vector.broadcast %broadcast_in_dim3A_294 : f32 to vector<16xf32>
    %swap3A_296 = arith.constant 688 : index
    %swap3A_297 = tpu.vector_load %arg5[%swap3A_296] {strides = array<i32>} : memref<768xf32, #tpu.memory_space<vmem>>, vector<16xf32>,
    %swap3A_298 = vector.shape_cast %swap3A_297 : vector<16xf32> to vector<16xf32>
    %swap3A_299 = vector.shape_cast %broadcast_in_dim3A_295 : vector<16xf32> to vector<16xf32>
    tpu.vector_store %arg5[%swap3A_296], %swap3A_299 {strides = array<i32>} : memref<768xf32, #tpu.memory_space<vmem>>, vector<16xf32>,
    %broadcast_in_dim3A_300 = arith.constant 0.000000e+00 : f32
    %broadcast_in_dim3A_301 = vector.broadcast %broadcast_in_dim3A_300 : f32 to vector<16xf32>
    %swap3A_302 = arith.constant 704 : index
    %swap3A_303 = tpu.vector_load %arg5[%swap3A_302] {strides = array<i32>} : memref<768xf32, #tpu.memory_space<vmem>>, vector<16xf32>,
    %swap3A_304 = vector.shape_cast %swap3A_303 : vector<16xf32> to vector<16xf32>
    %swap3A_305 = vector.shape_cast %broadcast_in_dim3A_301 : vector<16xf32> to vector<16xf32>
    tpu.vector_store %arg5[%swap3A_302], %swap3A_305 {strides = array<i32>} : memref<768xf32, #tpu.memory_space<vmem>>, vector<16xf32>,
    %broadcast_in_dim3A_306 = arith.constant 0.000000e+00 : f32
    %broadcast_in_dim3A_307 = vector.broadcast %broadcast_in_dim3A_306 : f32 to vector<16xf32>
    %swap3A_308 = arith.constant 720 : index
    %swap3A_309 = tpu.vector_load %arg5[%swap3A_308] {strides = array<i32>} : memref<768xf32, #tpu.memory_space<vmem>>, vector<16xf32>,
    %swap3A_310 = vector.shape_cast %swap3A_309 : vector<16xf32> to vector<16xf32>
    %swap3A_311 = vector.shape_cast %broadcast_in_dim3A_307 : vector<16xf32> to vector<16xf32>
    tpu.vector_store %arg5[%swap3A_308], %swap3A_311 {strides = array<i32>} : memref<768xf32, #tpu.memory_space<vmem>>, vector<16xf32>,
    %broadcast_in_dim3A_312 = arith.constant 0.000000e+00 : f32
    %broadcast_in_dim3A_313 = vector.broadcast %broadcast_in_dim3A_312 : f32 to vector<16xf32>
    %swap3A_314 = arith.constant 736 : index
    %swap3A_315 = tpu.vector_load %arg5[%swap3A_314] {strides = array<i32>} : memref<768xf32, #tpu.memory_space<vmem>>, vector<16xf32>,
    %swap3A_316 = vector.shape_cast %swap3A_315 : vector<16xf32> to vector<16xf32>
    %swap3A_317 = vector.shape_cast %broadcast_in_dim3A_313 : vector<16xf32> to vector<16xf32>
    tpu.vector_store %arg5[%swap3A_314], %swap3A_317 {strides = array<i32>} : memref<768xf32, #tpu.memory_space<vmem>>, vector<16xf32>,
    %broadcast_in_dim3A_318 = arith.constant 0.000000e+00 : f32
    %broadcast_in_dim3A_319 = vector.broadcast %broadcast_in_dim3A_318 : f32 to vector<16xf32>
    %swap3A_320 = arith.constant 752 : index
    %swap3A_321 = tpu.vector_load %arg5[%swap3A_320] {strides = array<i32>} : memref<768xf32, #tpu.memory_space<vmem>>, vector<16xf32>,
    %swap3A_322 = vector.shape_cast %swap3A_321 : vector<16xf32> to vector<16xf32>
    %swap3A_323 = vector.shape_cast %broadcast_in_dim3A_319 : vector<16xf32> to vector<16xf32>
    tpu.vector_store %arg5[%swap3A_320], %swap3A_323 {strides = array<i32>} : memref<768xf32, #tpu.memory_space<vmem>>, vector<16xf32>,
    %add3A_324 = arith.constant 0 : i32
    %add3A_325 = arith.addi %add3A_37, %add3A_324 : i32
    %add3A_326 = arith.constant 0 : i32
    %add3A_327 = arith.addi %add3A_325, %add3A_326 : i32
    %add3A_328 = vector.broadcast %add3A_327 : i32 to vector<16xi32>
    %add3A_329 = arith.addi %add3A_328, %iota3A : vector<16xi32>
    %swap3A_330 = arith.constant 0 : i32
    %swap3A_331 = arith.index_cast %swap3A_330 : i32 to index
    %swap3A_332 = arith.constant 0 : index
    %swap3A_333 = tpu.vector_load %arg6[%swap3A_331, %swap3A_332] {strides = array<i32>} : memref<2x32xi32, #tpu.memory_space<vmem>>, vector<1x16xi32>,
    %swap3A_334 = vector.shape_cast %swap3A_333 : vector<1x16xi32> to vector<16xi32>
    %swap3A_335 = vector.shape_cast %add3A_329 : vector<16xi32> to vector<1x16xi32>
    tpu.vector_store %arg6[%swap3A_331, %swap3A_332], %swap3A_335 {strides = array<i32>} : memref<2x32xi32, #tpu.memory_space<vmem>>, vector<1x16xi32>,
    %add3A_336 = arith.constant 16 : i32
    %add3A_337 = arith.addi %add3A_325, %add3A_336 : i32
    %add3A_338 = vector.broadcast %add3A_337 : i32 to vector<16xi32>
    %add3A_339 = arith.addi %add3A_338, %iota3A : vector<16xi32>
    %swap3A_340 = arith.constant 0 : i32
    %swap3A_341 = arith.index_cast %swap3A_340 : i32 to index
    %swap3A_342 = arith.constant 16 : index
    %swap3A_343 = tpu.vector_load %arg6[%swap3A_341, %swap3A_342] {strides = array<i32>} : memref<2x32xi32, #tpu.memory_space<vmem>>, vector<1x16xi32>,
    %swap3A_344 = vector.shape_cast %swap3A_343 : vector<1x16xi32> to vector<16xi32>
    %swap3A_345 = vector.shape_cast %add3A_339 : vector<16xi32> to vector<1x16xi32>
    tpu.vector_store %arg6[%swap3A_341, %swap3A_342], %swap3A_345 {strides = array<i32>} : memref<2x32xi32, #tpu.memory_space<vmem>>, vector<1x16xi32>,
    %dma_start3A = arith.constant 0 : i32
    %dma_start3A_346 = arith.constant 0 : i32
    %dma_start3A_347 = arith.constant 0 : i32
    %dma_start3A_348 = arith.constant 0 : i32
    %dma_start3A_349 = tpu.memref_slice %arg4[%dma_start3A_346, %dma_start3A_347, %dma_start3A_348] : memref<2x32x768xf32, #tpu.memory_space<vmem>> -> memref<1x32x768xf32, #tpu.memory_space<vmem>>
    %dma_start3A_350 = tpu.memref_squeeze %dma_start3A_349 : memref<1x32x768xf32, #tpu.memory_space<vmem>> -> memref<32x768xf32, #tpu.memory_space<vmem>>
    %dma_start3A_351 = arith.constant 0 : i32
    %dma_start3A_352 = tpu.memref_slice %arg6[%dma_start3A, %dma_start3A_351] : memref<2x32xi32, #tpu.memory_space<vmem>> -> memref<1x32xi32, #tpu.memory_space<vmem>>
    %dma_start3A_353 = tpu.memref_squeeze %dma_start3A_352 : memref<1x32xi32, #tpu.memory_space<vmem>> -> memref<32xi32, #tpu.memory_space<vmem>>
    %dma_start3A_354 = arith.constant 0 : i32
    %dma_start3A_355 = arith.constant 0 : i32
    %dma_start3A_356 = tpu.memref_slice %arg2[%dma_start3A_354, %dma_start3A_355] : memref<32768x768xf32, #tpu.memory_space<hbm>> -> memref<32768x768xf32, #tpu.memory_space<hbm>>
    tpu.enqueue_indirect_dma source(%dma_start3A_356 : memref<32768x768xf32, #tpu.memory_space<hbm>>) target(%dma_start3A_350 : memref<32x768xf32, #tpu.memory_space<vmem>>) offsets(%dma_start3A_353 : memref<32xi32, #tpu.memory_space<vmem>>) semaphore(%arg7 : memref<!tpu.dma_semaphore, #tpu.memory_space<semaphore_mem>>)
    %add3A_357 = arith.constant 32 : i32
    %add3A_358 = arith.addi %add3A_37, %add3A_357 : i32
    %add3A_359 = arith.constant 0 : i32
    %add3A_360 = arith.addi %add3A_358, %add3A_359 : i32
    %add3A_361 = vector.broadcast %add3A_360 : i32 to vector<16xi32>
    %add3A_362 = arith.addi %add3A_361, %iota3A : vector<16xi32>
    %swap3A_363 = arith.constant 1 : i32
    %swap3A_364 = arith.index_cast %swap3A_363 : i32 to index
    %swap3A_365 = arith.constant 0 : index
    %swap3A_366 = tpu.vector_load %arg6[%swap3A_364, %swap3A_365] {strides = array<i32>} : memref<2x32xi32, #tpu.memory_space<vmem>>, vector<1x16xi32>,
    %swap3A_367 = vector.shape_cast %swap3A_366 : vector<1x16xi32> to vector<16xi32>
    %swap3A_368 = vector.shape_cast %add3A_362 : vector<16xi32> to vector<1x16xi32>
    tpu.vector_store %arg6[%swap3A_364, %swap3A_365], %swap3A_368 {strides = array<i32>} : memref<2x32xi32, #tpu.memory_space<vmem>>, vector<1x16xi32>,
    %add3A_369 = arith.constant 16 : i32
    %add3A_370 = arith.addi %add3A_358, %add3A_369 : i32
    %add3A_371 = vector.broadcast %add3A_370 : i32 to vector<16xi32>
    %add3A_372 = arith.addi %add3A_371, %iota3A : vector<16xi32>
    %swap3A_373 = arith.constant 1 : i32
    %swap3A_374 = arith.index_cast %swap3A_373 : i32 to index
    %swap3A_375 = arith.constant 16 : index
    %swap3A_376 = tpu.vector_load %arg6[%swap3A_374, %swap3A_375] {strides = array<i32>} : memref<2x32xi32, #tpu.memory_space<vmem>>, vector<1x16xi32>,
    %swap3A_377 = vector.shape_cast %swap3A_376 : vector<1x16xi32> to vector<16xi32>
    %swap3A_378 = vector.shape_cast %add3A_372 : vector<16xi32> to vector<1x16xi32>
    tpu.vector_store %arg6[%swap3A_374, %swap3A_375], %swap3A_378 {strides = array<i32>} : memref<2x32xi32, #tpu.memory_space<vmem>>, vector<1x16xi32>,
    %dma_start3A_379 = arith.constant 1 : i32
    %dma_start3A_380 = arith.constant 1 : i32
    %dma_start3A_381 = arith.constant 0 : i32
    %dma_start3A_382 = arith.constant 0 : i32
    %dma_start3A_383 = tpu.memref_slice %arg4[%dma_start3A_380, %dma_start3A_381, %dma_start3A_382] : memref<2x32x768xf32, #tpu.memory_space<vmem>> -> memref<1x32x768xf32, #tpu.memory_space<vmem>>
    %dma_start3A_384 = tpu.memref_squeeze %dma_start3A_383 : memref<1x32x768xf32, #tpu.memory_space<vmem>> -> memref<32x768xf32, #tpu.memory_space<vmem>>
    %dma_start3A_385 = arith.constant 0 : i32
    %dma_start3A_386 = tpu.memref_slice %arg6[%dma_start3A_379, %dma_start3A_385] : memref<2x32xi32, #tpu.memory_space<vmem>> -> memref<1x32xi32, #tpu.memory_space<vmem>>
    %dma_start3A_387 = tpu.memref_squeeze %dma_start3A_386 : memref<1x32xi32, #tpu.memory_space<vmem>> -> memref<32xi32, #tpu.memory_space<vmem>>
    %dma_start3A_388 = arith.constant 0 : i32
    %dma_start3A_389 = arith.constant 0 : i32
    %dma_start3A_390 = tpu.memref_slice %arg2[%dma_start3A_388, %dma_start3A_389] : memref<32768x768xf32, #tpu.memory_space<hbm>> -> memref<32768x768xf32, #tpu.memory_space<hbm>>
    tpu.enqueue_indirect_dma source(%dma_start3A_390 : memref<32768x768xf32, #tpu.memory_space<hbm>>) target(%dma_start3A_384 : memref<32x768xf32, #tpu.memory_space<vmem>>) offsets(%dma_start3A_387 : memref<32xi32, #tpu.memory_space<vmem>>) semaphore(%arg8 : memref<!tpu.dma_semaphore, #tpu.memory_space<semaphore_mem>>)
    %dma_wait3A = arith.constant 0 : i32
    %dma_wait3A_391 = arith.constant 0 : i32
    %dma_wait3A_392 = arith.constant 0 : i32
    %dma_wait3A_393 = arith.constant 0 : i32
    %dma_wait3A_394 = tpu.memref_slice %arg4[%dma_wait3A_391, %dma_wait3A_392, %dma_wait3A_393] : memref<2x32x768xf32, #tpu.memory_space<vmem>> -> memref<1x32x768xf32, #tpu.memory_space<vmem>>
    %dma_wait3A_395 = tpu.memref_squeeze %dma_wait3A_394 : memref<1x32x768xf32, #tpu.memory_space<vmem>> -> memref<32x768xf32, #tpu.memory_space<vmem>>
    %dma_wait3A_396 = arith.constant 0 : i32
    %dma_wait3A_397 = tpu.memref_slice %arg6[%dma_wait3A, %dma_wait3A_396] : memref<2x32xi32, #tpu.memory_space<vmem>> -> memref<1x32xi32, #tpu.memory_space<vmem>>
    %dma_wait3A_398 = tpu.memref_squeeze %dma_wait3A_397 : memref<1x32xi32, #tpu.memory_space<vmem>> -> memref<32xi32, #tpu.memory_space<vmem>>
    %dma_wait3A_399 = arith.constant 0 : i32
    %dma_wait3A_400 = arith.constant 0 : i32
    %dma_wait3A_401 = tpu.memref_slice %arg2[%dma_wait3A_399, %dma_wait3A_400] : memref<32768x768xf32, #tpu.memory_space<hbm>> -> memref<32768x768xf32, #tpu.memory_space<hbm>>
    tpu.wait_indirect_dma semaphore(%arg7 : memref<!tpu.dma_semaphore, #tpu.memory_space<semaphore_mem>>) src(%dma_wait3A_401 : memref<32768x768xf32, #tpu.memory_space<hbm>>) dst(%dma_wait3A_395 : memref<32x768xf32, #tpu.memory_space<vmem>>)
    %broadcast_in_dim3A_402 = arith.constant 0.000000e+00 : f32
    %broadcast_in_dim3A_403 = vector.broadcast %broadcast_in_dim3A_402 : f32 to vector<16xf32>
    %broadcast_in_dim3A_404 = arith.constant 0.000000e+00 : f32
    %broadcast_in_dim3A_405 = vector.broadcast %broadcast_in_dim3A_404 : f32 to vector<16xf32>
    %broadcast_in_dim3A_406 = arith.constant 0.000000e+00 : f32
    %broadcast_in_dim3A_407 = vector.broadcast %broadcast_in_dim3A_406 : f32 to vector<16xf32>
    %broadcast_in_dim3A_408 = arith.constant 0.000000e+00 : f32
    %broadcast_in_dim3A_409 = vector.broadcast %broadcast_in_dim3A_408 : f32 to vector<16xf32>
    %broadcast_in_dim3A_410 = arith.constant 0.000000e+00 : f32
    %broadcast_in_dim3A_411 = vector.broadcast %broadcast_in_dim3A_410 : f32 to vector<16xf32>
    %broadcast_in_dim3A_412 = arith.constant 0.000000e+00 : f32
    %broadcast_in_dim3A_413 = vector.broadcast %broadcast_in_dim3A_412 : f32 to vector<16xf32>
    %broadcast_in_dim3A_414 = arith.constant 0.000000e+00 : f32
    %broadcast_in_dim3A_415 = vector.broadcast %broadcast_in_dim3A_414 : f32 to vector<16xf32>
    %broadcast_in_dim3A_416 = arith.constant 0.000000e+00 : f32
    %broadcast_in_dim3A_417 = vector.broadcast %broadcast_in_dim3A_416 : f32 to vector<16xf32>
    %broadcast_in_dim3A_418 = arith.constant 0.000000e+00 : f32
    %broadcast_in_dim3A_419 = vector.broadcast %broadcast_in_dim3A_418 : f32 to vector<16xf32>
    %broadcast_in_dim3A_420 = arith.constant 0.000000e+00 : f32
    %broadcast_in_dim3A_421 = vector.broadcast %broadcast_in_dim3A_420 : f32 to vector<16xf32>
    %broadcast_in_dim3A_422 = arith.constant 0.000000e+00 : f32
    %broadcast_in_dim3A_423 = vector.broadcast %broadcast_in_dim3A_422 : f32 to vector<16xf32>
    %broadcast_in_dim3A_424 = arith.constant 0.000000e+00 : f32
    %broadcast_in_dim3A_425 = vector.broadcast %broadcast_in_dim3A_424 : f32 to vector<16xf32>
    %broadcast_in_dim3A_426 = arith.constant 0.000000e+00 : f32
    %broadcast_in_dim3A_427 = vector.broadcast %broadcast_in_dim3A_426 : f32 to vector<16xf32>
    %broadcast_in_dim3A_428 = arith.constant 0.000000e+00 : f32
    %broadcast_in_dim3A_429 = vector.broadcast %broadcast_in_dim3A_428 : f32 to vector<16xf32>
    %broadcast_in_dim3A_430 = arith.constant 0.000000e+00 : f32
    %broadcast_in_dim3A_431 = vector.broadcast %broadcast_in_dim3A_430 : f32 to vector<16xf32>
    %broadcast_in_dim3A_432 = arith.constant 0.000000e+00 : f32
    %broadcast_in_dim3A_433 = vector.broadcast %broadcast_in_dim3A_432 : f32 to vector<16xf32>
    %broadcast_in_dim3A_434 = arith.constant 0.000000e+00 : f32
    %broadcast_in_dim3A_435 = vector.broadcast %broadcast_in_dim3A_434 : f32 to vector<16xf32>
    %broadcast_in_dim3A_436 = arith.constant 0.000000e+00 : f32
    %broadcast_in_dim3A_437 = vector.broadcast %broadcast_in_dim3A_436 : f32 to vector<16xf32>
    %broadcast_in_dim3A_438 = arith.constant 0.000000e+00 : f32
    %broadcast_in_dim3A_439 = vector.broadcast %broadcast_in_dim3A_438 : f32 to vector<16xf32>
    %broadcast_in_dim3A_440 = arith.constant 0.000000e+00 : f32
    %broadcast_in_dim3A_441 = vector.broadcast %broadcast_in_dim3A_440 : f32 to vector<16xf32>
    %broadcast_in_dim3A_442 = arith.constant 0.000000e+00 : f32
    %broadcast_in_dim3A_443 = vector.broadcast %broadcast_in_dim3A_442 : f32 to vector<16xf32>
    %broadcast_in_dim3A_444 = arith.constant 0.000000e+00 : f32
    %broadcast_in_dim3A_445 = vector.broadcast %broadcast_in_dim3A_444 : f32 to vector<16xf32>
    %broadcast_in_dim3A_446 = arith.constant 0.000000e+00 : f32
    %broadcast_in_dim3A_447 = vector.broadcast %broadcast_in_dim3A_446 : f32 to vector<16xf32>
    %broadcast_in_dim3A_448 = arith.constant 0.000000e+00 : f32
    %broadcast_in_dim3A_449 = vector.broadcast %broadcast_in_dim3A_448 : f32 to vector<16xf32>
    %scan3A = arith.constant 0 : i32
    %scan3A_450 = arith.constant 32 : i32
    %scan3A_451 = arith.addi %scan3A, %scan3A_450 : i32
    %scan3A_452 = arith.constant 1 : i32
    %scan3A_453:24 = scf.for %scan3A_1396 = %scan3A to %scan3A_451 step %scan3A_452 iter_args(%scan3A_1397 = %broadcast_in_dim3A_403, %scan3A_1398 = %broadcast_in_dim3A_405, %scan3A_1399 = %broadcast_in_dim3A_407, %scan3A_1400 = %broadcast_in_dim3A_409, %scan3A_1401 = %broadcast_in_dim3A_411, %scan3A_1402 = %broadcast_in_dim3A_413, %scan3A_1403 = %broadcast_in_dim3A_415, %scan3A_1404 = %broadcast_in_dim3A_417, %scan3A_1405 = %broadcast_in_dim3A_419, %scan3A_1406 = %broadcast_in_dim3A_421, %scan3A_1407 = %broadcast_in_dim3A_423, %scan3A_1408 = %broadcast_in_dim3A_425, %scan3A_1409 = %broadcast_in_dim3A_427, %scan3A_1410 = %broadcast_in_dim3A_429, %scan3A_1411 = %broadcast_in_dim3A_431, %scan3A_1412 = %broadcast_in_dim3A_433, %scan3A_1413 = %broadcast_in_dim3A_435, %scan3A_1414 = %broadcast_in_dim3A_437, %scan3A_1415 = %broadcast_in_dim3A_439, %scan3A_1416 = %broadcast_in_dim3A_441, %scan3A_1417 = %broadcast_in_dim3A_443, %scan3A_1418 = %broadcast_in_dim3A_445, %scan3A_1419 = %broadcast_in_dim3A_447, %scan3A_1420 = %broadcast_in_dim3A_449) -> (vector<16xf32>, vector<16xf32>, vector<16xf32>, vector<16xf32>, vector<16xf32>, vector<16xf32>, vector<16xf32>, vector<16xf32>, vector<16xf32>, vector<16xf32>, vector<16xf32>, vector<16xf32>, vector<16xf32>, vector<16xf32>, vector<16xf32>, vector<16xf32>, vector<16xf32>, vector<16xf32>, vector<16xf32>, vector<16xf32>, vector<16xf32>, vector<16xf32>, vector<16xf32>, vector<16xf32>)  : i32 {
      %get3A_1421 = arith.constant 0 : i32
      %get3A_1422 = arith.index_cast %get3A_1421 : i32 to index
      %get3A_1423 = arith.index_cast %scan3A_1396 : i32 to index
      %get3A_1424 = arith.constant 0 : index
      %get3A_1425 = tpu.vector_load %arg4[%get3A_1422, %get3A_1423, %get3A_1424] {strides = array<i32>} : memref<2x32x768xf32, #tpu.memory_space<vmem>>, vector<1x1x16xf32>,
      %get3A_1426 = vector.shape_cast %get3A_1425 : vector<1x1x16xf32> to vector<16xf32>
      %add3A_1427 = arith.addf %scan3A_1397, %get3A_1426 : vector<16xf32>
      %get3A_1428 = arith.constant 0 : i32
      %get3A_1429 = arith.index_cast %get3A_1428 : i32 to index
      %get3A_1430 = arith.index_cast %scan3A_1396 : i32 to index
      %get3A_1431 = arith.constant 16 : index
      %get3A_1432 = tpu.vector_load %arg4[%get3A_1429, %get3A_1430, %get3A_1431] {strides = array<i32>} : memref<2x32x768xf32, #tpu.memory_space<vmem>>, vector<1x1x16xf32>,
      %get3A_1433 = vector.shape_cast %get3A_1432 : vector<1x1x16xf32> to vector<16xf32>
      %add3A_1434 = arith.addf %scan3A_1398, %get3A_1433 : vector<16xf32>
      %get3A_1435 = arith.constant 0 : i32
      %get3A_1436 = arith.index_cast %get3A_1435 : i32 to index
      %get3A_1437 = arith.index_cast %scan3A_1396 : i32 to index
      %get3A_1438 = arith.constant 32 : index
      %get3A_1439 = tpu.vector_load %arg4[%get3A_1436, %get3A_1437, %get3A_1438] {strides = array<i32>} : memref<2x32x768xf32, #tpu.memory_space<vmem>>, vector<1x1x16xf32>,
      %get3A_1440 = vector.shape_cast %get3A_1439 : vector<1x1x16xf32> to vector<16xf32>
      %add3A_1441 = arith.addf %scan3A_1399, %get3A_1440 : vector<16xf32>
      %get3A_1442 = arith.constant 0 : i32
      %get3A_1443 = arith.index_cast %get3A_1442 : i32 to index
      %get3A_1444 = arith.index_cast %scan3A_1396 : i32 to index
      %get3A_1445 = arith.constant 48 : index
      %get3A_1446 = tpu.vector_load %arg4[%get3A_1443, %get3A_1444, %get3A_1445] {strides = array<i32>} : memref<2x32x768xf32, #tpu.memory_space<vmem>>, vector<1x1x16xf32>,
      %get3A_1447 = vector.shape_cast %get3A_1446 : vector<1x1x16xf32> to vector<16xf32>
      %add3A_1448 = arith.addf %scan3A_1400, %get3A_1447 : vector<16xf32>
      %get3A_1449 = arith.constant 0 : i32
      %get3A_1450 = arith.index_cast %get3A_1449 : i32 to index
      %get3A_1451 = arith.index_cast %scan3A_1396 : i32 to index
      %get3A_1452 = arith.constant 64 : index
      %get3A_1453 = tpu.vector_load %arg4[%get3A_1450, %get3A_1451, %get3A_1452] {strides = array<i32>} : memref<2x32x768xf32, #tpu.memory_space<vmem>>, vector<1x1x16xf32>,
      %get3A_1454 = vector.shape_cast %get3A_1453 : vector<1x1x16xf32> to vector<16xf32>
      %add3A_1455 = arith.addf %scan3A_1401, %get3A_1454 : vector<16xf32>
      %get3A_1456 = arith.constant 0 : i32
      %get3A_1457 = arith.index_cast %get3A_1456 : i32 to index
      %get3A_1458 = arith.index_cast %scan3A_1396 : i32 to index
      %get3A_1459 = arith.constant 80 : index
      %get3A_1460 = tpu.vector_load %arg4[%get3A_1457, %get3A_1458, %get3A_1459] {strides = array<i32>} : memref<2x32x768xf32, #tpu.memory_space<vmem>>, vector<1x1x16xf32>,
      %get3A_1461 = vector.shape_cast %get3A_1460 : vector<1x1x16xf32> to vector<16xf32>
      %add3A_1462 = arith.addf %scan3A_1402, %get3A_1461 : vector<16xf32>
      %get3A_1463 = arith.constant 0 : i32
      %get3A_1464 = arith.index_cast %get3A_1463 : i32 to index
      %get3A_1465 = arith.index_cast %scan3A_1396 : i32 to index
      %get3A_1466 = arith.constant 96 : index
      %get3A_1467 = tpu.vector_load %arg4[%get3A_1464, %get3A_1465, %get3A_1466] {strides = array<i32>} : memref<2x32x768xf32, #tpu.memory_space<vmem>>, vector<1x1x16xf32>,
      %get3A_1468 = vector.shape_cast %get3A_1467 : vector<1x1x16xf32> to vector<16xf32>
      %add3A_1469 = arith.addf %scan3A_1403, %get3A_1468 : vector<16xf32>
      %get3A_1470 = arith.constant 0 : i32
      %get3A_1471 = arith.index_cast %get3A_1470 : i32 to index
      %get3A_1472 = arith.index_cast %scan3A_1396 : i32 to index
      %get3A_1473 = arith.constant 112 : index
      %get3A_1474 = tpu.vector_load %arg4[%get3A_1471, %get3A_1472, %get3A_1473] {strides = array<i32>} : memref<2x32x768xf32, #tpu.memory_space<vmem>>, vector<1x1x16xf32>,
      %get3A_1475 = vector.shape_cast %get3A_1474 : vector<1x1x16xf32> to vector<16xf32>
      %add3A_1476 = arith.addf %scan3A_1404, %get3A_1475 : vector<16xf32>
      %get3A_1477 = arith.constant 0 : i32
      %get3A_1478 = arith.index_cast %get3A_1477 : i32 to index
      %get3A_1479 = arith.index_cast %scan3A_1396 : i32 to index
      %get3A_1480 = arith.constant 128 : index
      %get3A_1481 = tpu.vector_load %arg4[%get3A_1478, %get3A_1479, %get3A_1480] {strides = array<i32>} : memref<2x32x768xf32, #tpu.memory_space<vmem>>, vector<1x1x16xf32>,
      %get3A_1482 = vector.shape_cast %get3A_1481 : vector<1x1x16xf32> to vector<16xf32>
      %add3A_1483 = arith.addf %scan3A_1405, %get3A_1482 : vector<16xf32>
      %get3A_1484 = arith.constant 0 : i32
      %get3A_1485 = arith.index_cast %get3A_1484 : i32 to index
      %get3A_1486 = arith.index_cast %scan3A_1396 : i32 to index
      %get3A_1487 = arith.constant 144 : index
      %get3A_1488 = tpu.vector_load %arg4[%get3A_1485, %get3A_1486, %get3A_1487] {strides = array<i32>} : memref<2x32x768xf32, #tpu.memory_space<vmem>>, vector<1x1x16xf32>,
      %get3A_1489 = vector.shape_cast %get3A_1488 : vector<1x1x16xf32> to vector<16xf32>
      %add3A_1490 = arith.addf %scan3A_1406, %get3A_1489 : vector<16xf32>
      %get3A_1491 = arith.constant 0 : i32
      %get3A_1492 = arith.index_cast %get3A_1491 : i32 to index
      %get3A_1493 = arith.index_cast %scan3A_1396 : i32 to index
      %get3A_1494 = arith.constant 160 : index
      %get3A_1495 = tpu.vector_load %arg4[%get3A_1492, %get3A_1493, %get3A_1494] {strides = array<i32>} : memref<2x32x768xf32, #tpu.memory_space<vmem>>, vector<1x1x16xf32>,
      %get3A_1496 = vector.shape_cast %get3A_1495 : vector<1x1x16xf32> to vector<16xf32>
      %add3A_1497 = arith.addf %scan3A_1407, %get3A_1496 : vector<16xf32>
      %get3A_1498 = arith.constant 0 : i32
      %get3A_1499 = arith.index_cast %get3A_1498 : i32 to index
      %get3A_1500 = arith.index_cast %scan3A_1396 : i32 to index
      %get3A_1501 = arith.constant 176 : index
      %get3A_1502 = tpu.vector_load %arg4[%get3A_1499, %get3A_1500, %get3A_1501] {strides = array<i32>} : memref<2x32x768xf32, #tpu.memory_space<vmem>>, vector<1x1x16xf32>,
      %get3A_1503 = vector.shape_cast %get3A_1502 : vector<1x1x16xf32> to vector<16xf32>
      %add3A_1504 = arith.addf %scan3A_1408, %get3A_1503 : vector<16xf32>
      %get3A_1505 = arith.constant 0 : i32
      %get3A_1506 = arith.index_cast %get3A_1505 : i32 to index
      %get3A_1507 = arith.index_cast %scan3A_1396 : i32 to index
      %get3A_1508 = arith.constant 192 : index
      %get3A_1509 = tpu.vector_load %arg4[%get3A_1506, %get3A_1507, %get3A_1508] {strides = array<i32>} : memref<2x32x768xf32, #tpu.memory_space<vmem>>, vector<1x1x16xf32>,
      %get3A_1510 = vector.shape_cast %get3A_1509 : vector<1x1x16xf32> to vector<16xf32>
      %add3A_1511 = arith.addf %scan3A_1409, %get3A_1510 : vector<16xf32>
      %get3A_1512 = arith.constant 0 : i32
      %get3A_1513 = arith.index_cast %get3A_1512 : i32 to index
      %get3A_1514 = arith.index_cast %scan3A_1396 : i32 to index
      %get3A_1515 = arith.constant 208 : index
      %get3A_1516 = tpu.vector_load %arg4[%get3A_1513, %get3A_1514, %get3A_1515] {strides = array<i32>} : memref<2x32x768xf32, #tpu.memory_space<vmem>>, vector<1x1x16xf32>,
      %get3A_1517 = vector.shape_cast %get3A_1516 : vector<1x1x16xf32> to vector<16xf32>
      %add3A_1518 = arith.addf %scan3A_1410, %get3A_1517 : vector<16xf32>
      %get3A_1519 = arith.constant 0 : i32
      %get3A_1520 = arith.index_cast %get3A_1519 : i32 to index
      %get3A_1521 = arith.index_cast %scan3A_1396 : i32 to index
      %get3A_1522 = arith.constant 224 : index
      %get3A_1523 = tpu.vector_load %arg4[%get3A_1520, %get3A_1521, %get3A_1522] {strides = array<i32>} : memref<2x32x768xf32, #tpu.memory_space<vmem>>, vector<1x1x16xf32>,
      %get3A_1524 = vector.shape_cast %get3A_1523 : vector<1x1x16xf32> to vector<16xf32>
      %add3A_1525 = arith.addf %scan3A_1411, %get3A_1524 : vector<16xf32>
      %get3A_1526 = arith.constant 0 : i32
      %get3A_1527 = arith.index_cast %get3A_1526 : i32 to index
      %get3A_1528 = arith.index_cast %scan3A_1396 : i32 to index
      %get3A_1529 = arith.constant 240 : index
      %get3A_1530 = tpu.vector_load %arg4[%get3A_1527, %get3A_1528, %get3A_1529] {strides = array<i32>} : memref<2x32x768xf32, #tpu.memory_space<vmem>>, vector<1x1x16xf32>,
      %get3A_1531 = vector.shape_cast %get3A_1530 : vector<1x1x16xf32> to vector<16xf32>
      %add3A_1532 = arith.addf %scan3A_1412, %get3A_1531 : vector<16xf32>
      %get3A_1533 = arith.constant 0 : i32
      %get3A_1534 = arith.index_cast %get3A_1533 : i32 to index
      %get3A_1535 = arith.index_cast %scan3A_1396 : i32 to index
      %get3A_1536 = arith.constant 256 : index
      %get3A_1537 = tpu.vector_load %arg4[%get3A_1534, %get3A_1535, %get3A_1536] {strides = array<i32>} : memref<2x32x768xf32, #tpu.memory_space<vmem>>, vector<1x1x16xf32>,
      %get3A_1538 = vector.shape_cast %get3A_1537 : vector<1x1x16xf32> to vector<16xf32>
      %add3A_1539 = arith.addf %scan3A_1413, %get3A_1538 : vector<16xf32>
      %get3A_1540 = arith.constant 0 : i32
      %get3A_1541 = arith.index_cast %get3A_1540 : i32 to index
      %get3A_1542 = arith.index_cast %scan3A_1396 : i32 to index
      %get3A_1543 = arith.constant 272 : index
      %get3A_1544 = tpu.vector_load %arg4[%get3A_1541, %get3A_1542, %get3A_1543] {strides = array<i32>} : memref<2x32x768xf32, #tpu.memory_space<vmem>>, vector<1x1x16xf32>,
      %get3A_1545 = vector.shape_cast %get3A_1544 : vector<1x1x16xf32> to vector<16xf32>
      %add3A_1546 = arith.addf %scan3A_1414, %get3A_1545 : vector<16xf32>
      %get3A_1547 = arith.constant 0 : i32
      %get3A_1548 = arith.index_cast %get3A_1547 : i32 to index
      %get3A_1549 = arith.index_cast %scan3A_1396 : i32 to index
      %get3A_1550 = arith.constant 288 : index
      %get3A_1551 = tpu.vector_load %arg4[%get3A_1548, %get3A_1549, %get3A_1550] {strides = array<i32>} : memref<2x32x768xf32, #tpu.memory_space<vmem>>, vector<1x1x16xf32>,
      %get3A_1552 = vector.shape_cast %get3A_1551 : vector<1x1x16xf32> to vector<16xf32>
      %add3A_1553 = arith.addf %scan3A_1415, %get3A_1552 : vector<16xf32>
      %get3A_1554 = arith.constant 0 : i32
      %get3A_1555 = arith.index_cast %get3A_1554 : i32 to index
      %get3A_1556 = arith.index_cast %scan3A_1396 : i32 to index
      %get3A_1557 = arith.constant 304 : index
      %get3A_1558 = tpu.vector_load %arg4[%get3A_1555, %get3A_1556, %get3A_1557] {strides = array<i32>} : memref<2x32x768xf32, #tpu.memory_space<vmem>>, vector<1x1x16xf32>,
      %get3A_1559 = vector.shape_cast %get3A_1558 : vector<1x1x16xf32> to vector<16xf32>
      %add3A_1560 = arith.addf %scan3A_1416, %get3A_1559 : vector<16xf32>
      %get3A_1561 = arith.constant 0 : i32
      %get3A_1562 = arith.index_cast %get3A_1561 : i32 to index
      %get3A_1563 = arith.index_cast %scan3A_1396 : i32 to index
      %get3A_1564 = arith.constant 320 : index
      %get3A_1565 = tpu.vector_load %arg4[%get3A_1562, %get3A_1563, %get3A_1564] {strides = array<i32>} : memref<2x32x768xf32, #tpu.memory_space<vmem>>, vector<1x1x16xf32>,
      %get3A_1566 = vector.shape_cast %get3A_1565 : vector<1x1x16xf32> to vector<16xf32>
      %add3A_1567 = arith.addf %scan3A_1417, %get3A_1566 : vector<16xf32>
      %get3A_1568 = arith.constant 0 : i32
      %get3A_1569 = arith.index_cast %get3A_1568 : i32 to index
      %get3A_1570 = arith.index_cast %scan3A_1396 : i32 to index
      %get3A_1571 = arith.constant 336 : index
      %get3A_1572 = tpu.vector_load %arg4[%get3A_1569, %get3A_1570, %get3A_1571] {strides = array<i32>} : memref<2x32x768xf32, #tpu.memory_space<vmem>>, vector<1x1x16xf32>,
      %get3A_1573 = vector.shape_cast %get3A_1572 : vector<1x1x16xf32> to vector<16xf32>
      %add3A_1574 = arith.addf %scan3A_1418, %get3A_1573 : vector<16xf32>
      %get3A_1575 = arith.constant 0 : i32
      %get3A_1576 = arith.index_cast %get3A_1575 : i32 to index
      %get3A_1577 = arith.index_cast %scan3A_1396 : i32 to index
      %get3A_1578 = arith.constant 352 : index
      %get3A_1579 = tpu.vector_load %arg4[%get3A_1576, %get3A_1577, %get3A_1578] {strides = array<i32>} : memref<2x32x768xf32, #tpu.memory_space<vmem>>, vector<1x1x16xf32>,
      %get3A_1580 = vector.shape_cast %get3A_1579 : vector<1x1x16xf32> to vector<16xf32>
      %add3A_1581 = arith.addf %scan3A_1419, %get3A_1580 : vector<16xf32>
      %get3A_1582 = arith.constant 0 : i32
      %get3A_1583 = arith.index_cast %get3A_1582 : i32 to index
      %get3A_1584 = arith.index_cast %scan3A_1396 : i32 to index
      %get3A_1585 = arith.constant 368 : index
      %get3A_1586 = tpu.vector_load %arg4[%get3A_1583, %get3A_1584, %get3A_1585] {strides = array<i32>} : memref<2x32x768xf32, #tpu.memory_space<vmem>>, vector<1x1x16xf32>,
      %get3A_1587 = vector.shape_cast %get3A_1586 : vector<1x1x16xf32> to vector<16xf32>
      %add3A_1588 = arith.addf %scan3A_1420, %get3A_1587 : vector<16xf32>
      scf.yield %add3A_1427, %add3A_1434, %add3A_1441, %add3A_1448, %add3A_1455, %add3A_1462, %add3A_1469, %add3A_1476, %add3A_1483, %add3A_1490, %add3A_1497, %add3A_1504, %add3A_1511, %add3A_1518, %add3A_1525, %add3A_1532, %add3A_1539, %add3A_1546, %add3A_1553, %add3A_1560, %add3A_1567, %add3A_1574, %add3A_1581, %add3A_1588 : vector<16xf32>, vector<16xf32>, vector<16xf32>, vector<16xf32>, vector<16xf32>, vector<16xf32>, vector<16xf32>, vector<16xf32>, vector<16xf32>, vector<16xf32>, vector<16xf32>, vector<16xf32>, vector<16xf32>, vector<16xf32>, vector<16xf32>, vector<16xf32>, vector<16xf32>, vector<16xf32>, vector<16xf32>, vector<16xf32>, vector<16xf32>, vector<16xf32>, vector<16xf32>, vector<16xf32>
    }
    %scan3A_454 = arith.constant 32 : i32
    %get3A = arith.constant 0 : index
    %get3A_455 = tpu.vector_load %arg5[%get3A] {strides = array<i32>} : memref<768xf32, #tpu.memory_space<vmem>>, vector<16xf32>,
    %get3A_456 = vector.shape_cast %get3A_455 : vector<16xf32> to vector<16xf32>
    %add3A_457 = arith.addf %get3A_456, %scan3A_453#0 : vector<16xf32>
    %swap3A_458 = arith.constant 0 : index
    %swap3A_459 = tpu.vector_load %arg5[%swap3A_458] {strides = array<i32>} : memref<768xf32, #tpu.memory_space<vmem>>, vector<16xf32>,
    %swap3A_460 = vector.shape_cast %swap3A_459 : vector<16xf32> to vector<16xf32>
    %swap3A_461 = vector.shape_cast %add3A_457 : vector<16xf32> to vector<16xf32>
    tpu.vector_store %arg5[%swap3A_458], %swap3A_461 {strides = array<i32>} : memref<768xf32, #tpu.memory_space<vmem>>, vector<16xf32>,
    %get3A_462 = arith.constant 16 : index
    %get3A_463 = tpu.vector_load %arg5[%get3A_462] {strides = array<i32>} : memref<768xf32, #tpu.memory_space<vmem>>, vector<16xf32>,
    %get3A_464 = vector.shape_cast %get3A_463 : vector<16xf32> to vector<16xf32>
    %add3A_465 = arith.addf %get3A_464, %scan3A_453#1 : vector<16xf32>
    %swap3A_466 = arith.constant 16 : index
    %swap3A_467 = tpu.vector_load %arg5[%swap3A_466] {strides = array<i32>} : memref<768xf32, #tpu.memory_space<vmem>>, vector<16xf32>,
    %swap3A_468 = vector.shape_cast %swap3A_467 : vector<16xf32> to vector<16xf32>
    %swap3A_469 = vector.shape_cast %add3A_465 : vector<16xf32> to vector<16xf32>
    tpu.vector_store %arg5[%swap3A_466], %swap3A_469 {strides = array<i32>} : memref<768xf32, #tpu.memory_space<vmem>>, vector<16xf32>,
    %get3A_470 = arith.constant 32 : index
    %get3A_471 = tpu.vector_load %arg5[%get3A_470] {strides = array<i32>} : memref<768xf32, #tpu.memory_space<vmem>>, vector<16xf32>,
    %get3A_472 = vector.shape_cast %get3A_471 : vector<16xf32> to vector<16xf32>
    %add3A_473 = arith.addf %get3A_472, %scan3A_453#2 : vector<16xf32>
    %swap3A_474 = arith.constant 32 : index
    %swap3A_475 = tpu.vector_load %arg5[%swap3A_474] {strides = array<i32>} : memref<768xf32, #tpu.memory_space<vmem>>, vector<16xf32>,
    %swap3A_476 = vector.shape_cast %swap3A_475 : vector<16xf32> to vector<16xf32>
    %swap3A_477 = vector.shape_cast %add3A_473 : vector<16xf32> to vector<16xf32>
    tpu.vector_store %arg5[%swap3A_474], %swap3A_477 {strides = array<i32>} : memref<768xf32, #tpu.memory_space<vmem>>, vector<16xf32>,
    %get3A_478 = arith.constant 48 : index
    %get3A_479 = tpu.vector_load %arg5[%get3A_478] {strides = array<i32>} : memref<768xf32, #tpu.memory_space<vmem>>, vector<16xf32>,
    %get3A_480 = vector.shape_cast %get3A_479 : vector<16xf32> to vector<16xf32>
    %add3A_481 = arith.addf %get3A_480, %scan3A_453#3 : vector<16xf32>
    %swap3A_482 = arith.constant 48 : index
    %swap3A_483 = tpu.vector_load %arg5[%swap3A_482] {strides = array<i32>} : memref<768xf32, #tpu.memory_space<vmem>>, vector<16xf32>,
    %swap3A_484 = vector.shape_cast %swap3A_483 : vector<16xf32> to vector<16xf32>
    %swap3A_485 = vector.shape_cast %add3A_481 : vector<16xf32> to vector<16xf32>
    tpu.vector_store %arg5[%swap3A_482], %swap3A_485 {strides = array<i32>} : memref<768xf32, #tpu.memory_space<vmem>>, vector<16xf32>,
    %get3A_486 = arith.constant 64 : index
    %get3A_487 = tpu.vector_load %arg5[%get3A_486] {strides = array<i32>} : memref<768xf32, #tpu.memory_space<vmem>>, vector<16xf32>,
    %get3A_488 = vector.shape_cast %get3A_487 : vector<16xf32> to vector<16xf32>
    %add3A_489 = arith.addf %get3A_488, %scan3A_453#4 : vector<16xf32>
    %swap3A_490 = arith.constant 64 : index
    %swap3A_491 = tpu.vector_load %arg5[%swap3A_490] {strides = array<i32>} : memref<768xf32, #tpu.memory_space<vmem>>, vector<16xf32>,
    %swap3A_492 = vector.shape_cast %swap3A_491 : vector<16xf32> to vector<16xf32>
    %swap3A_493 = vector.shape_cast %add3A_489 : vector<16xf32> to vector<16xf32>
    tpu.vector_store %arg5[%swap3A_490], %swap3A_493 {strides = array<i32>} : memref<768xf32, #tpu.memory_space<vmem>>, vector<16xf32>,
    %get3A_494 = arith.constant 80 : index
    %get3A_495 = tpu.vector_load %arg5[%get3A_494] {strides = array<i32>} : memref<768xf32, #tpu.memory_space<vmem>>, vector<16xf32>,
    %get3A_496 = vector.shape_cast %get3A_495 : vector<16xf32> to vector<16xf32>
    %add3A_497 = arith.addf %get3A_496, %scan3A_453#5 : vector<16xf32>
    %swap3A_498 = arith.constant 80 : index
    %swap3A_499 = tpu.vector_load %arg5[%swap3A_498] {strides = array<i32>} : memref<768xf32, #tpu.memory_space<vmem>>, vector<16xf32>,
    %swap3A_500 = vector.shape_cast %swap3A_499 : vector<16xf32> to vector<16xf32>
    %swap3A_501 = vector.shape_cast %add3A_497 : vector<16xf32> to vector<16xf32>
    tpu.vector_store %arg5[%swap3A_498], %swap3A_501 {strides = array<i32>} : memref<768xf32, #tpu.memory_space<vmem>>, vector<16xf32>,
    %get3A_502 = arith.constant 96 : index
    %get3A_503 = tpu.vector_load %arg5[%get3A_502] {strides = array<i32>} : memref<768xf32, #tpu.memory_space<vmem>>, vector<16xf32>,
    %get3A_504 = vector.shape_cast %get3A_503 : vector<16xf32> to vector<16xf32>
    %add3A_505 = arith.addf %get3A_504, %scan3A_453#6 : vector<16xf32>
    %swap3A_506 = arith.constant 96 : index
    %swap3A_507 = tpu.vector_load %arg5[%swap3A_506] {strides = array<i32>} : memref<768xf32, #tpu.memory_space<vmem>>, vector<16xf32>,
    %swap3A_508 = vector.shape_cast %swap3A_507 : vector<16xf32> to vector<16xf32>
    %swap3A_509 = vector.shape_cast %add3A_505 : vector<16xf32> to vector<16xf32>
    tpu.vector_store %arg5[%swap3A_506], %swap3A_509 {strides = array<i32>} : memref<768xf32, #tpu.memory_space<vmem>>, vector<16xf32>,
    %get3A_510 = arith.constant 112 : index
    %get3A_511 = tpu.vector_load %arg5[%get3A_510] {strides = array<i32>} : memref<768xf32, #tpu.memory_space<vmem>>, vector<16xf32>,
    %get3A_512 = vector.shape_cast %get3A_511 : vector<16xf32> to vector<16xf32>
    %add3A_513 = arith.addf %get3A_512, %scan3A_453#7 : vector<16xf32>
    %swap3A_514 = arith.constant 112 : index
    %swap3A_515 = tpu.vector_load %arg5[%swap3A_514] {strides = array<i32>} : memref<768xf32, #tpu.memory_space<vmem>>, vector<16xf32>,
    %swap3A_516 = vector.shape_cast %swap3A_515 : vector<16xf32> to vector<16xf32>
    %swap3A_517 = vector.shape_cast %add3A_513 : vector<16xf32> to vector<16xf32>
    tpu.vector_store %arg5[%swap3A_514], %swap3A_517 {strides = array<i32>} : memref<768xf32, #tpu.memory_space<vmem>>, vector<16xf32>,
    %get3A_518 = arith.constant 128 : index
    %get3A_519 = tpu.vector_load %arg5[%get3A_518] {strides = array<i32>} : memref<768xf32, #tpu.memory_space<vmem>>, vector<16xf32>,
    %get3A_520 = vector.shape_cast %get3A_519 : vector<16xf32> to vector<16xf32>
    %add3A_521 = arith.addf %get3A_520, %scan3A_453#8 : vector<16xf32>
    %swap3A_522 = arith.constant 128 : index
    %swap3A_523 = tpu.vector_load %arg5[%swap3A_522] {strides = array<i32>} : memref<768xf32, #tpu.memory_space<vmem>>, vector<16xf32>,
    %swap3A_524 = vector.shape_cast %swap3A_523 : vector<16xf32> to vector<16xf32>
    %swap3A_525 = vector.shape_cast %add3A_521 : vector<16xf32> to vector<16xf32>
    tpu.vector_store %arg5[%swap3A_522], %swap3A_525 {strides = array<i32>} : memref<768xf32, #tpu.memory_space<vmem>>, vector<16xf32>,
    %get3A_526 = arith.constant 144 : index
    %get3A_527 = tpu.vector_load %arg5[%get3A_526] {strides = array<i32>} : memref<768xf32, #tpu.memory_space<vmem>>, vector<16xf32>,
    %get3A_528 = vector.shape_cast %get3A_527 : vector<16xf32> to vector<16xf32>
    %add3A_529 = arith.addf %get3A_528, %scan3A_453#9 : vector<16xf32>
    %swap3A_530 = arith.constant 144 : index
    %swap3A_531 = tpu.vector_load %arg5[%swap3A_530] {strides = array<i32>} : memref<768xf32, #tpu.memory_space<vmem>>, vector<16xf32>,
    %swap3A_532 = vector.shape_cast %swap3A_531 : vector<16xf32> to vector<16xf32>
    %swap3A_533 = vector.shape_cast %add3A_529 : vector<16xf32> to vector<16xf32>
    tpu.vector_store %arg5[%swap3A_530], %swap3A_533 {strides = array<i32>} : memref<768xf32, #tpu.memory_space<vmem>>, vector<16xf32>,
    %get3A_534 = arith.constant 160 : index
    %get3A_535 = tpu.vector_load %arg5[%get3A_534] {strides = array<i32>} : memref<768xf32, #tpu.memory_space<vmem>>, vector<16xf32>,
    %get3A_536 = vector.shape_cast %get3A_535 : vector<16xf32> to vector<16xf32>
    %add3A_537 = arith.addf %get3A_536, %scan3A_453#10 : vector<16xf32>
    %swap3A_538 = arith.constant 160 : index
    %swap3A_539 = tpu.vector_load %arg5[%swap3A_538] {strides = array<i32>} : memref<768xf32, #tpu.memory_space<vmem>>, vector<16xf32>,
    %swap3A_540 = vector.shape_cast %swap3A_539 : vector<16xf32> to vector<16xf32>
    %swap3A_541 = vector.shape_cast %add3A_537 : vector<16xf32> to vector<16xf32>
    tpu.vector_store %arg5[%swap3A_538], %swap3A_541 {strides = array<i32>} : memref<768xf32, #tpu.memory_space<vmem>>, vector<16xf32>,
    %get3A_542 = arith.constant 176 : index
    %get3A_543 = tpu.vector_load %arg5[%get3A_542] {strides = array<i32>} : memref<768xf32, #tpu.memory_space<vmem>>, vector<16xf32>,
    %get3A_544 = vector.shape_cast %get3A_543 : vector<16xf32> to vector<16xf32>
    %add3A_545 = arith.addf %get3A_544, %scan3A_453#11 : vector<16xf32>
    %swap3A_546 = arith.constant 176 : index
    %swap3A_547 = tpu.vector_load %arg5[%swap3A_546] {strides = array<i32>} : memref<768xf32, #tpu.memory_space<vmem>>, vector<16xf32>,
    %swap3A_548 = vector.shape_cast %swap3A_547 : vector<16xf32> to vector<16xf32>
    %swap3A_549 = vector.shape_cast %add3A_545 : vector<16xf32> to vector<16xf32>
    tpu.vector_store %arg5[%swap3A_546], %swap3A_549 {strides = array<i32>} : memref<768xf32, #tpu.memory_space<vmem>>, vector<16xf32>,
    %get3A_550 = arith.constant 192 : index
    %get3A_551 = tpu.vector_load %arg5[%get3A_550] {strides = array<i32>} : memref<768xf32, #tpu.memory_space<vmem>>, vector<16xf32>,
    %get3A_552 = vector.shape_cast %get3A_551 : vector<16xf32> to vector<16xf32>
    %add3A_553 = arith.addf %get3A_552, %scan3A_453#12 : vector<16xf32>
    %swap3A_554 = arith.constant 192 : index
    %swap3A_555 = tpu.vector_load %arg5[%swap3A_554] {strides = array<i32>} : memref<768xf32, #tpu.memory_space<vmem>>, vector<16xf32>,
    %swap3A_556 = vector.shape_cast %swap3A_555 : vector<16xf32> to vector<16xf32>
    %swap3A_557 = vector.shape_cast %add3A_553 : vector<16xf32> to vector<16xf32>
    tpu.vector_store %arg5[%swap3A_554], %swap3A_557 {strides = array<i32>} : memref<768xf32, #tpu.memory_space<vmem>>, vector<16xf32>,
    %get3A_558 = arith.constant 208 : index
    %get3A_559 = tpu.vector_load %arg5[%get3A_558] {strides = array<i32>} : memref<768xf32, #tpu.memory_space<vmem>>, vector<16xf32>,
    %get3A_560 = vector.shape_cast %get3A_559 : vector<16xf32> to vector<16xf32>
    %add3A_561 = arith.addf %get3A_560, %scan3A_453#13 : vector<16xf32>
    %swap3A_562 = arith.constant 208 : index
    %swap3A_563 = tpu.vector_load %arg5[%swap3A_562] {strides = array<i32>} : memref<768xf32, #tpu.memory_space<vmem>>, vector<16xf32>,
    %swap3A_564 = vector.shape_cast %swap3A_563 : vector<16xf32> to vector<16xf32>
    %swap3A_565 = vector.shape_cast %add3A_561 : vector<16xf32> to vector<16xf32>
    tpu.vector_store %arg5[%swap3A_562], %swap3A_565 {strides = array<i32>} : memref<768xf32, #tpu.memory_space<vmem>>, vector<16xf32>,
    %get3A_566 = arith.constant 224 : index
    %get3A_567 = tpu.vector_load %arg5[%get3A_566] {strides = array<i32>} : memref<768xf32, #tpu.memory_space<vmem>>, vector<16xf32>,
    %get3A_568 = vector.shape_cast %get3A_567 : vector<16xf32> to vector<16xf32>
    %add3A_569 = arith.addf %get3A_568, %scan3A_453#14 : vector<16xf32>
    %swap3A_570 = arith.constant 224 : index
    %swap3A_571 = tpu.vector_load %arg5[%swap3A_570] {strides = array<i32>} : memref<768xf32, #tpu.memory_space<vmem>>, vector<16xf32>,
    %swap3A_572 = vector.shape_cast %swap3A_571 : vector<16xf32> to vector<16xf32>
    %swap3A_573 = vector.shape_cast %add3A_569 : vector<16xf32> to vector<16xf32>
    tpu.vector_store %arg5[%swap3A_570], %swap3A_573 {strides = array<i32>} : memref<768xf32, #tpu.memory_space<vmem>>, vector<16xf32>,
    %get3A_574 = arith.constant 240 : index
    %get3A_575 = tpu.vector_load %arg5[%get3A_574] {strides = array<i32>} : memref<768xf32, #tpu.memory_space<vmem>>, vector<16xf32>,
    %get3A_576 = vector.shape_cast %get3A_575 : vector<16xf32> to vector<16xf32>
    %add3A_577 = arith.addf %get3A_576, %scan3A_453#15 : vector<16xf32>
    %swap3A_578 = arith.constant 240 : index
    %swap3A_579 = tpu.vector_load %arg5[%swap3A_578] {strides = array<i32>} : memref<768xf32, #tpu.memory_space<vmem>>, vector<16xf32>,
    %swap3A_580 = vector.shape_cast %swap3A_579 : vector<16xf32> to vector<16xf32>
    %swap3A_581 = vector.shape_cast %add3A_577 : vector<16xf32> to vector<16xf32>
    tpu.vector_store %arg5[%swap3A_578], %swap3A_581 {strides = array<i32>} : memref<768xf32, #tpu.memory_space<vmem>>, vector<16xf32>,
    %get3A_582 = arith.constant 256 : index
    %get3A_583 = tpu.vector_load %arg5[%get3A_582] {strides = array<i32>} : memref<768xf32, #tpu.memory_space<vmem>>, vector<16xf32>,
    %get3A_584 = vector.shape_cast %get3A_583 : vector<16xf32> to vector<16xf32>
    %add3A_585 = arith.addf %get3A_584, %scan3A_453#16 : vector<16xf32>
    %swap3A_586 = arith.constant 256 : index
    %swap3A_587 = tpu.vector_load %arg5[%swap3A_586] {strides = array<i32>} : memref<768xf32, #tpu.memory_space<vmem>>, vector<16xf32>,
    %swap3A_588 = vector.shape_cast %swap3A_587 : vector<16xf32> to vector<16xf32>
    %swap3A_589 = vector.shape_cast %add3A_585 : vector<16xf32> to vector<16xf32>
    tpu.vector_store %arg5[%swap3A_586], %swap3A_589 {strides = array<i32>} : memref<768xf32, #tpu.memory_space<vmem>>, vector<16xf32>,
    %get3A_590 = arith.constant 272 : index
    %get3A_591 = tpu.vector_load %arg5[%get3A_590] {strides = array<i32>} : memref<768xf32, #tpu.memory_space<vmem>>, vector<16xf32>,
    %get3A_592 = vector.shape_cast %get3A_591 : vector<16xf32> to vector<16xf32>
    %add3A_593 = arith.addf %get3A_592, %scan3A_453#17 : vector<16xf32>
    %swap3A_594 = arith.constant 272 : index
    %swap3A_595 = tpu.vector_load %arg5[%swap3A_594] {strides = array<i32>} : memref<768xf32, #tpu.memory_space<vmem>>, vector<16xf32>,
    %swap3A_596 = vector.shape_cast %swap3A_595 : vector<16xf32> to vector<16xf32>
    %swap3A_597 = vector.shape_cast %add3A_593 : vector<16xf32> to vector<16xf32>
    tpu.vector_store %arg5[%swap3A_594], %swap3A_597 {strides = array<i32>} : memref<768xf32, #tpu.memory_space<vmem>>, vector<16xf32>,
    %get3A_598 = arith.constant 288 : index
    %get3A_599 = tpu.vector_load %arg5[%get3A_598] {strides = array<i32>} : memref<768xf32, #tpu.memory_space<vmem>>, vector<16xf32>,
    %get3A_600 = vector.shape_cast %get3A_599 : vector<16xf32> to vector<16xf32>
    %add3A_601 = arith.addf %get3A_600, %scan3A_453#18 : vector<16xf32>
    %swap3A_602 = arith.constant 288 : index
    %swap3A_603 = tpu.vector_load %arg5[%swap3A_602] {strides = array<i32>} : memref<768xf32, #tpu.memory_space<vmem>>, vector<16xf32>,
    %swap3A_604 = vector.shape_cast %swap3A_603 : vector<16xf32> to vector<16xf32>
    %swap3A_605 = vector.shape_cast %add3A_601 : vector<16xf32> to vector<16xf32>
    tpu.vector_store %arg5[%swap3A_602], %swap3A_605 {strides = array<i32>} : memref<768xf32, #tpu.memory_space<vmem>>, vector<16xf32>,
    %get3A_606 = arith.constant 304 : index
    %get3A_607 = tpu.vector_load %arg5[%get3A_606] {strides = array<i32>} : memref<768xf32, #tpu.memory_space<vmem>>, vector<16xf32>,
    %get3A_608 = vector.shape_cast %get3A_607 : vector<16xf32> to vector<16xf32>
    %add3A_609 = arith.addf %get3A_608, %scan3A_453#19 : vector<16xf32>
    %swap3A_610 = arith.constant 304 : index
    %swap3A_611 = tpu.vector_load %arg5[%swap3A_610] {strides = array<i32>} : memref<768xf32, #tpu.memory_space<vmem>>, vector<16xf32>,
    %swap3A_612 = vector.shape_cast %swap3A_611 : vector<16xf32> to vector<16xf32>
    %swap3A_613 = vector.shape_cast %add3A_609 : vector<16xf32> to vector<16xf32>
    tpu.vector_store %arg5[%swap3A_610], %swap3A_613 {strides = array<i32>} : memref<768xf32, #tpu.memory_space<vmem>>, vector<16xf32>,
    %get3A_614 = arith.constant 320 : index
    %get3A_615 = tpu.vector_load %arg5[%get3A_614] {strides = array<i32>} : memref<768xf32, #tpu.memory_space<vmem>>, vector<16xf32>,
    %get3A_616 = vector.shape_cast %get3A_615 : vector<16xf32> to vector<16xf32>
    %add3A_617 = arith.addf %get3A_616, %scan3A_453#20 : vector<16xf32>
    %swap3A_618 = arith.constant 320 : index
    %swap3A_619 = tpu.vector_load %arg5[%swap3A_618] {strides = array<i32>} : memref<768xf32, #tpu.memory_space<vmem>>, vector<16xf32>,
    %swap3A_620 = vector.shape_cast %swap3A_619 : vector<16xf32> to vector<16xf32>
    %swap3A_621 = vector.shape_cast %add3A_617 : vector<16xf32> to vector<16xf32>
    tpu.vector_store %arg5[%swap3A_618], %swap3A_621 {strides = array<i32>} : memref<768xf32, #tpu.memory_space<vmem>>, vector<16xf32>,
    %get3A_622 = arith.constant 336 : index
    %get3A_623 = tpu.vector_load %arg5[%get3A_622] {strides = array<i32>} : memref<768xf32, #tpu.memory_space<vmem>>, vector<16xf32>,
    %get3A_624 = vector.shape_cast %get3A_623 : vector<16xf32> to vector<16xf32>
    %add3A_625 = arith.addf %get3A_624, %scan3A_453#21 : vector<16xf32>
    %swap3A_626 = arith.constant 336 : index
    %swap3A_627 = tpu.vector_load %arg5[%swap3A_626] {strides = array<i32>} : memref<768xf32, #tpu.memory_space<vmem>>, vector<16xf32>,
    %swap3A_628 = vector.shape_cast %swap3A_627 : vector<16xf32> to vector<16xf32>
    %swap3A_629 = vector.shape_cast %add3A_625 : vector<16xf32> to vector<16xf32>
    tpu.vector_store %arg5[%swap3A_626], %swap3A_629 {strides = array<i32>} : memref<768xf32, #tpu.memory_space<vmem>>, vector<16xf32>,
    %get3A_630 = arith.constant 352 : index
    %get3A_631 = tpu.vector_load %arg5[%get3A_630] {strides = array<i32>} : memref<768xf32, #tpu.memory_space<vmem>>, vector<16xf32>,
    %get3A_632 = vector.shape_cast %get3A_631 : vector<16xf32> to vector<16xf32>
    %add3A_633 = arith.addf %get3A_632, %scan3A_453#22 : vector<16xf32>
    %swap3A_634 = arith.constant 352 : index
    %swap3A_635 = tpu.vector_load %arg5[%swap3A_634] {strides = array<i32>} : memref<768xf32, #tpu.memory_space<vmem>>, vector<16xf32>,
    %swap3A_636 = vector.shape_cast %swap3A_635 : vector<16xf32> to vector<16xf32>
    %swap3A_637 = vector.shape_cast %add3A_633 : vector<16xf32> to vector<16xf32>
    tpu.vector_store %arg5[%swap3A_634], %swap3A_637 {strides = array<i32>} : memref<768xf32, #tpu.memory_space<vmem>>, vector<16xf32>,
    %get3A_638 = arith.constant 368 : index
    %get3A_639 = tpu.vector_load %arg5[%get3A_638] {strides = array<i32>} : memref<768xf32, #tpu.memory_space<vmem>>, vector<16xf32>,
    %get3A_640 = vector.shape_cast %get3A_639 : vector<16xf32> to vector<16xf32>
    %add3A_641 = arith.addf %get3A_640, %scan3A_453#23 : vector<16xf32>
    %swap3A_642 = arith.constant 368 : index
    %swap3A_643 = tpu.vector_load %arg5[%swap3A_642] {strides = array<i32>} : memref<768xf32, #tpu.memory_space<vmem>>, vector<16xf32>,
    %swap3A_644 = vector.shape_cast %swap3A_643 : vector<16xf32> to vector<16xf32>
    %swap3A_645 = vector.shape_cast %add3A_641 : vector<16xf32> to vector<16xf32>
    tpu.vector_store %arg5[%swap3A_642], %swap3A_645 {strides = array<i32>} : memref<768xf32, #tpu.memory_space<vmem>>, vector<16xf32>,
    %broadcast_in_dim3A_646 = arith.constant 0.000000e+00 : f32
    %broadcast_in_dim3A_647 = vector.broadcast %broadcast_in_dim3A_646 : f32 to vector<16xf32>
    %broadcast_in_dim3A_648 = arith.constant 0.000000e+00 : f32
    %broadcast_in_dim3A_649 = vector.broadcast %broadcast_in_dim3A_648 : f32 to vector<16xf32>
    %broadcast_in_dim3A_650 = arith.constant 0.000000e+00 : f32
    %broadcast_in_dim3A_651 = vector.broadcast %broadcast_in_dim3A_650 : f32 to vector<16xf32>
    %broadcast_in_dim3A_652 = arith.constant 0.000000e+00 : f32
    %broadcast_in_dim3A_653 = vector.broadcast %broadcast_in_dim3A_652 : f32 to vector<16xf32>
    %broadcast_in_dim3A_654 = arith.constant 0.000000e+00 : f32
    %broadcast_in_dim3A_655 = vector.broadcast %broadcast_in_dim3A_654 : f32 to vector<16xf32>
    %broadcast_in_dim3A_656 = arith.constant 0.000000e+00 : f32
    %broadcast_in_dim3A_657 = vector.broadcast %broadcast_in_dim3A_656 : f32 to vector<16xf32>
    %broadcast_in_dim3A_658 = arith.constant 0.000000e+00 : f32
    %broadcast_in_dim3A_659 = vector.broadcast %broadcast_in_dim3A_658 : f32 to vector<16xf32>
    %broadcast_in_dim3A_660 = arith.constant 0.000000e+00 : f32
    %broadcast_in_dim3A_661 = vector.broadcast %broadcast_in_dim3A_660 : f32 to vector<16xf32>
    %broadcast_in_dim3A_662 = arith.constant 0.000000e+00 : f32
    %broadcast_in_dim3A_663 = vector.broadcast %broadcast_in_dim3A_662 : f32 to vector<16xf32>
    %broadcast_in_dim3A_664 = arith.constant 0.000000e+00 : f32
    %broadcast_in_dim3A_665 = vector.broadcast %broadcast_in_dim3A_664 : f32 to vector<16xf32>
    %broadcast_in_dim3A_666 = arith.constant 0.000000e+00 : f32
    %broadcast_in_dim3A_667 = vector.broadcast %broadcast_in_dim3A_666 : f32 to vector<16xf32>
    %broadcast_in_dim3A_668 = arith.constant 0.000000e+00 : f32
    %broadcast_in_dim3A_669 = vector.broadcast %broadcast_in_dim3A_668 : f32 to vector<16xf32>
    %broadcast_in_dim3A_670 = arith.constant 0.000000e+00 : f32
    %broadcast_in_dim3A_671 = vector.broadcast %broadcast_in_dim3A_670 : f32 to vector<16xf32>
    %broadcast_in_dim3A_672 = arith.constant 0.000000e+00 : f32
    %broadcast_in_dim3A_673 = vector.broadcast %broadcast_in_dim3A_672 : f32 to vector<16xf32>
    %broadcast_in_dim3A_674 = arith.constant 0.000000e+00 : f32
    %broadcast_in_dim3A_675 = vector.broadcast %broadcast_in_dim3A_674 : f32 to vector<16xf32>
    %broadcast_in_dim3A_676 = arith.constant 0.000000e+00 : f32
    %broadcast_in_dim3A_677 = vector.broadcast %broadcast_in_dim3A_676 : f32 to vector<16xf32>
    %broadcast_in_dim3A_678 = arith.constant 0.000000e+00 : f32
    %broadcast_in_dim3A_679 = vector.broadcast %broadcast_in_dim3A_678 : f32 to vector<16xf32>
    %broadcast_in_dim3A_680 = arith.constant 0.000000e+00 : f32
    %broadcast_in_dim3A_681 = vector.broadcast %broadcast_in_dim3A_680 : f32 to vector<16xf32>
    %broadcast_in_dim3A_682 = arith.constant 0.000000e+00 : f32
    %broadcast_in_dim3A_683 = vector.broadcast %broadcast_in_dim3A_682 : f32 to vector<16xf32>
    %broadcast_in_dim3A_684 = arith.constant 0.000000e+00 : f32
    %broadcast_in_dim3A_685 = vector.broadcast %broadcast_in_dim3A_684 : f32 to vector<16xf32>
    %broadcast_in_dim3A_686 = arith.constant 0.000000e+00 : f32
    %broadcast_in_dim3A_687 = vector.broadcast %broadcast_in_dim3A_686 : f32 to vector<16xf32>
    %broadcast_in_dim3A_688 = arith.constant 0.000000e+00 : f32
    %broadcast_in_dim3A_689 = vector.broadcast %broadcast_in_dim3A_688 : f32 to vector<16xf32>
    %broadcast_in_dim3A_690 = arith.constant 0.000000e+00 : f32
    %broadcast_in_dim3A_691 = vector.broadcast %broadcast_in_dim3A_690 : f32 to vector<16xf32>
    %broadcast_in_dim3A_692 = arith.constant 0.000000e+00 : f32
    %broadcast_in_dim3A_693 = vector.broadcast %broadcast_in_dim3A_692 : f32 to vector<16xf32>
    %scan3A_694 = arith.constant 0 : i32
    %scan3A_695 = arith.constant 32 : i32
    %scan3A_696 = arith.addi %scan3A_694, %scan3A_695 : i32
    %scan3A_697 = arith.constant 1 : i32
    %scan3A_698:24 = scf.for %scan3A_1396 = %scan3A_694 to %scan3A_696 step %scan3A_697 iter_args(%scan3A_1397 = %broadcast_in_dim3A_647, %scan3A_1398 = %broadcast_in_dim3A_649, %scan3A_1399 = %broadcast_in_dim3A_651, %scan3A_1400 = %broadcast_in_dim3A_653, %scan3A_1401 = %broadcast_in_dim3A_655, %scan3A_1402 = %broadcast_in_dim3A_657, %scan3A_1403 = %broadcast_in_dim3A_659, %scan3A_1404 = %broadcast_in_dim3A_661, %scan3A_1405 = %broadcast_in_dim3A_663, %scan3A_1406 = %broadcast_in_dim3A_665, %scan3A_1407 = %broadcast_in_dim3A_667, %scan3A_1408 = %broadcast_in_dim3A_669, %scan3A_1409 = %broadcast_in_dim3A_671, %scan3A_1410 = %broadcast_in_dim3A_673, %scan3A_1411 = %broadcast_in_dim3A_675, %scan3A_1412 = %broadcast_in_dim3A_677, %scan3A_1413 = %broadcast_in_dim3A_679, %scan3A_1414 = %broadcast_in_dim3A_681, %scan3A_1415 = %broadcast_in_dim3A_683, %scan3A_1416 = %broadcast_in_dim3A_685, %scan3A_1417 = %broadcast_in_dim3A_687, %scan3A_1418 = %broadcast_in_dim3A_689, %scan3A_1419 = %broadcast_in_dim3A_691, %scan3A_1420 = %broadcast_in_dim3A_693) -> (vector<16xf32>, vector<16xf32>, vector<16xf32>, vector<16xf32>, vector<16xf32>, vector<16xf32>, vector<16xf32>, vector<16xf32>, vector<16xf32>, vector<16xf32>, vector<16xf32>, vector<16xf32>, vector<16xf32>, vector<16xf32>, vector<16xf32>, vector<16xf32>, vector<16xf32>, vector<16xf32>, vector<16xf32>, vector<16xf32>, vector<16xf32>, vector<16xf32>, vector<16xf32>, vector<16xf32>)  : i32 {
      %get3A_1421 = arith.constant 0 : i32
      %get3A_1422 = arith.index_cast %get3A_1421 : i32 to index
      %get3A_1423 = arith.index_cast %scan3A_1396 : i32 to index
      %get3A_1424 = arith.constant 384 : index
      %get3A_1425 = tpu.vector_load %arg4[%get3A_1422, %get3A_1423, %get3A_1424] {strides = array<i32>} : memref<2x32x768xf32, #tpu.memory_space<vmem>>, vector<1x1x16xf32>,
      %get3A_1426 = vector.shape_cast %get3A_1425 : vector<1x1x16xf32> to vector<16xf32>
      %add3A_1427 = arith.addf %scan3A_1397, %get3A_1426 : vector<16xf32>
      %get3A_1428 = arith.constant 0 : i32
      %get3A_1429 = arith.index_cast %get3A_1428 : i32 to index
      %get3A_1430 = arith.index_cast %scan3A_1396 : i32 to index
      %get3A_1431 = arith.constant 400 : index
      %get3A_1432 = tpu.vector_load %arg4[%get3A_1429, %get3A_1430, %get3A_1431] {strides = array<i32>} : memref<2x32x768xf32, #tpu.memory_space<vmem>>, vector<1x1x16xf32>,
      %get3A_1433 = vector.shape_cast %get3A_1432 : vector<1x1x16xf32> to vector<16xf32>
      %add3A_1434 = arith.addf %scan3A_1398, %get3A_1433 : vector<16xf32>
      %get3A_1435 = arith.constant 0 : i32
      %get3A_1436 = arith.index_cast %get3A_1435 : i32 to index
      %get3A_1437 = arith.index_cast %scan3A_1396 : i32 to index
      %get3A_1438 = arith.constant 416 : index
      %get3A_1439 = tpu.vector_load %arg4[%get3A_1436, %get3A_1437, %get3A_1438] {strides = array<i32>} : memref<2x32x768xf32, #tpu.memory_space<vmem>>, vector<1x1x16xf32>,
      %get3A_1440 = vector.shape_cast %get3A_1439 : vector<1x1x16xf32> to vector<16xf32>
      %add3A_1441 = arith.addf %scan3A_1399, %get3A_1440 : vector<16xf32>
      %get3A_1442 = arith.constant 0 : i32
      %get3A_1443 = arith.index_cast %get3A_1442 : i32 to index
      %get3A_1444 = arith.index_cast %scan3A_1396 : i32 to index
      %get3A_1445 = arith.constant 432 : index
      %get3A_1446 = tpu.vector_load %arg4[%get3A_1443, %get3A_1444, %get3A_1445] {strides = array<i32>} : memref<2x32x768xf32, #tpu.memory_space<vmem>>, vector<1x1x16xf32>,
      %get3A_1447 = vector.shape_cast %get3A_1446 : vector<1x1x16xf32> to vector<16xf32>
      %add3A_1448 = arith.addf %scan3A_1400, %get3A_1447 : vector<16xf32>
      %get3A_1449 = arith.constant 0 : i32
      %get3A_1450 = arith.index_cast %get3A_1449 : i32 to index
      %get3A_1451 = arith.index_cast %scan3A_1396 : i32 to index
      %get3A_1452 = arith.constant 448 : index
      %get3A_1453 = tpu.vector_load %arg4[%get3A_1450, %get3A_1451, %get3A_1452] {strides = array<i32>} : memref<2x32x768xf32, #tpu.memory_space<vmem>>, vector<1x1x16xf32>,
      %get3A_1454 = vector.shape_cast %get3A_1453 : vector<1x1x16xf32> to vector<16xf32>
      %add3A_1455 = arith.addf %scan3A_1401, %get3A_1454 : vector<16xf32>
      %get3A_1456 = arith.constant 0 : i32
      %get3A_1457 = arith.index_cast %get3A_1456 : i32 to index
      %get3A_1458 = arith.index_cast %scan3A_1396 : i32 to index
      %get3A_1459 = arith.constant 464 : index
      %get3A_1460 = tpu.vector_load %arg4[%get3A_1457, %get3A_1458, %get3A_1459] {strides = array<i32>} : memref<2x32x768xf32, #tpu.memory_space<vmem>>, vector<1x1x16xf32>,
      %get3A_1461 = vector.shape_cast %get3A_1460 : vector<1x1x16xf32> to vector<16xf32>
      %add3A_1462 = arith.addf %scan3A_1402, %get3A_1461 : vector<16xf32>
      %get3A_1463 = arith.constant 0 : i32
      %get3A_1464 = arith.index_cast %get3A_1463 : i32 to index
      %get3A_1465 = arith.index_cast %scan3A_1396 : i32 to index
      %get3A_1466 = arith.constant 480 : index
      %get3A_1467 = tpu.vector_load %arg4[%get3A_1464, %get3A_1465, %get3A_1466] {strides = array<i32>} : memref<2x32x768xf32, #tpu.memory_space<vmem>>, vector<1x1x16xf32>,
      %get3A_1468 = vector.shape_cast %get3A_1467 : vector<1x1x16xf32> to vector<16xf32>
      %add3A_1469 = arith.addf %scan3A_1403, %get3A_1468 : vector<16xf32>
      %get3A_1470 = arith.constant 0 : i32
      %get3A_1471 = arith.index_cast %get3A_1470 : i32 to index
      %get3A_1472 = arith.index_cast %scan3A_1396 : i32 to index
      %get3A_1473 = arith.constant 496 : index
      %get3A_1474 = tpu.vector_load %arg4[%get3A_1471, %get3A_1472, %get3A_1473] {strides = array<i32>} : memref<2x32x768xf32, #tpu.memory_space<vmem>>, vector<1x1x16xf32>,
      %get3A_1475 = vector.shape_cast %get3A_1474 : vector<1x1x16xf32> to vector<16xf32>
      %add3A_1476 = arith.addf %scan3A_1404, %get3A_1475 : vector<16xf32>
      %get3A_1477 = arith.constant 0 : i32
      %get3A_1478 = arith.index_cast %get3A_1477 : i32 to index
      %get3A_1479 = arith.index_cast %scan3A_1396 : i32 to index
      %get3A_1480 = arith.constant 512 : index
      %get3A_1481 = tpu.vector_load %arg4[%get3A_1478, %get3A_1479, %get3A_1480] {strides = array<i32>} : memref<2x32x768xf32, #tpu.memory_space<vmem>>, vector<1x1x16xf32>,
      %get3A_1482 = vector.shape_cast %get3A_1481 : vector<1x1x16xf32> to vector<16xf32>
      %add3A_1483 = arith.addf %scan3A_1405, %get3A_1482 : vector<16xf32>
      %get3A_1484 = arith.constant 0 : i32
      %get3A_1485 = arith.index_cast %get3A_1484 : i32 to index
      %get3A_1486 = arith.index_cast %scan3A_1396 : i32 to index
      %get3A_1487 = arith.constant 528 : index
      %get3A_1488 = tpu.vector_load %arg4[%get3A_1485, %get3A_1486, %get3A_1487] {strides = array<i32>} : memref<2x32x768xf32, #tpu.memory_space<vmem>>, vector<1x1x16xf32>,
      %get3A_1489 = vector.shape_cast %get3A_1488 : vector<1x1x16xf32> to vector<16xf32>
      %add3A_1490 = arith.addf %scan3A_1406, %get3A_1489 : vector<16xf32>
      %get3A_1491 = arith.constant 0 : i32
      %get3A_1492 = arith.index_cast %get3A_1491 : i32 to index
      %get3A_1493 = arith.index_cast %scan3A_1396 : i32 to index
      %get3A_1494 = arith.constant 544 : index
      %get3A_1495 = tpu.vector_load %arg4[%get3A_1492, %get3A_1493, %get3A_1494] {strides = array<i32>} : memref<2x32x768xf32, #tpu.memory_space<vmem>>, vector<1x1x16xf32>,
      %get3A_1496 = vector.shape_cast %get3A_1495 : vector<1x1x16xf32> to vector<16xf32>
      %add3A_1497 = arith.addf %scan3A_1407, %get3A_1496 : vector<16xf32>
      %get3A_1498 = arith.constant 0 : i32
      %get3A_1499 = arith.index_cast %get3A_1498 : i32 to index
      %get3A_1500 = arith.index_cast %scan3A_1396 : i32 to index
      %get3A_1501 = arith.constant 560 : index
      %get3A_1502 = tpu.vector_load %arg4[%get3A_1499, %get3A_1500, %get3A_1501] {strides = array<i32>} : memref<2x32x768xf32, #tpu.memory_space<vmem>>, vector<1x1x16xf32>,
      %get3A_1503 = vector.shape_cast %get3A_1502 : vector<1x1x16xf32> to vector<16xf32>
      %add3A_1504 = arith.addf %scan3A_1408, %get3A_1503 : vector<16xf32>
      %get3A_1505 = arith.constant 0 : i32
      %get3A_1506 = arith.index_cast %get3A_1505 : i32 to index
      %get3A_1507 = arith.index_cast %scan3A_1396 : i32 to index
      %get3A_1508 = arith.constant 576 : index
      %get3A_1509 = tpu.vector_load %arg4[%get3A_1506, %get3A_1507, %get3A_1508] {strides = array<i32>} : memref<2x32x768xf32, #tpu.memory_space<vmem>>, vector<1x1x16xf32>,
      %get3A_1510 = vector.shape_cast %get3A_1509 : vector<1x1x16xf32> to vector<16xf32>
      %add3A_1511 = arith.addf %scan3A_1409, %get3A_1510 : vector<16xf32>
      %get3A_1512 = arith.constant 0 : i32
      %get3A_1513 = arith.index_cast %get3A_1512 : i32 to index
      %get3A_1514 = arith.index_cast %scan3A_1396 : i32 to index
      %get3A_1515 = arith.constant 592 : index
      %get3A_1516 = tpu.vector_load %arg4[%get3A_1513, %get3A_1514, %get3A_1515] {strides = array<i32>} : memref<2x32x768xf32, #tpu.memory_space<vmem>>, vector<1x1x16xf32>,
      %get3A_1517 = vector.shape_cast %get3A_1516 : vector<1x1x16xf32> to vector<16xf32>
      %add3A_1518 = arith.addf %scan3A_1410, %get3A_1517 : vector<16xf32>
      %get3A_1519 = arith.constant 0 : i32
      %get3A_1520 = arith.index_cast %get3A_1519 : i32 to index
      %get3A_1521 = arith.index_cast %scan3A_1396 : i32 to index
      %get3A_1522 = arith.constant 608 : index
      %get3A_1523 = tpu.vector_load %arg4[%get3A_1520, %get3A_1521, %get3A_1522] {strides = array<i32>} : memref<2x32x768xf32, #tpu.memory_space<vmem>>, vector<1x1x16xf32>,
      %get3A_1524 = vector.shape_cast %get3A_1523 : vector<1x1x16xf32> to vector<16xf32>
      %add3A_1525 = arith.addf %scan3A_1411, %get3A_1524 : vector<16xf32>
      %get3A_1526 = arith.constant 0 : i32
      %get3A_1527 = arith.index_cast %get3A_1526 : i32 to index
      %get3A_1528 = arith.index_cast %scan3A_1396 : i32 to index
      %get3A_1529 = arith.constant 624 : index
      %get3A_1530 = tpu.vector_load %arg4[%get3A_1527, %get3A_1528, %get3A_1529] {strides = array<i32>} : memref<2x32x768xf32, #tpu.memory_space<vmem>>, vector<1x1x16xf32>,
      %get3A_1531 = vector.shape_cast %get3A_1530 : vector<1x1x16xf32> to vector<16xf32>
      %add3A_1532 = arith.addf %scan3A_1412, %get3A_1531 : vector<16xf32>
      %get3A_1533 = arith.constant 0 : i32
      %get3A_1534 = arith.index_cast %get3A_1533 : i32 to index
      %get3A_1535 = arith.index_cast %scan3A_1396 : i32 to index
      %get3A_1536 = arith.constant 640 : index
      %get3A_1537 = tpu.vector_load %arg4[%get3A_1534, %get3A_1535, %get3A_1536] {strides = array<i32>} : memref<2x32x768xf32, #tpu.memory_space<vmem>>, vector<1x1x16xf32>,
      %get3A_1538 = vector.shape_cast %get3A_1537 : vector<1x1x16xf32> to vector<16xf32>
      %add3A_1539 = arith.addf %scan3A_1413, %get3A_1538 : vector<16xf32>
      %get3A_1540 = arith.constant 0 : i32
      %get3A_1541 = arith.index_cast %get3A_1540 : i32 to index
      %get3A_1542 = arith.index_cast %scan3A_1396 : i32 to index
      %get3A_1543 = arith.constant 656 : index
      %get3A_1544 = tpu.vector_load %arg4[%get3A_1541, %get3A_1542, %get3A_1543] {strides = array<i32>} : memref<2x32x768xf32, #tpu.memory_space<vmem>>, vector<1x1x16xf32>,
      %get3A_1545 = vector.shape_cast %get3A_1544 : vector<1x1x16xf32> to vector<16xf32>
      %add3A_1546 = arith.addf %scan3A_1414, %get3A_1545 : vector<16xf32>
      %get3A_1547 = arith.constant 0 : i32
      %get3A_1548 = arith.index_cast %get3A_1547 : i32 to index
      %get3A_1549 = arith.index_cast %scan3A_1396 : i32 to index
      %get3A_1550 = arith.constant 672 : index
      %get3A_1551 = tpu.vector_load %arg4[%get3A_1548, %get3A_1549, %get3A_1550] {strides = array<i32>} : memref<2x32x768xf32, #tpu.memory_space<vmem>>, vector<1x1x16xf32>,
      %get3A_1552 = vector.shape_cast %get3A_1551 : vector<1x1x16xf32> to vector<16xf32>
      %add3A_1553 = arith.addf %scan3A_1415, %get3A_1552 : vector<16xf32>
      %get3A_1554 = arith.constant 0 : i32
      %get3A_1555 = arith.index_cast %get3A_1554 : i32 to index
      %get3A_1556 = arith.index_cast %scan3A_1396 : i32 to index
      %get3A_1557 = arith.constant 688 : index
      %get3A_1558 = tpu.vector_load %arg4[%get3A_1555, %get3A_1556, %get3A_1557] {strides = array<i32>} : memref<2x32x768xf32, #tpu.memory_space<vmem>>, vector<1x1x16xf32>,
      %get3A_1559 = vector.shape_cast %get3A_1558 : vector<1x1x16xf32> to vector<16xf32>
      %add3A_1560 = arith.addf %scan3A_1416, %get3A_1559 : vector<16xf32>
      %get3A_1561 = arith.constant 0 : i32
      %get3A_1562 = arith.index_cast %get3A_1561 : i32 to index
      %get3A_1563 = arith.index_cast %scan3A_1396 : i32 to index
      %get3A_1564 = arith.constant 704 : index
      %get3A_1565 = tpu.vector_load %arg4[%get3A_1562, %get3A_1563, %get3A_1564] {strides = array<i32>} : memref<2x32x768xf32, #tpu.memory_space<vmem>>, vector<1x1x16xf32>,
      %get3A_1566 = vector.shape_cast %get3A_1565 : vector<1x1x16xf32> to vector<16xf32>
      %add3A_1567 = arith.addf %scan3A_1417, %get3A_1566 : vector<16xf32>
      %get3A_1568 = arith.constant 0 : i32
      %get3A_1569 = arith.index_cast %get3A_1568 : i32 to index
      %get3A_1570 = arith.index_cast %scan3A_1396 : i32 to index
      %get3A_1571 = arith.constant 720 : index
      %get3A_1572 = tpu.vector_load %arg4[%get3A_1569, %get3A_1570, %get3A_1571] {strides = array<i32>} : memref<2x32x768xf32, #tpu.memory_space<vmem>>, vector<1x1x16xf32>,
      %get3A_1573 = vector.shape_cast %get3A_1572 : vector<1x1x16xf32> to vector<16xf32>
      %add3A_1574 = arith.addf %scan3A_1418, %get3A_1573 : vector<16xf32>
      %get3A_1575 = arith.constant 0 : i32
      %get3A_1576 = arith.index_cast %get3A_1575 : i32 to index
      %get3A_1577 = arith.index_cast %scan3A_1396 : i32 to index
      %get3A_1578 = arith.constant 736 : index
      %get3A_1579 = tpu.vector_load %arg4[%get3A_1576, %get3A_1577, %get3A_1578] {strides = array<i32>} : memref<2x32x768xf32, #tpu.memory_space<vmem>>, vector<1x1x16xf32>,
      %get3A_1580 = vector.shape_cast %get3A_1579 : vector<1x1x16xf32> to vector<16xf32>
      %add3A_1581 = arith.addf %scan3A_1419, %get3A_1580 : vector<16xf32>
      %get3A_1582 = arith.constant 0 : i32
      %get3A_1583 = arith.index_cast %get3A_1582 : i32 to index
      %get3A_1584 = arith.index_cast %scan3A_1396 : i32 to index
      %get3A_1585 = arith.constant 752 : index
      %get3A_1586 = tpu.vector_load %arg4[%get3A_1583, %get3A_1584, %get3A_1585] {strides = array<i32>} : memref<2x32x768xf32, #tpu.memory_space<vmem>>, vector<1x1x16xf32>,
      %get3A_1587 = vector.shape_cast %get3A_1586 : vector<1x1x16xf32> to vector<16xf32>
      %add3A_1588 = arith.addf %scan3A_1420, %get3A_1587 : vector<16xf32>
      scf.yield %add3A_1427, %add3A_1434, %add3A_1441, %add3A_1448, %add3A_1455, %add3A_1462, %add3A_1469, %add3A_1476, %add3A_1483, %add3A_1490, %add3A_1497, %add3A_1504, %add3A_1511, %add3A_1518, %add3A_1525, %add3A_1532, %add3A_1539, %add3A_1546, %add3A_1553, %add3A_1560, %add3A_1567, %add3A_1574, %add3A_1581, %add3A_1588 : vector<16xf32>, vector<16xf32>, vector<16xf32>, vector<16xf32>, vector<16xf32>, vector<16xf32>, vector<16xf32>, vector<16xf32>, vector<16xf32>, vector<16xf32>, vector<16xf32>, vector<16xf32>, vector<16xf32>, vector<16xf32>, vector<16xf32>, vector<16xf32>, vector<16xf32>, vector<16xf32>, vector<16xf32>, vector<16xf32>, vector<16xf32>, vector<16xf32>, vector<16xf32>, vector<16xf32>
    }
    %scan3A_699 = arith.constant 32 : i32
    %get3A_700 = arith.constant 384 : index
    %get3A_701 = tpu.vector_load %arg5[%get3A_700] {strides = array<i32>} : memref<768xf32, #tpu.memory_space<vmem>>, vector<16xf32>,
    %get3A_702 = vector.shape_cast %get3A_701 : vector<16xf32> to vector<16xf32>
    %add3A_703 = arith.addf %get3A_702, %scan3A_698#0 : vector<16xf32>
    %swap3A_704 = arith.constant 384 : index
    %swap3A_705 = tpu.vector_load %arg5[%swap3A_704] {strides = array<i32>} : memref<768xf32, #tpu.memory_space<vmem>>, vector<16xf32>,
    %swap3A_706 = vector.shape_cast %swap3A_705 : vector<16xf32> to vector<16xf32>
    %swap3A_707 = vector.shape_cast %add3A_703 : vector<16xf32> to vector<16xf32>
    tpu.vector_store %arg5[%swap3A_704], %swap3A_707 {strides = array<i32>} : memref<768xf32, #tpu.memory_space<vmem>>, vector<16xf32>,
    %get3A_708 = arith.constant 400 : index
    %get3A_709 = tpu.vector_load %arg5[%get3A_708] {strides = array<i32>} : memref<768xf32, #tpu.memory_space<vmem>>, vector<16xf32>,
    %get3A_710 = vector.shape_cast %get3A_709 : vector<16xf32> to vector<16xf32>
    %add3A_711 = arith.addf %get3A_710, %scan3A_698#1 : vector<16xf32>
    %swap3A_712 = arith.constant 400 : index
    %swap3A_713 = tpu.vector_load %arg5[%swap3A_712] {strides = array<i32>} : memref<768xf32, #tpu.memory_space<vmem>>, vector<16xf32>,
    %swap3A_714 = vector.shape_cast %swap3A_713 : vector<16xf32> to vector<16xf32>
    %swap3A_715 = vector.shape_cast %add3A_711 : vector<16xf32> to vector<16xf32>
    tpu.vector_store %arg5[%swap3A_712], %swap3A_715 {strides = array<i32>} : memref<768xf32, #tpu.memory_space<vmem>>, vector<16xf32>,
    %get3A_716 = arith.constant 416 : index
    %get3A_717 = tpu.vector_load %arg5[%get3A_716] {strides = array<i32>} : memref<768xf32, #tpu.memory_space<vmem>>, vector<16xf32>,
    %get3A_718 = vector.shape_cast %get3A_717 : vector<16xf32> to vector<16xf32>
    %add3A_719 = arith.addf %get3A_718, %scan3A_698#2 : vector<16xf32>
    %swap3A_720 = arith.constant 416 : index
    %swap3A_721 = tpu.vector_load %arg5[%swap3A_720] {strides = array<i32>} : memref<768xf32, #tpu.memory_space<vmem>>, vector<16xf32>,
    %swap3A_722 = vector.shape_cast %swap3A_721 : vector<16xf32> to vector<16xf32>
    %swap3A_723 = vector.shape_cast %add3A_719 : vector<16xf32> to vector<16xf32>
    tpu.vector_store %arg5[%swap3A_720], %swap3A_723 {strides = array<i32>} : memref<768xf32, #tpu.memory_space<vmem>>, vector<16xf32>,
    %get3A_724 = arith.constant 432 : index
    %get3A_725 = tpu.vector_load %arg5[%get3A_724] {strides = array<i32>} : memref<768xf32, #tpu.memory_space<vmem>>, vector<16xf32>,
    %get3A_726 = vector.shape_cast %get3A_725 : vector<16xf32> to vector<16xf32>
    %add3A_727 = arith.addf %get3A_726, %scan3A_698#3 : vector<16xf32>
    %swap3A_728 = arith.constant 432 : index
    %swap3A_729 = tpu.vector_load %arg5[%swap3A_728] {strides = array<i32>} : memref<768xf32, #tpu.memory_space<vmem>>, vector<16xf32>,
    %swap3A_730 = vector.shape_cast %swap3A_729 : vector<16xf32> to vector<16xf32>
    %swap3A_731 = vector.shape_cast %add3A_727 : vector<16xf32> to vector<16xf32>
    tpu.vector_store %arg5[%swap3A_728], %swap3A_731 {strides = array<i32>} : memref<768xf32, #tpu.memory_space<vmem>>, vector<16xf32>,
    %get3A_732 = arith.constant 448 : index
    %get3A_733 = tpu.vector_load %arg5[%get3A_732] {strides = array<i32>} : memref<768xf32, #tpu.memory_space<vmem>>, vector<16xf32>,
    %get3A_734 = vector.shape_cast %get3A_733 : vector<16xf32> to vector<16xf32>
    %add3A_735 = arith.addf %get3A_734, %scan3A_698#4 : vector<16xf32>
    %swap3A_736 = arith.constant 448 : index
    %swap3A_737 = tpu.vector_load %arg5[%swap3A_736] {strides = array<i32>} : memref<768xf32, #tpu.memory_space<vmem>>, vector<16xf32>,
    %swap3A_738 = vector.shape_cast %swap3A_737 : vector<16xf32> to vector<16xf32>
    %swap3A_739 = vector.shape_cast %add3A_735 : vector<16xf32> to vector<16xf32>
    tpu.vector_store %arg5[%swap3A_736], %swap3A_739 {strides = array<i32>} : memref<768xf32, #tpu.memory_space<vmem>>, vector<16xf32>,
    %get3A_740 = arith.constant 464 : index
    %get3A_741 = tpu.vector_load %arg5[%get3A_740] {strides = array<i32>} : memref<768xf32, #tpu.memory_space<vmem>>, vector<16xf32>,
    %get3A_742 = vector.shape_cast %get3A_741 : vector<16xf32> to vector<16xf32>
    %add3A_743 = arith.addf %get3A_742, %scan3A_698#5 : vector<16xf32>
    %swap3A_744 = arith.constant 464 : index
    %swap3A_745 = tpu.vector_load %arg5[%swap3A_744] {strides = array<i32>} : memref<768xf32, #tpu.memory_space<vmem>>, vector<16xf32>,
    %swap3A_746 = vector.shape_cast %swap3A_745 : vector<16xf32> to vector<16xf32>
    %swap3A_747 = vector.shape_cast %add3A_743 : vector<16xf32> to vector<16xf32>
    tpu.vector_store %arg5[%swap3A_744], %swap3A_747 {strides = array<i32>} : memref<768xf32, #tpu.memory_space<vmem>>, vector<16xf32>,
    %get3A_748 = arith.constant 480 : index
    %get3A_749 = tpu.vector_load %arg5[%get3A_748] {strides = array<i32>} : memref<768xf32, #tpu.memory_space<vmem>>, vector<16xf32>,
    %get3A_750 = vector.shape_cast %get3A_749 : vector<16xf32> to vector<16xf32>
    %add3A_751 = arith.addf %get3A_750, %scan3A_698#6 : vector<16xf32>
    %swap3A_752 = arith.constant 480 : index
    %swap3A_753 = tpu.vector_load %arg5[%swap3A_752] {strides = array<i32>} : memref<768xf32, #tpu.memory_space<vmem>>, vector<16xf32>,
    %swap3A_754 = vector.shape_cast %swap3A_753 : vector<16xf32> to vector<16xf32>
    %swap3A_755 = vector.shape_cast %add3A_751 : vector<16xf32> to vector<16xf32>
    tpu.vector_store %arg5[%swap3A_752], %swap3A_755 {strides = array<i32>} : memref<768xf32, #tpu.memory_space<vmem>>, vector<16xf32>,
    %get3A_756 = arith.constant 496 : index
    %get3A_757 = tpu.vector_load %arg5[%get3A_756] {strides = array<i32>} : memref<768xf32, #tpu.memory_space<vmem>>, vector<16xf32>,
    %get3A_758 = vector.shape_cast %get3A_757 : vector<16xf32> to vector<16xf32>
    %add3A_759 = arith.addf %get3A_758, %scan3A_698#7 : vector<16xf32>
    %swap3A_760 = arith.constant 496 : index
    %swap3A_761 = tpu.vector_load %arg5[%swap3A_760] {strides = array<i32>} : memref<768xf32, #tpu.memory_space<vmem>>, vector<16xf32>,
    %swap3A_762 = vector.shape_cast %swap3A_761 : vector<16xf32> to vector<16xf32>
    %swap3A_763 = vector.shape_cast %add3A_759 : vector<16xf32> to vector<16xf32>
    tpu.vector_store %arg5[%swap3A_760], %swap3A_763 {strides = array<i32>} : memref<768xf32, #tpu.memory_space<vmem>>, vector<16xf32>,
    %get3A_764 = arith.constant 512 : index
    %get3A_765 = tpu.vector_load %arg5[%get3A_764] {strides = array<i32>} : memref<768xf32, #tpu.memory_space<vmem>>, vector<16xf32>,
    %get3A_766 = vector.shape_cast %get3A_765 : vector<16xf32> to vector<16xf32>
    %add3A_767 = arith.addf %get3A_766, %scan3A_698#8 : vector<16xf32>
    %swap3A_768 = arith.constant 512 : index
    %swap3A_769 = tpu.vector_load %arg5[%swap3A_768] {strides = array<i32>} : memref<768xf32, #tpu.memory_space<vmem>>, vector<16xf32>,
    %swap3A_770 = vector.shape_cast %swap3A_769 : vector<16xf32> to vector<16xf32>
    %swap3A_771 = vector.shape_cast %add3A_767 : vector<16xf32> to vector<16xf32>
    tpu.vector_store %arg5[%swap3A_768], %swap3A_771 {strides = array<i32>} : memref<768xf32, #tpu.memory_space<vmem>>, vector<16xf32>,
    %get3A_772 = arith.constant 528 : index
    %get3A_773 = tpu.vector_load %arg5[%get3A_772] {strides = array<i32>} : memref<768xf32, #tpu.memory_space<vmem>>, vector<16xf32>,
    %get3A_774 = vector.shape_cast %get3A_773 : vector<16xf32> to vector<16xf32>
    %add3A_775 = arith.addf %get3A_774, %scan3A_698#9 : vector<16xf32>
    %swap3A_776 = arith.constant 528 : index
    %swap3A_777 = tpu.vector_load %arg5[%swap3A_776] {strides = array<i32>} : memref<768xf32, #tpu.memory_space<vmem>>, vector<16xf32>,
    %swap3A_778 = vector.shape_cast %swap3A_777 : vector<16xf32> to vector<16xf32>
    %swap3A_779 = vector.shape_cast %add3A_775 : vector<16xf32> to vector<16xf32>
    tpu.vector_store %arg5[%swap3A_776], %swap3A_779 {strides = array<i32>} : memref<768xf32, #tpu.memory_space<vmem>>, vector<16xf32>,
    %get3A_780 = arith.constant 544 : index
    %get3A_781 = tpu.vector_load %arg5[%get3A_780] {strides = array<i32>} : memref<768xf32, #tpu.memory_space<vmem>>, vector<16xf32>,
    %get3A_782 = vector.shape_cast %get3A_781 : vector<16xf32> to vector<16xf32>
    %add3A_783 = arith.addf %get3A_782, %scan3A_698#10 : vector<16xf32>
    %swap3A_784 = arith.constant 544 : index
    %swap3A_785 = tpu.vector_load %arg5[%swap3A_784] {strides = array<i32>} : memref<768xf32, #tpu.memory_space<vmem>>, vector<16xf32>,
    %swap3A_786 = vector.shape_cast %swap3A_785 : vector<16xf32> to vector<16xf32>
    %swap3A_787 = vector.shape_cast %add3A_783 : vector<16xf32> to vector<16xf32>
    tpu.vector_store %arg5[%swap3A_784], %swap3A_787 {strides = array<i32>} : memref<768xf32, #tpu.memory_space<vmem>>, vector<16xf32>,
    %get3A_788 = arith.constant 560 : index
    %get3A_789 = tpu.vector_load %arg5[%get3A_788] {strides = array<i32>} : memref<768xf32, #tpu.memory_space<vmem>>, vector<16xf32>,
    %get3A_790 = vector.shape_cast %get3A_789 : vector<16xf32> to vector<16xf32>
    %add3A_791 = arith.addf %get3A_790, %scan3A_698#11 : vector<16xf32>
    %swap3A_792 = arith.constant 560 : index
    %swap3A_793 = tpu.vector_load %arg5[%swap3A_792] {strides = array<i32>} : memref<768xf32, #tpu.memory_space<vmem>>, vector<16xf32>,
    %swap3A_794 = vector.shape_cast %swap3A_793 : vector<16xf32> to vector<16xf32>
    %swap3A_795 = vector.shape_cast %add3A_791 : vector<16xf32> to vector<16xf32>
    tpu.vector_store %arg5[%swap3A_792], %swap3A_795 {strides = array<i32>} : memref<768xf32, #tpu.memory_space<vmem>>, vector<16xf32>,
    %get3A_796 = arith.constant 576 : index
    %get3A_797 = tpu.vector_load %arg5[%get3A_796] {strides = array<i32>} : memref<768xf32, #tpu.memory_space<vmem>>, vector<16xf32>,
    %get3A_798 = vector.shape_cast %get3A_797 : vector<16xf32> to vector<16xf32>
    %add3A_799 = arith.addf %get3A_798, %scan3A_698#12 : vector<16xf32>
    %swap3A_800 = arith.constant 576 : index
    %swap3A_801 = tpu.vector_load %arg5[%swap3A_800] {strides = array<i32>} : memref<768xf32, #tpu.memory_space<vmem>>, vector<16xf32>,
    %swap3A_802 = vector.shape_cast %swap3A_801 : vector<16xf32> to vector<16xf32>
    %swap3A_803 = vector.shape_cast %add3A_799 : vector<16xf32> to vector<16xf32>
    tpu.vector_store %arg5[%swap3A_800], %swap3A_803 {strides = array<i32>} : memref<768xf32, #tpu.memory_space<vmem>>, vector<16xf32>,
    %get3A_804 = arith.constant 592 : index
    %get3A_805 = tpu.vector_load %arg5[%get3A_804] {strides = array<i32>} : memref<768xf32, #tpu.memory_space<vmem>>, vector<16xf32>,
    %get3A_806 = vector.shape_cast %get3A_805 : vector<16xf32> to vector<16xf32>
    %add3A_807 = arith.addf %get3A_806, %scan3A_698#13 : vector<16xf32>
    %swap3A_808 = arith.constant 592 : index
    %swap3A_809 = tpu.vector_load %arg5[%swap3A_808] {strides = array<i32>} : memref<768xf32, #tpu.memory_space<vmem>>, vector<16xf32>,
    %swap3A_810 = vector.shape_cast %swap3A_809 : vector<16xf32> to vector<16xf32>
    %swap3A_811 = vector.shape_cast %add3A_807 : vector<16xf32> to vector<16xf32>
    tpu.vector_store %arg5[%swap3A_808], %swap3A_811 {strides = array<i32>} : memref<768xf32, #tpu.memory_space<vmem>>, vector<16xf32>,
    %get3A_812 = arith.constant 608 : index
    %get3A_813 = tpu.vector_load %arg5[%get3A_812] {strides = array<i32>} : memref<768xf32, #tpu.memory_space<vmem>>, vector<16xf32>,
    %get3A_814 = vector.shape_cast %get3A_813 : vector<16xf32> to vector<16xf32>
    %add3A_815 = arith.addf %get3A_814, %scan3A_698#14 : vector<16xf32>
    %swap3A_816 = arith.constant 608 : index
    %swap3A_817 = tpu.vector_load %arg5[%swap3A_816] {strides = array<i32>} : memref<768xf32, #tpu.memory_space<vmem>>, vector<16xf32>,
    %swap3A_818 = vector.shape_cast %swap3A_817 : vector<16xf32> to vector<16xf32>
    %swap3A_819 = vector.shape_cast %add3A_815 : vector<16xf32> to vector<16xf32>
    tpu.vector_store %arg5[%swap3A_816], %swap3A_819 {strides = array<i32>} : memref<768xf32, #tpu.memory_space<vmem>>, vector<16xf32>,
    %get3A_820 = arith.constant 624 : index
    %get3A_821 = tpu.vector_load %arg5[%get3A_820] {strides = array<i32>} : memref<768xf32, #tpu.memory_space<vmem>>, vector<16xf32>,
    %get3A_822 = vector.shape_cast %get3A_821 : vector<16xf32> to vector<16xf32>
    %add3A_823 = arith.addf %get3A_822, %scan3A_698#15 : vector<16xf32>
    %swap3A_824 = arith.constant 624 : index
    %swap3A_825 = tpu.vector_load %arg5[%swap3A_824] {strides = array<i32>} : memref<768xf32, #tpu.memory_space<vmem>>, vector<16xf32>,
    %swap3A_826 = vector.shape_cast %swap3A_825 : vector<16xf32> to vector<16xf32>
    %swap3A_827 = vector.shape_cast %add3A_823 : vector<16xf32> to vector<16xf32>
    tpu.vector_store %arg5[%swap3A_824], %swap3A_827 {strides = array<i32>} : memref<768xf32, #tpu.memory_space<vmem>>, vector<16xf32>,
    %get3A_828 = arith.constant 640 : index
    %get3A_829 = tpu.vector_load %arg5[%get3A_828] {strides = array<i32>} : memref<768xf32, #tpu.memory_space<vmem>>, vector<16xf32>,
    %get3A_830 = vector.shape_cast %get3A_829 : vector<16xf32> to vector<16xf32>
    %add3A_831 = arith.addf %get3A_830, %scan3A_698#16 : vector<16xf32>
    %swap3A_832 = arith.constant 640 : index
    %swap3A_833 = tpu.vector_load %arg5[%swap3A_832] {strides = array<i32>} : memref<768xf32, #tpu.memory_space<vmem>>, vector<16xf32>,
    %swap3A_834 = vector.shape_cast %swap3A_833 : vector<16xf32> to vector<16xf32>
    %swap3A_835 = vector.shape_cast %add3A_831 : vector<16xf32> to vector<16xf32>
    tpu.vector_store %arg5[%swap3A_832], %swap3A_835 {strides = array<i32>} : memref<768xf32, #tpu.memory_space<vmem>>, vector<16xf32>,
    %get3A_836 = arith.constant 656 : index
    %get3A_837 = tpu.vector_load %arg5[%get3A_836] {strides = array<i32>} : memref<768xf32, #tpu.memory_space<vmem>>, vector<16xf32>,
    %get3A_838 = vector.shape_cast %get3A_837 : vector<16xf32> to vector<16xf32>
    %add3A_839 = arith.addf %get3A_838, %scan3A_698#17 : vector<16xf32>
    %swap3A_840 = arith.constant 656 : index
    %swap3A_841 = tpu.vector_load %arg5[%swap3A_840] {strides = array<i32>} : memref<768xf32, #tpu.memory_space<vmem>>, vector<16xf32>,
    %swap3A_842 = vector.shape_cast %swap3A_841 : vector<16xf32> to vector<16xf32>
    %swap3A_843 = vector.shape_cast %add3A_839 : vector<16xf32> to vector<16xf32>
    tpu.vector_store %arg5[%swap3A_840], %swap3A_843 {strides = array<i32>} : memref<768xf32, #tpu.memory_space<vmem>>, vector<16xf32>,
    %get3A_844 = arith.constant 672 : index
    %get3A_845 = tpu.vector_load %arg5[%get3A_844] {strides = array<i32>} : memref<768xf32, #tpu.memory_space<vmem>>, vector<16xf32>,
    %get3A_846 = vector.shape_cast %get3A_845 : vector<16xf32> to vector<16xf32>
    %add3A_847 = arith.addf %get3A_846, %scan3A_698#18 : vector<16xf32>
    %swap3A_848 = arith.constant 672 : index
    %swap3A_849 = tpu.vector_load %arg5[%swap3A_848] {strides = array<i32>} : memref<768xf32, #tpu.memory_space<vmem>>, vector<16xf32>,
    %swap3A_850 = vector.shape_cast %swap3A_849 : vector<16xf32> to vector<16xf32>
    %swap3A_851 = vector.shape_cast %add3A_847 : vector<16xf32> to vector<16xf32>
    tpu.vector_store %arg5[%swap3A_848], %swap3A_851 {strides = array<i32>} : memref<768xf32, #tpu.memory_space<vmem>>, vector<16xf32>,
    %get3A_852 = arith.constant 688 : index
    %get3A_853 = tpu.vector_load %arg5[%get3A_852] {strides = array<i32>} : memref<768xf32, #tpu.memory_space<vmem>>, vector<16xf32>,
    %get3A_854 = vector.shape_cast %get3A_853 : vector<16xf32> to vector<16xf32>
    %add3A_855 = arith.addf %get3A_854, %scan3A_698#19 : vector<16xf32>
    %swap3A_856 = arith.constant 688 : index
    %swap3A_857 = tpu.vector_load %arg5[%swap3A_856] {strides = array<i32>} : memref<768xf32, #tpu.memory_space<vmem>>, vector<16xf32>,
    %swap3A_858 = vector.shape_cast %swap3A_857 : vector<16xf32> to vector<16xf32>
    %swap3A_859 = vector.shape_cast %add3A_855 : vector<16xf32> to vector<16xf32>
    tpu.vector_store %arg5[%swap3A_856], %swap3A_859 {strides = array<i32>} : memref<768xf32, #tpu.memory_space<vmem>>, vector<16xf32>,
    %get3A_860 = arith.constant 704 : index
    %get3A_861 = tpu.vector_load %arg5[%get3A_860] {strides = array<i32>} : memref<768xf32, #tpu.memory_space<vmem>>, vector<16xf32>,
    %get3A_862 = vector.shape_cast %get3A_861 : vector<16xf32> to vector<16xf32>
    %add3A_863 = arith.addf %get3A_862, %scan3A_698#20 : vector<16xf32>
    %swap3A_864 = arith.constant 704 : index
    %swap3A_865 = tpu.vector_load %arg5[%swap3A_864] {strides = array<i32>} : memref<768xf32, #tpu.memory_space<vmem>>, vector<16xf32>,
    %swap3A_866 = vector.shape_cast %swap3A_865 : vector<16xf32> to vector<16xf32>
    %swap3A_867 = vector.shape_cast %add3A_863 : vector<16xf32> to vector<16xf32>
    tpu.vector_store %arg5[%swap3A_864], %swap3A_867 {strides = array<i32>} : memref<768xf32, #tpu.memory_space<vmem>>, vector<16xf32>,
    %get3A_868 = arith.constant 720 : index
    %get3A_869 = tpu.vector_load %arg5[%get3A_868] {strides = array<i32>} : memref<768xf32, #tpu.memory_space<vmem>>, vector<16xf32>,
    %get3A_870 = vector.shape_cast %get3A_869 : vector<16xf32> to vector<16xf32>
    %add3A_871 = arith.addf %get3A_870, %scan3A_698#21 : vector<16xf32>
    %swap3A_872 = arith.constant 720 : index
    %swap3A_873 = tpu.vector_load %arg5[%swap3A_872] {strides = array<i32>} : memref<768xf32, #tpu.memory_space<vmem>>, vector<16xf32>,
    %swap3A_874 = vector.shape_cast %swap3A_873 : vector<16xf32> to vector<16xf32>
    %swap3A_875 = vector.shape_cast %add3A_871 : vector<16xf32> to vector<16xf32>
    tpu.vector_store %arg5[%swap3A_872], %swap3A_875 {strides = array<i32>} : memref<768xf32, #tpu.memory_space<vmem>>, vector<16xf32>,
    %get3A_876 = arith.constant 736 : index
    %get3A_877 = tpu.vector_load %arg5[%get3A_876] {strides = array<i32>} : memref<768xf32, #tpu.memory_space<vmem>>, vector<16xf32>,
    %get3A_878 = vector.shape_cast %get3A_877 : vector<16xf32> to vector<16xf32>
    %add3A_879 = arith.addf %get3A_878, %scan3A_698#22 : vector<16xf32>
    %swap3A_880 = arith.constant 736 : index
    %swap3A_881 = tpu.vector_load %arg5[%swap3A_880] {strides = array<i32>} : memref<768xf32, #tpu.memory_space<vmem>>, vector<16xf32>,
    %swap3A_882 = vector.shape_cast %swap3A_881 : vector<16xf32> to vector<16xf32>
    %swap3A_883 = vector.shape_cast %add3A_879 : vector<16xf32> to vector<16xf32>
    tpu.vector_store %arg5[%swap3A_880], %swap3A_883 {strides = array<i32>} : memref<768xf32, #tpu.memory_space<vmem>>, vector<16xf32>,
    %get3A_884 = arith.constant 752 : index
    %get3A_885 = tpu.vector_load %arg5[%get3A_884] {strides = array<i32>} : memref<768xf32, #tpu.memory_space<vmem>>, vector<16xf32>,
    %get3A_886 = vector.shape_cast %get3A_885 : vector<16xf32> to vector<16xf32>
    %add3A_887 = arith.addf %get3A_886, %scan3A_698#23 : vector<16xf32>
    %swap3A_888 = arith.constant 752 : index
    %swap3A_889 = tpu.vector_load %arg5[%swap3A_888] {strides = array<i32>} : memref<768xf32, #tpu.memory_space<vmem>>, vector<16xf32>,
    %swap3A_890 = vector.shape_cast %swap3A_889 : vector<16xf32> to vector<16xf32>
    %swap3A_891 = vector.shape_cast %add3A_887 : vector<16xf32> to vector<16xf32>
    tpu.vector_store %arg5[%swap3A_888], %swap3A_891 {strides = array<i32>} : memref<768xf32, #tpu.memory_space<vmem>>, vector<16xf32>,
    %dma_wait3A_892 = arith.constant 1 : i32
    %dma_wait3A_893 = arith.constant 1 : i32
    %dma_wait3A_894 = arith.constant 0 : i32
    %dma_wait3A_895 = arith.constant 0 : i32
    %dma_wait3A_896 = tpu.memref_slice %arg4[%dma_wait3A_893, %dma_wait3A_894, %dma_wait3A_895] : memref<2x32x768xf32, #tpu.memory_space<vmem>> -> memref<1x32x768xf32, #tpu.memory_space<vmem>>
    %dma_wait3A_897 = tpu.memref_squeeze %dma_wait3A_896 : memref<1x32x768xf32, #tpu.memory_space<vmem>> -> memref<32x768xf32, #tpu.memory_space<vmem>>
    %dma_wait3A_898 = arith.constant 0 : i32
    %dma_wait3A_899 = tpu.memref_slice %arg6[%dma_wait3A_892, %dma_wait3A_898] : memref<2x32xi32, #tpu.memory_space<vmem>> -> memref<1x32xi32, #tpu.memory_space<vmem>>
    %dma_wait3A_900 = tpu.memref_squeeze %dma_wait3A_899 : memref<1x32xi32, #tpu.memory_space<vmem>> -> memref<32xi32, #tpu.memory_space<vmem>>
    %dma_wait3A_901 = arith.constant 0 : i32
    %dma_wait3A_902 = arith.constant 0 : i32
    %dma_wait3A_903 = tpu.memref_slice %arg2[%dma_wait3A_901, %dma_wait3A_902] : memref<32768x768xf32, #tpu.memory_space<hbm>> -> memref<32768x768xf32, #tpu.memory_space<hbm>>
    tpu.wait_indirect_dma semaphore(%arg8 : memref<!tpu.dma_semaphore, #tpu.memory_space<semaphore_mem>>) src(%dma_wait3A_903 : memref<32768x768xf32, #tpu.memory_space<hbm>>) dst(%dma_wait3A_897 : memref<32x768xf32, #tpu.memory_space<vmem>>)
    %broadcast_in_dim3A_904 = arith.constant 0.000000e+00 : f32
    %broadcast_in_dim3A_905 = vector.broadcast %broadcast_in_dim3A_904 : f32 to vector<16xf32>
    %broadcast_in_dim3A_906 = arith.constant 0.000000e+00 : f32
    %broadcast_in_dim3A_907 = vector.broadcast %broadcast_in_dim3A_906 : f32 to vector<16xf32>
    %broadcast_in_dim3A_908 = arith.constant 0.000000e+00 : f32
    %broadcast_in_dim3A_909 = vector.broadcast %broadcast_in_dim3A_908 : f32 to vector<16xf32>
    %broadcast_in_dim3A_910 = arith.constant 0.000000e+00 : f32
    %broadcast_in_dim3A_911 = vector.broadcast %broadcast_in_dim3A_910 : f32 to vector<16xf32>
    %broadcast_in_dim3A_912 = arith.constant 0.000000e+00 : f32
    %broadcast_in_dim3A_913 = vector.broadcast %broadcast_in_dim3A_912 : f32 to vector<16xf32>
    %broadcast_in_dim3A_914 = arith.constant 0.000000e+00 : f32
    %broadcast_in_dim3A_915 = vector.broadcast %broadcast_in_dim3A_914 : f32 to vector<16xf32>
    %broadcast_in_dim3A_916 = arith.constant 0.000000e+00 : f32
    %broadcast_in_dim3A_917 = vector.broadcast %broadcast_in_dim3A_916 : f32 to vector<16xf32>
    %broadcast_in_dim3A_918 = arith.constant 0.000000e+00 : f32
    %broadcast_in_dim3A_919 = vector.broadcast %broadcast_in_dim3A_918 : f32 to vector<16xf32>
    %broadcast_in_dim3A_920 = arith.constant 0.000000e+00 : f32
    %broadcast_in_dim3A_921 = vector.broadcast %broadcast_in_dim3A_920 : f32 to vector<16xf32>
    %broadcast_in_dim3A_922 = arith.constant 0.000000e+00 : f32
    %broadcast_in_dim3A_923 = vector.broadcast %broadcast_in_dim3A_922 : f32 to vector<16xf32>
    %broadcast_in_dim3A_924 = arith.constant 0.000000e+00 : f32
    %broadcast_in_dim3A_925 = vector.broadcast %broadcast_in_dim3A_924 : f32 to vector<16xf32>
    %broadcast_in_dim3A_926 = arith.constant 0.000000e+00 : f32
    %broadcast_in_dim3A_927 = vector.broadcast %broadcast_in_dim3A_926 : f32 to vector<16xf32>
    %broadcast_in_dim3A_928 = arith.constant 0.000000e+00 : f32
    %broadcast_in_dim3A_929 = vector.broadcast %broadcast_in_dim3A_928 : f32 to vector<16xf32>
    %broadcast_in_dim3A_930 = arith.constant 0.000000e+00 : f32
    %broadcast_in_dim3A_931 = vector.broadcast %broadcast_in_dim3A_930 : f32 to vector<16xf32>
    %broadcast_in_dim3A_932 = arith.constant 0.000000e+00 : f32
    %broadcast_in_dim3A_933 = vector.broadcast %broadcast_in_dim3A_932 : f32 to vector<16xf32>
    %broadcast_in_dim3A_934 = arith.constant 0.000000e+00 : f32
    %broadcast_in_dim3A_935 = vector.broadcast %broadcast_in_dim3A_934 : f32 to vector<16xf32>
    %broadcast_in_dim3A_936 = arith.constant 0.000000e+00 : f32
    %broadcast_in_dim3A_937 = vector.broadcast %broadcast_in_dim3A_936 : f32 to vector<16xf32>
    %broadcast_in_dim3A_938 = arith.constant 0.000000e+00 : f32
    %broadcast_in_dim3A_939 = vector.broadcast %broadcast_in_dim3A_938 : f32 to vector<16xf32>
    %broadcast_in_dim3A_940 = arith.constant 0.000000e+00 : f32
    %broadcast_in_dim3A_941 = vector.broadcast %broadcast_in_dim3A_940 : f32 to vector<16xf32>
    %broadcast_in_dim3A_942 = arith.constant 0.000000e+00 : f32
    %broadcast_in_dim3A_943 = vector.broadcast %broadcast_in_dim3A_942 : f32 to vector<16xf32>
    %broadcast_in_dim3A_944 = arith.constant 0.000000e+00 : f32
    %broadcast_in_dim3A_945 = vector.broadcast %broadcast_in_dim3A_944 : f32 to vector<16xf32>
    %broadcast_in_dim3A_946 = arith.constant 0.000000e+00 : f32
    %broadcast_in_dim3A_947 = vector.broadcast %broadcast_in_dim3A_946 : f32 to vector<16xf32>
    %broadcast_in_dim3A_948 = arith.constant 0.000000e+00 : f32
    %broadcast_in_dim3A_949 = vector.broadcast %broadcast_in_dim3A_948 : f32 to vector<16xf32>
    %broadcast_in_dim3A_950 = arith.constant 0.000000e+00 : f32
    %broadcast_in_dim3A_951 = vector.broadcast %broadcast_in_dim3A_950 : f32 to vector<16xf32>
    %scan3A_952 = arith.constant 0 : i32
    %scan3A_953 = arith.constant 32 : i32
    %scan3A_954 = arith.addi %scan3A_952, %scan3A_953 : i32
    %scan3A_955 = arith.constant 1 : i32
    %scan3A_956:24 = scf.for %scan3A_1396 = %scan3A_952 to %scan3A_954 step %scan3A_955 iter_args(%scan3A_1397 = %broadcast_in_dim3A_905, %scan3A_1398 = %broadcast_in_dim3A_907, %scan3A_1399 = %broadcast_in_dim3A_909, %scan3A_1400 = %broadcast_in_dim3A_911, %scan3A_1401 = %broadcast_in_dim3A_913, %scan3A_1402 = %broadcast_in_dim3A_915, %scan3A_1403 = %broadcast_in_dim3A_917, %scan3A_1404 = %broadcast_in_dim3A_919, %scan3A_1405 = %broadcast_in_dim3A_921, %scan3A_1406 = %broadcast_in_dim3A_923, %scan3A_1407 = %broadcast_in_dim3A_925, %scan3A_1408 = %broadcast_in_dim3A_927, %scan3A_1409 = %broadcast_in_dim3A_929, %scan3A_1410 = %broadcast_in_dim3A_931, %scan3A_1411 = %broadcast_in_dim3A_933, %scan3A_1412 = %broadcast_in_dim3A_935, %scan3A_1413 = %broadcast_in_dim3A_937, %scan3A_1414 = %broadcast_in_dim3A_939, %scan3A_1415 = %broadcast_in_dim3A_941, %scan3A_1416 = %broadcast_in_dim3A_943, %scan3A_1417 = %broadcast_in_dim3A_945, %scan3A_1418 = %broadcast_in_dim3A_947, %scan3A_1419 = %broadcast_in_dim3A_949, %scan3A_1420 = %broadcast_in_dim3A_951) -> (vector<16xf32>, vector<16xf32>, vector<16xf32>, vector<16xf32>, vector<16xf32>, vector<16xf32>, vector<16xf32>, vector<16xf32>, vector<16xf32>, vector<16xf32>, vector<16xf32>, vector<16xf32>, vector<16xf32>, vector<16xf32>, vector<16xf32>, vector<16xf32>, vector<16xf32>, vector<16xf32>, vector<16xf32>, vector<16xf32>, vector<16xf32>, vector<16xf32>, vector<16xf32>, vector<16xf32>)  : i32 {
      %get3A_1421 = arith.constant 1 : i32
      %get3A_1422 = arith.index_cast %get3A_1421 : i32 to index
      %get3A_1423 = arith.index_cast %scan3A_1396 : i32 to index
      %get3A_1424 = arith.constant 0 : index
      %get3A_1425 = tpu.vector_load %arg4[%get3A_1422, %get3A_1423, %get3A_1424] {strides = array<i32>} : memref<2x32x768xf32, #tpu.memory_space<vmem>>, vector<1x1x16xf32>,
      %get3A_1426 = vector.shape_cast %get3A_1425 : vector<1x1x16xf32> to vector<16xf32>
      %add3A_1427 = arith.addf %scan3A_1397, %get3A_1426 : vector<16xf32>
      %get3A_1428 = arith.constant 1 : i32
      %get3A_1429 = arith.index_cast %get3A_1428 : i32 to index
      %get3A_1430 = arith.index_cast %scan3A_1396 : i32 to index
      %get3A_1431 = arith.constant 16 : index
      %get3A_1432 = tpu.vector_load %arg4[%get3A_1429, %get3A_1430, %get3A_1431] {strides = array<i32>} : memref<2x32x768xf32, #tpu.memory_space<vmem>>, vector<1x1x16xf32>,
      %get3A_1433 = vector.shape_cast %get3A_1432 : vector<1x1x16xf32> to vector<16xf32>
      %add3A_1434 = arith.addf %scan3A_1398, %get3A_1433 : vector<16xf32>
      %get3A_1435 = arith.constant 1 : i32
      %get3A_1436 = arith.index_cast %get3A_1435 : i32 to index
      %get3A_1437 = arith.index_cast %scan3A_1396 : i32 to index
      %get3A_1438 = arith.constant 32 : index
      %get3A_1439 = tpu.vector_load %arg4[%get3A_1436, %get3A_1437, %get3A_1438] {strides = array<i32>} : memref<2x32x768xf32, #tpu.memory_space<vmem>>, vector<1x1x16xf32>,
      %get3A_1440 = vector.shape_cast %get3A_1439 : vector<1x1x16xf32> to vector<16xf32>
      %add3A_1441 = arith.addf %scan3A_1399, %get3A_1440 : vector<16xf32>
      %get3A_1442 = arith.constant 1 : i32
      %get3A_1443 = arith.index_cast %get3A_1442 : i32 to index
      %get3A_1444 = arith.index_cast %scan3A_1396 : i32 to index
      %get3A_1445 = arith.constant 48 : index
      %get3A_1446 = tpu.vector_load %arg4[%get3A_1443, %get3A_1444, %get3A_1445] {strides = array<i32>} : memref<2x32x768xf32, #tpu.memory_space<vmem>>, vector<1x1x16xf32>,
      %get3A_1447 = vector.shape_cast %get3A_1446 : vector<1x1x16xf32> to vector<16xf32>
      %add3A_1448 = arith.addf %scan3A_1400, %get3A_1447 : vector<16xf32>
      %get3A_1449 = arith.constant 1 : i32
      %get3A_1450 = arith.index_cast %get3A_1449 : i32 to index
      %get3A_1451 = arith.index_cast %scan3A_1396 : i32 to index
      %get3A_1452 = arith.constant 64 : index
      %get3A_1453 = tpu.vector_load %arg4[%get3A_1450, %get3A_1451, %get3A_1452] {strides = array<i32>} : memref<2x32x768xf32, #tpu.memory_space<vmem>>, vector<1x1x16xf32>,
      %get3A_1454 = vector.shape_cast %get3A_1453 : vector<1x1x16xf32> to vector<16xf32>
      %add3A_1455 = arith.addf %scan3A_1401, %get3A_1454 : vector<16xf32>
      %get3A_1456 = arith.constant 1 : i32
      %get3A_1457 = arith.index_cast %get3A_1456 : i32 to index
      %get3A_1458 = arith.index_cast %scan3A_1396 : i32 to index
      %get3A_1459 = arith.constant 80 : index
      %get3A_1460 = tpu.vector_load %arg4[%get3A_1457, %get3A_1458, %get3A_1459] {strides = array<i32>} : memref<2x32x768xf32, #tpu.memory_space<vmem>>, vector<1x1x16xf32>,
      %get3A_1461 = vector.shape_cast %get3A_1460 : vector<1x1x16xf32> to vector<16xf32>
      %add3A_1462 = arith.addf %scan3A_1402, %get3A_1461 : vector<16xf32>
      %get3A_1463 = arith.constant 1 : i32
      %get3A_1464 = arith.index_cast %get3A_1463 : i32 to index
      %get3A_1465 = arith.index_cast %scan3A_1396 : i32 to index
      %get3A_1466 = arith.constant 96 : index
      %get3A_1467 = tpu.vector_load %arg4[%get3A_1464, %get3A_1465, %get3A_1466] {strides = array<i32>} : memref<2x32x768xf32, #tpu.memory_space<vmem>>, vector<1x1x16xf32>,
      %get3A_1468 = vector.shape_cast %get3A_1467 : vector<1x1x16xf32> to vector<16xf32>
      %add3A_1469 = arith.addf %scan3A_1403, %get3A_1468 : vector<16xf32>
      %get3A_1470 = arith.constant 1 : i32
      %get3A_1471 = arith.index_cast %get3A_1470 : i32 to index
      %get3A_1472 = arith.index_cast %scan3A_1396 : i32 to index
      %get3A_1473 = arith.constant 112 : index
      %get3A_1474 = tpu.vector_load %arg4[%get3A_1471, %get3A_1472, %get3A_1473] {strides = array<i32>} : memref<2x32x768xf32, #tpu.memory_space<vmem>>, vector<1x1x16xf32>,
      %get3A_1475 = vector.shape_cast %get3A_1474 : vector<1x1x16xf32> to vector<16xf32>
      %add3A_1476 = arith.addf %scan3A_1404, %get3A_1475 : vector<16xf32>
      %get3A_1477 = arith.constant 1 : i32
      %get3A_1478 = arith.index_cast %get3A_1477 : i32 to index
      %get3A_1479 = arith.index_cast %scan3A_1396 : i32 to index
      %get3A_1480 = arith.constant 128 : index
      %get3A_1481 = tpu.vector_load %arg4[%get3A_1478, %get3A_1479, %get3A_1480] {strides = array<i32>} : memref<2x32x768xf32, #tpu.memory_space<vmem>>, vector<1x1x16xf32>,
      %get3A_1482 = vector.shape_cast %get3A_1481 : vector<1x1x16xf32> to vector<16xf32>
      %add3A_1483 = arith.addf %scan3A_1405, %get3A_1482 : vector<16xf32>
      %get3A_1484 = arith.constant 1 : i32
      %get3A_1485 = arith.index_cast %get3A_1484 : i32 to index
      %get3A_1486 = arith.index_cast %scan3A_1396 : i32 to index
      %get3A_1487 = arith.constant 144 : index
      %get3A_1488 = tpu.vector_load %arg4[%get3A_1485, %get3A_1486, %get3A_1487] {strides = array<i32>} : memref<2x32x768xf32, #tpu.memory_space<vmem>>, vector<1x1x16xf32>,
      %get3A_1489 = vector.shape_cast %get3A_1488 : vector<1x1x16xf32> to vector<16xf32>
      %add3A_1490 = arith.addf %scan3A_1406, %get3A_1489 : vector<16xf32>
      %get3A_1491 = arith.constant 1 : i32
      %get3A_1492 = arith.index_cast %get3A_1491 : i32 to index
      %get3A_1493 = arith.index_cast %scan3A_1396 : i32 to index
      %get3A_1494 = arith.constant 160 : index
      %get3A_1495 = tpu.vector_load %arg4[%get3A_1492, %get3A_1493, %get3A_1494] {strides = array<i32>} : memref<2x32x768xf32, #tpu.memory_space<vmem>>, vector<1x1x16xf32>,
      %get3A_1496 = vector.shape_cast %get3A_1495 : vector<1x1x16xf32> to vector<16xf32>
      %add3A_1497 = arith.addf %scan3A_1407, %get3A_1496 : vector<16xf32>
      %get3A_1498 = arith.constant 1 : i32
      %get3A_1499 = arith.index_cast %get3A_1498 : i32 to index
      %get3A_1500 = arith.index_cast %scan3A_1396 : i32 to index
      %get3A_1501 = arith.constant 176 : index
      %get3A_1502 = tpu.vector_load %arg4[%get3A_1499, %get3A_1500, %get3A_1501] {strides = array<i32>} : memref<2x32x768xf32, #tpu.memory_space<vmem>>, vector<1x1x16xf32>,
      %get3A_1503 = vector.shape_cast %get3A_1502 : vector<1x1x16xf32> to vector<16xf32>
      %add3A_1504 = arith.addf %scan3A_1408, %get3A_1503 : vector<16xf32>
      %get3A_1505 = arith.constant 1 : i32
      %get3A_1506 = arith.index_cast %get3A_1505 : i32 to index
      %get3A_1507 = arith.index_cast %scan3A_1396 : i32 to index
      %get3A_1508 = arith.constant 192 : index
      %get3A_1509 = tpu.vector_load %arg4[%get3A_1506, %get3A_1507, %get3A_1508] {strides = array<i32>} : memref<2x32x768xf32, #tpu.memory_space<vmem>>, vector<1x1x16xf32>,
      %get3A_1510 = vector.shape_cast %get3A_1509 : vector<1x1x16xf32> to vector<16xf32>
      %add3A_1511 = arith.addf %scan3A_1409, %get3A_1510 : vector<16xf32>
      %get3A_1512 = arith.constant 1 : i32
      %get3A_1513 = arith.index_cast %get3A_1512 : i32 to index
      %get3A_1514 = arith.index_cast %scan3A_1396 : i32 to index
      %get3A_1515 = arith.constant 208 : index
      %get3A_1516 = tpu.vector_load %arg4[%get3A_1513, %get3A_1514, %get3A_1515] {strides = array<i32>} : memref<2x32x768xf32, #tpu.memory_space<vmem>>, vector<1x1x16xf32>,
      %get3A_1517 = vector.shape_cast %get3A_1516 : vector<1x1x16xf32> to vector<16xf32>
      %add3A_1518 = arith.addf %scan3A_1410, %get3A_1517 : vector<16xf32>
      %get3A_1519 = arith.constant 1 : i32
      %get3A_1520 = arith.index_cast %get3A_1519 : i32 to index
      %get3A_1521 = arith.index_cast %scan3A_1396 : i32 to index
      %get3A_1522 = arith.constant 224 : index
      %get3A_1523 = tpu.vector_load %arg4[%get3A_1520, %get3A_1521, %get3A_1522] {strides = array<i32>} : memref<2x32x768xf32, #tpu.memory_space<vmem>>, vector<1x1x16xf32>,
      %get3A_1524 = vector.shape_cast %get3A_1523 : vector<1x1x16xf32> to vector<16xf32>
      %add3A_1525 = arith.addf %scan3A_1411, %get3A_1524 : vector<16xf32>
      %get3A_1526 = arith.constant 1 : i32
      %get3A_1527 = arith.index_cast %get3A_1526 : i32 to index
      %get3A_1528 = arith.index_cast %scan3A_1396 : i32 to index
      %get3A_1529 = arith.constant 240 : index
      %get3A_1530 = tpu.vector_load %arg4[%get3A_1527, %get3A_1528, %get3A_1529] {strides = array<i32>} : memref<2x32x768xf32, #tpu.memory_space<vmem>>, vector<1x1x16xf32>,
      %get3A_1531 = vector.shape_cast %get3A_1530 : vector<1x1x16xf32> to vector<16xf32>
      %add3A_1532 = arith.addf %scan3A_1412, %get3A_1531 : vector<16xf32>
      %get3A_1533 = arith.constant 1 : i32
      %get3A_1534 = arith.index_cast %get3A_1533 : i32 to index
      %get3A_1535 = arith.index_cast %scan3A_1396 : i32 to index
      %get3A_1536 = arith.constant 256 : index
      %get3A_1537 = tpu.vector_load %arg4[%get3A_1534, %get3A_1535, %get3A_1536] {strides = array<i32>} : memref<2x32x768xf32, #tpu.memory_space<vmem>>, vector<1x1x16xf32>,
      %get3A_1538 = vector.shape_cast %get3A_1537 : vector<1x1x16xf32> to vector<16xf32>
      %add3A_1539 = arith.addf %scan3A_1413, %get3A_1538 : vector<16xf32>
      %get3A_1540 = arith.constant 1 : i32
      %get3A_1541 = arith.index_cast %get3A_1540 : i32 to index
      %get3A_1542 = arith.index_cast %scan3A_1396 : i32 to index
      %get3A_1543 = arith.constant 272 : index
      %get3A_1544 = tpu.vector_load %arg4[%get3A_1541, %get3A_1542, %get3A_1543] {strides = array<i32>} : memref<2x32x768xf32, #tpu.memory_space<vmem>>, vector<1x1x16xf32>,
      %get3A_1545 = vector.shape_cast %get3A_1544 : vector<1x1x16xf32> to vector<16xf32>
      %add3A_1546 = arith.addf %scan3A_1414, %get3A_1545 : vector<16xf32>
      %get3A_1547 = arith.constant 1 : i32
      %get3A_1548 = arith.index_cast %get3A_1547 : i32 to index
      %get3A_1549 = arith.index_cast %scan3A_1396 : i32 to index
      %get3A_1550 = arith.constant 288 : index
      %get3A_1551 = tpu.vector_load %arg4[%get3A_1548, %get3A_1549, %get3A_1550] {strides = array<i32>} : memref<2x32x768xf32, #tpu.memory_space<vmem>>, vector<1x1x16xf32>,
      %get3A_1552 = vector.shape_cast %get3A_1551 : vector<1x1x16xf32> to vector<16xf32>
      %add3A_1553 = arith.addf %scan3A_1415, %get3A_1552 : vector<16xf32>
      %get3A_1554 = arith.constant 1 : i32
      %get3A_1555 = arith.index_cast %get3A_1554 : i32 to index
      %get3A_1556 = arith.index_cast %scan3A_1396 : i32 to index
      %get3A_1557 = arith.constant 304 : index
      %get3A_1558 = tpu.vector_load %arg4[%get3A_1555, %get3A_1556, %get3A_1557] {strides = array<i32>} : memref<2x32x768xf32, #tpu.memory_space<vmem>>, vector<1x1x16xf32>,
      %get3A_1559 = vector.shape_cast %get3A_1558 : vector<1x1x16xf32> to vector<16xf32>
      %add3A_1560 = arith.addf %scan3A_1416, %get3A_1559 : vector<16xf32>
      %get3A_1561 = arith.constant 1 : i32
      %get3A_1562 = arith.index_cast %get3A_1561 : i32 to index
      %get3A_1563 = arith.index_cast %scan3A_1396 : i32 to index
      %get3A_1564 = arith.constant 320 : index
      %get3A_1565 = tpu.vector_load %arg4[%get3A_1562, %get3A_1563, %get3A_1564] {strides = array<i32>} : memref<2x32x768xf32, #tpu.memory_space<vmem>>, vector<1x1x16xf32>,
      %get3A_1566 = vector.shape_cast %get3A_1565 : vector<1x1x16xf32> to vector<16xf32>
      %add3A_1567 = arith.addf %scan3A_1417, %get3A_1566 : vector<16xf32>
      %get3A_1568 = arith.constant 1 : i32
      %get3A_1569 = arith.index_cast %get3A_1568 : i32 to index
      %get3A_1570 = arith.index_cast %scan3A_1396 : i32 to index
      %get3A_1571 = arith.constant 336 : index
      %get3A_1572 = tpu.vector_load %arg4[%get3A_1569, %get3A_1570, %get3A_1571] {strides = array<i32>} : memref<2x32x768xf32, #tpu.memory_space<vmem>>, vector<1x1x16xf32>,
      %get3A_1573 = vector.shape_cast %get3A_1572 : vector<1x1x16xf32> to vector<16xf32>
      %add3A_1574 = arith.addf %scan3A_1418, %get3A_1573 : vector<16xf32>
      %get3A_1575 = arith.constant 1 : i32
      %get3A_1576 = arith.index_cast %get3A_1575 : i32 to index
      %get3A_1577 = arith.index_cast %scan3A_1396 : i32 to index
      %get3A_1578 = arith.constant 352 : index
      %get3A_1579 = tpu.vector_load %arg4[%get3A_1576, %get3A_1577, %get3A_1578] {strides = array<i32>} : memref<2x32x768xf32, #tpu.memory_space<vmem>>, vector<1x1x16xf32>,
      %get3A_1580 = vector.shape_cast %get3A_1579 : vector<1x1x16xf32> to vector<16xf32>
      %add3A_1581 = arith.addf %scan3A_1419, %get3A_1580 : vector<16xf32>
      %get3A_1582 = arith.constant 1 : i32
      %get3A_1583 = arith.index_cast %get3A_1582 : i32 to index
      %get3A_1584 = arith.index_cast %scan3A_1396 : i32 to index
      %get3A_1585 = arith.constant 368 : index
      %get3A_1586 = tpu.vector_load %arg4[%get3A_1583, %get3A_1584, %get3A_1585] {strides = array<i32>} : memref<2x32x768xf32, #tpu.memory_space<vmem>>, vector<1x1x16xf32>,
      %get3A_1587 = vector.shape_cast %get3A_1586 : vector<1x1x16xf32> to vector<16xf32>
      %add3A_1588 = arith.addf %scan3A_1420, %get3A_1587 : vector<16xf32>
      scf.yield %add3A_1427, %add3A_1434, %add3A_1441, %add3A_1448, %add3A_1455, %add3A_1462, %add3A_1469, %add3A_1476, %add3A_1483, %add3A_1490, %add3A_1497, %add3A_1504, %add3A_1511, %add3A_1518, %add3A_1525, %add3A_1532, %add3A_1539, %add3A_1546, %add3A_1553, %add3A_1560, %add3A_1567, %add3A_1574, %add3A_1581, %add3A_1588 : vector<16xf32>, vector<16xf32>, vector<16xf32>, vector<16xf32>, vector<16xf32>, vector<16xf32>, vector<16xf32>, vector<16xf32>, vector<16xf32>, vector<16xf32>, vector<16xf32>, vector<16xf32>, vector<16xf32>, vector<16xf32>, vector<16xf32>, vector<16xf32>, vector<16xf32>, vector<16xf32>, vector<16xf32>, vector<16xf32>, vector<16xf32>, vector<16xf32>, vector<16xf32>, vector<16xf32>
    }
    %scan3A_957 = arith.constant 32 : i32
    %get3A_958 = arith.constant 0 : index
    %get3A_959 = tpu.vector_load %arg5[%get3A_958] {strides = array<i32>} : memref<768xf32, #tpu.memory_space<vmem>>, vector<16xf32>,
    %get3A_960 = vector.shape_cast %get3A_959 : vector<16xf32> to vector<16xf32>
    %add3A_961 = arith.addf %get3A_960, %scan3A_956#0 : vector<16xf32>
    %swap3A_962 = arith.constant 0 : index
    %swap3A_963 = tpu.vector_load %arg5[%swap3A_962] {strides = array<i32>} : memref<768xf32, #tpu.memory_space<vmem>>, vector<16xf32>,
    %swap3A_964 = vector.shape_cast %swap3A_963 : vector<16xf32> to vector<16xf32>
    %swap3A_965 = vector.shape_cast %add3A_961 : vector<16xf32> to vector<16xf32>
    tpu.vector_store %arg5[%swap3A_962], %swap3A_965 {strides = array<i32>} : memref<768xf32, #tpu.memory_space<vmem>>, vector<16xf32>,
    %get3A_966 = arith.constant 16 : index
    %get3A_967 = tpu.vector_load %arg5[%get3A_966] {strides = array<i32>} : memref<768xf32, #tpu.memory_space<vmem>>, vector<16xf32>,
    %get3A_968 = vector.shape_cast %get3A_967 : vector<16xf32> to vector<16xf32>
    %add3A_969 = arith.addf %get3A_968, %scan3A_956#1 : vector<16xf32>
    %swap3A_970 = arith.constant 16 : index
    %swap3A_971 = tpu.vector_load %arg5[%swap3A_970] {strides = array<i32>} : memref<768xf32, #tpu.memory_space<vmem>>, vector<16xf32>,
    %swap3A_972 = vector.shape_cast %swap3A_971 : vector<16xf32> to vector<16xf32>
    %swap3A_973 = vector.shape_cast %add3A_969 : vector<16xf32> to vector<16xf32>
    tpu.vector_store %arg5[%swap3A_970], %swap3A_973 {strides = array<i32>} : memref<768xf32, #tpu.memory_space<vmem>>, vector<16xf32>,
    %get3A_974 = arith.constant 32 : index
    %get3A_975 = tpu.vector_load %arg5[%get3A_974] {strides = array<i32>} : memref<768xf32, #tpu.memory_space<vmem>>, vector<16xf32>,
    %get3A_976 = vector.shape_cast %get3A_975 : vector<16xf32> to vector<16xf32>
    %add3A_977 = arith.addf %get3A_976, %scan3A_956#2 : vector<16xf32>
    %swap3A_978 = arith.constant 32 : index
    %swap3A_979 = tpu.vector_load %arg5[%swap3A_978] {strides = array<i32>} : memref<768xf32, #tpu.memory_space<vmem>>, vector<16xf32>,
    %swap3A_980 = vector.shape_cast %swap3A_979 : vector<16xf32> to vector<16xf32>
    %swap3A_981 = vector.shape_cast %add3A_977 : vector<16xf32> to vector<16xf32>
    tpu.vector_store %arg5[%swap3A_978], %swap3A_981 {strides = array<i32>} : memref<768xf32, #tpu.memory_space<vmem>>, vector<16xf32>,
    %get3A_982 = arith.constant 48 : index
    %get3A_983 = tpu.vector_load %arg5[%get3A_982] {strides = array<i32>} : memref<768xf32, #tpu.memory_space<vmem>>, vector<16xf32>,
    %get3A_984 = vector.shape_cast %get3A_983 : vector<16xf32> to vector<16xf32>
    %add3A_985 = arith.addf %get3A_984, %scan3A_956#3 : vector<16xf32>
    %swap3A_986 = arith.constant 48 : index
    %swap3A_987 = tpu.vector_load %arg5[%swap3A_986] {strides = array<i32>} : memref<768xf32, #tpu.memory_space<vmem>>, vector<16xf32>,
    %swap3A_988 = vector.shape_cast %swap3A_987 : vector<16xf32> to vector<16xf32>
    %swap3A_989 = vector.shape_cast %add3A_985 : vector<16xf32> to vector<16xf32>
    tpu.vector_store %arg5[%swap3A_986], %swap3A_989 {strides = array<i32>} : memref<768xf32, #tpu.memory_space<vmem>>, vector<16xf32>,
    %get3A_990 = arith.constant 64 : index
    %get3A_991 = tpu.vector_load %arg5[%get3A_990] {strides = array<i32>} : memref<768xf32, #tpu.memory_space<vmem>>, vector<16xf32>,
    %get3A_992 = vector.shape_cast %get3A_991 : vector<16xf32> to vector<16xf32>
    %add3A_993 = arith.addf %get3A_992, %scan3A_956#4 : vector<16xf32>
    %swap3A_994 = arith.constant 64 : index
    %swap3A_995 = tpu.vector_load %arg5[%swap3A_994] {strides = array<i32>} : memref<768xf32, #tpu.memory_space<vmem>>, vector<16xf32>,
    %swap3A_996 = vector.shape_cast %swap3A_995 : vector<16xf32> to vector<16xf32>
    %swap3A_997 = vector.shape_cast %add3A_993 : vector<16xf32> to vector<16xf32>
    tpu.vector_store %arg5[%swap3A_994], %swap3A_997 {strides = array<i32>} : memref<768xf32, #tpu.memory_space<vmem>>, vector<16xf32>,
    %get3A_998 = arith.constant 80 : index
    %get3A_999 = tpu.vector_load %arg5[%get3A_998] {strides = array<i32>} : memref<768xf32, #tpu.memory_space<vmem>>, vector<16xf32>,
    %get3A_1000 = vector.shape_cast %get3A_999 : vector<16xf32> to vector<16xf32>
    %add3A_1001 = arith.addf %get3A_1000, %scan3A_956#5 : vector<16xf32>
    %swap3A_1002 = arith.constant 80 : index
    %swap3A_1003 = tpu.vector_load %arg5[%swap3A_1002] {strides = array<i32>} : memref<768xf32, #tpu.memory_space<vmem>>, vector<16xf32>,
    %swap3A_1004 = vector.shape_cast %swap3A_1003 : vector<16xf32> to vector<16xf32>
    %swap3A_1005 = vector.shape_cast %add3A_1001 : vector<16xf32> to vector<16xf32>
    tpu.vector_store %arg5[%swap3A_1002], %swap3A_1005 {strides = array<i32>} : memref<768xf32, #tpu.memory_space<vmem>>, vector<16xf32>,
    %get3A_1006 = arith.constant 96 : index
    %get3A_1007 = tpu.vector_load %arg5[%get3A_1006] {strides = array<i32>} : memref<768xf32, #tpu.memory_space<vmem>>, vector<16xf32>,
    %get3A_1008 = vector.shape_cast %get3A_1007 : vector<16xf32> to vector<16xf32>
    %add3A_1009 = arith.addf %get3A_1008, %scan3A_956#6 : vector<16xf32>
    %swap3A_1010 = arith.constant 96 : index
    %swap3A_1011 = tpu.vector_load %arg5[%swap3A_1010] {strides = array<i32>} : memref<768xf32, #tpu.memory_space<vmem>>, vector<16xf32>,
    %swap3A_1012 = vector.shape_cast %swap3A_1011 : vector<16xf32> to vector<16xf32>
    %swap3A_1013 = vector.shape_cast %add3A_1009 : vector<16xf32> to vector<16xf32>
    tpu.vector_store %arg5[%swap3A_1010], %swap3A_1013 {strides = array<i32>} : memref<768xf32, #tpu.memory_space<vmem>>, vector<16xf32>,
    %get3A_1014 = arith.constant 112 : index
    %get3A_1015 = tpu.vector_load %arg5[%get3A_1014] {strides = array<i32>} : memref<768xf32, #tpu.memory_space<vmem>>, vector<16xf32>,
    %get3A_1016 = vector.shape_cast %get3A_1015 : vector<16xf32> to vector<16xf32>
    %add3A_1017 = arith.addf %get3A_1016, %scan3A_956#7 : vector<16xf32>
    %swap3A_1018 = arith.constant 112 : index
    %swap3A_1019 = tpu.vector_load %arg5[%swap3A_1018] {strides = array<i32>} : memref<768xf32, #tpu.memory_space<vmem>>, vector<16xf32>,
    %swap3A_1020 = vector.shape_cast %swap3A_1019 : vector<16xf32> to vector<16xf32>
    %swap3A_1021 = vector.shape_cast %add3A_1017 : vector<16xf32> to vector<16xf32>
    tpu.vector_store %arg5[%swap3A_1018], %swap3A_1021 {strides = array<i32>} : memref<768xf32, #tpu.memory_space<vmem>>, vector<16xf32>,
    %get3A_1022 = arith.constant 128 : index
    %get3A_1023 = tpu.vector_load %arg5[%get3A_1022] {strides = array<i32>} : memref<768xf32, #tpu.memory_space<vmem>>, vector<16xf32>,
    %get3A_1024 = vector.shape_cast %get3A_1023 : vector<16xf32> to vector<16xf32>
    %add3A_1025 = arith.addf %get3A_1024, %scan3A_956#8 : vector<16xf32>
    %swap3A_1026 = arith.constant 128 : index
    %swap3A_1027 = tpu.vector_load %arg5[%swap3A_1026] {strides = array<i32>} : memref<768xf32, #tpu.memory_space<vmem>>, vector<16xf32>,
    %swap3A_1028 = vector.shape_cast %swap3A_1027 : vector<16xf32> to vector<16xf32>
    %swap3A_1029 = vector.shape_cast %add3A_1025 : vector<16xf32> to vector<16xf32>
    tpu.vector_store %arg5[%swap3A_1026], %swap3A_1029 {strides = array<i32>} : memref<768xf32, #tpu.memory_space<vmem>>, vector<16xf32>,
    %get3A_1030 = arith.constant 144 : index
    %get3A_1031 = tpu.vector_load %arg5[%get3A_1030] {strides = array<i32>} : memref<768xf32, #tpu.memory_space<vmem>>, vector<16xf32>,
    %get3A_1032 = vector.shape_cast %get3A_1031 : vector<16xf32> to vector<16xf32>
    %add3A_1033 = arith.addf %get3A_1032, %scan3A_956#9 : vector<16xf32>
    %swap3A_1034 = arith.constant 144 : index
    %swap3A_1035 = tpu.vector_load %arg5[%swap3A_1034] {strides = array<i32>} : memref<768xf32, #tpu.memory_space<vmem>>, vector<16xf32>,
    %swap3A_1036 = vector.shape_cast %swap3A_1035 : vector<16xf32> to vector<16xf32>
    %swap3A_1037 = vector.shape_cast %add3A_1033 : vector<16xf32> to vector<16xf32>
    tpu.vector_store %arg5[%swap3A_1034], %swap3A_1037 {strides = array<i32>} : memref<768xf32, #tpu.memory_space<vmem>>, vector<16xf32>,
    %get3A_1038 = arith.constant 160 : index
    %get3A_1039 = tpu.vector_load %arg5[%get3A_1038] {strides = array<i32>} : memref<768xf32, #tpu.memory_space<vmem>>, vector<16xf32>,
    %get3A_1040 = vector.shape_cast %get3A_1039 : vector<16xf32> to vector<16xf32>
    %add3A_1041 = arith.addf %get3A_1040, %scan3A_956#10 : vector<16xf32>
    %swap3A_1042 = arith.constant 160 : index
    %swap3A_1043 = tpu.vector_load %arg5[%swap3A_1042] {strides = array<i32>} : memref<768xf32, #tpu.memory_space<vmem>>, vector<16xf32>,
    %swap3A_1044 = vector.shape_cast %swap3A_1043 : vector<16xf32> to vector<16xf32>
    %swap3A_1045 = vector.shape_cast %add3A_1041 : vector<16xf32> to vector<16xf32>
    tpu.vector_store %arg5[%swap3A_1042], %swap3A_1045 {strides = array<i32>} : memref<768xf32, #tpu.memory_space<vmem>>, vector<16xf32>,
    %get3A_1046 = arith.constant 176 : index
    %get3A_1047 = tpu.vector_load %arg5[%get3A_1046] {strides = array<i32>} : memref<768xf32, #tpu.memory_space<vmem>>, vector<16xf32>,
    %get3A_1048 = vector.shape_cast %get3A_1047 : vector<16xf32> to vector<16xf32>
    %add3A_1049 = arith.addf %get3A_1048, %scan3A_956#11 : vector<16xf32>
    %swap3A_1050 = arith.constant 176 : index
    %swap3A_1051 = tpu.vector_load %arg5[%swap3A_1050] {strides = array<i32>} : memref<768xf32, #tpu.memory_space<vmem>>, vector<16xf32>,
    %swap3A_1052 = vector.shape_cast %swap3A_1051 : vector<16xf32> to vector<16xf32>
    %swap3A_1053 = vector.shape_cast %add3A_1049 : vector<16xf32> to vector<16xf32>
    tpu.vector_store %arg5[%swap3A_1050], %swap3A_1053 {strides = array<i32>} : memref<768xf32, #tpu.memory_space<vmem>>, vector<16xf32>,
    %get3A_1054 = arith.constant 192 : index
    %get3A_1055 = tpu.vector_load %arg5[%get3A_1054] {strides = array<i32>} : memref<768xf32, #tpu.memory_space<vmem>>, vector<16xf32>,
    %get3A_1056 = vector.shape_cast %get3A_1055 : vector<16xf32> to vector<16xf32>
    %add3A_1057 = arith.addf %get3A_1056, %scan3A_956#12 : vector<16xf32>
    %swap3A_1058 = arith.constant 192 : index
    %swap3A_1059 = tpu.vector_load %arg5[%swap3A_1058] {strides = array<i32>} : memref<768xf32, #tpu.memory_space<vmem>>, vector<16xf32>,
    %swap3A_1060 = vector.shape_cast %swap3A_1059 : vector<16xf32> to vector<16xf32>
    %swap3A_1061 = vector.shape_cast %add3A_1057 : vector<16xf32> to vector<16xf32>
    tpu.vector_store %arg5[%swap3A_1058], %swap3A_1061 {strides = array<i32>} : memref<768xf32, #tpu.memory_space<vmem>>, vector<16xf32>,
    %get3A_1062 = arith.constant 208 : index
    %get3A_1063 = tpu.vector_load %arg5[%get3A_1062] {strides = array<i32>} : memref<768xf32, #tpu.memory_space<vmem>>, vector<16xf32>,
    %get3A_1064 = vector.shape_cast %get3A_1063 : vector<16xf32> to vector<16xf32>
    %add3A_1065 = arith.addf %get3A_1064, %scan3A_956#13 : vector<16xf32>
    %swap3A_1066 = arith.constant 208 : index
    %swap3A_1067 = tpu.vector_load %arg5[%swap3A_1066] {strides = array<i32>} : memref<768xf32, #tpu.memory_space<vmem>>, vector<16xf32>,
    %swap3A_1068 = vector.shape_cast %swap3A_1067 : vector<16xf32> to vector<16xf32>
    %swap3A_1069 = vector.shape_cast %add3A_1065 : vector<16xf32> to vector<16xf32>
    tpu.vector_store %arg5[%swap3A_1066], %swap3A_1069 {strides = array<i32>} : memref<768xf32, #tpu.memory_space<vmem>>, vector<16xf32>,
    %get3A_1070 = arith.constant 224 : index
    %get3A_1071 = tpu.vector_load %arg5[%get3A_1070] {strides = array<i32>} : memref<768xf32, #tpu.memory_space<vmem>>, vector<16xf32>,
    %get3A_1072 = vector.shape_cast %get3A_1071 : vector<16xf32> to vector<16xf32>
    %add3A_1073 = arith.addf %get3A_1072, %scan3A_956#14 : vector<16xf32>
    %swap3A_1074 = arith.constant 224 : index
    %swap3A_1075 = tpu.vector_load %arg5[%swap3A_1074] {strides = array<i32>} : memref<768xf32, #tpu.memory_space<vmem>>, vector<16xf32>,
    %swap3A_1076 = vector.shape_cast %swap3A_1075 : vector<16xf32> to vector<16xf32>
    %swap3A_1077 = vector.shape_cast %add3A_1073 : vector<16xf32> to vector<16xf32>
    tpu.vector_store %arg5[%swap3A_1074], %swap3A_1077 {strides = array<i32>} : memref<768xf32, #tpu.memory_space<vmem>>, vector<16xf32>,
    %get3A_1078 = arith.constant 240 : index
    %get3A_1079 = tpu.vector_load %arg5[%get3A_1078] {strides = array<i32>} : memref<768xf32, #tpu.memory_space<vmem>>, vector<16xf32>,
    %get3A_1080 = vector.shape_cast %get3A_1079 : vector<16xf32> to vector<16xf32>
    %add3A_1081 = arith.addf %get3A_1080, %scan3A_956#15 : vector<16xf32>
    %swap3A_1082 = arith.constant 240 : index
    %swap3A_1083 = tpu.vector_load %arg5[%swap3A_1082] {strides = array<i32>} : memref<768xf32, #tpu.memory_space<vmem>>, vector<16xf32>,
    %swap3A_1084 = vector.shape_cast %swap3A_1083 : vector<16xf32> to vector<16xf32>
    %swap3A_1085 = vector.shape_cast %add3A_1081 : vector<16xf32> to vector<16xf32>
    tpu.vector_store %arg5[%swap3A_1082], %swap3A_1085 {strides = array<i32>} : memref<768xf32, #tpu.memory_space<vmem>>, vector<16xf32>,
    %get3A_1086 = arith.constant 256 : index
    %get3A_1087 = tpu.vector_load %arg5[%get3A_1086] {strides = array<i32>} : memref<768xf32, #tpu.memory_space<vmem>>, vector<16xf32>,
    %get3A_1088 = vector.shape_cast %get3A_1087 : vector<16xf32> to vector<16xf32>
    %add3A_1089 = arith.addf %get3A_1088, %scan3A_956#16 : vector<16xf32>
    %swap3A_1090 = arith.constant 256 : index
    %swap3A_1091 = tpu.vector_load %arg5[%swap3A_1090] {strides = array<i32>} : memref<768xf32, #tpu.memory_space<vmem>>, vector<16xf32>,
    %swap3A_1092 = vector.shape_cast %swap3A_1091 : vector<16xf32> to vector<16xf32>
    %swap3A_1093 = vector.shape_cast %add3A_1089 : vector<16xf32> to vector<16xf32>
    tpu.vector_store %arg5[%swap3A_1090], %swap3A_1093 {strides = array<i32>} : memref<768xf32, #tpu.memory_space<vmem>>, vector<16xf32>,
    %get3A_1094 = arith.constant 272 : index
    %get3A_1095 = tpu.vector_load %arg5[%get3A_1094] {strides = array<i32>} : memref<768xf32, #tpu.memory_space<vmem>>, vector<16xf32>,
    %get3A_1096 = vector.shape_cast %get3A_1095 : vector<16xf32> to vector<16xf32>
    %add3A_1097 = arith.addf %get3A_1096, %scan3A_956#17 : vector<16xf32>
    %swap3A_1098 = arith.constant 272 : index
    %swap3A_1099 = tpu.vector_load %arg5[%swap3A_1098] {strides = array<i32>} : memref<768xf32, #tpu.memory_space<vmem>>, vector<16xf32>,
    %swap3A_1100 = vector.shape_cast %swap3A_1099 : vector<16xf32> to vector<16xf32>
    %swap3A_1101 = vector.shape_cast %add3A_1097 : vector<16xf32> to vector<16xf32>
    tpu.vector_store %arg5[%swap3A_1098], %swap3A_1101 {strides = array<i32>} : memref<768xf32, #tpu.memory_space<vmem>>, vector<16xf32>,
    %get3A_1102 = arith.constant 288 : index
    %get3A_1103 = tpu.vector_load %arg5[%get3A_1102] {strides = array<i32>} : memref<768xf32, #tpu.memory_space<vmem>>, vector<16xf32>,
    %get3A_1104 = vector.shape_cast %get3A_1103 : vector<16xf32> to vector<16xf32>
    %add3A_1105 = arith.addf %get3A_1104, %scan3A_956#18 : vector<16xf32>
    %swap3A_1106 = arith.constant 288 : index
    %swap3A_1107 = tpu.vector_load %arg5[%swap3A_1106] {strides = array<i32>} : memref<768xf32, #tpu.memory_space<vmem>>, vector<16xf32>,
    %swap3A_1108 = vector.shape_cast %swap3A_1107 : vector<16xf32> to vector<16xf32>
    %swap3A_1109 = vector.shape_cast %add3A_1105 : vector<16xf32> to vector<16xf32>
    tpu.vector_store %arg5[%swap3A_1106], %swap3A_1109 {strides = array<i32>} : memref<768xf32, #tpu.memory_space<vmem>>, vector<16xf32>,
    %get3A_1110 = arith.constant 304 : index
    %get3A_1111 = tpu.vector_load %arg5[%get3A_1110] {strides = array<i32>} : memref<768xf32, #tpu.memory_space<vmem>>, vector<16xf32>,
    %get3A_1112 = vector.shape_cast %get3A_1111 : vector<16xf32> to vector<16xf32>
    %add3A_1113 = arith.addf %get3A_1112, %scan3A_956#19 : vector<16xf32>
    %swap3A_1114 = arith.constant 304 : index
    %swap3A_1115 = tpu.vector_load %arg5[%swap3A_1114] {strides = array<i32>} : memref<768xf32, #tpu.memory_space<vmem>>, vector<16xf32>,
    %swap3A_1116 = vector.shape_cast %swap3A_1115 : vector<16xf32> to vector<16xf32>
    %swap3A_1117 = vector.shape_cast %add3A_1113 : vector<16xf32> to vector<16xf32>
    tpu.vector_store %arg5[%swap3A_1114], %swap3A_1117 {strides = array<i32>} : memref<768xf32, #tpu.memory_space<vmem>>, vector<16xf32>,
    %get3A_1118 = arith.constant 320 : index
    %get3A_1119 = tpu.vector_load %arg5[%get3A_1118] {strides = array<i32>} : memref<768xf32, #tpu.memory_space<vmem>>, vector<16xf32>,
    %get3A_1120 = vector.shape_cast %get3A_1119 : vector<16xf32> to vector<16xf32>
    %add3A_1121 = arith.addf %get3A_1120, %scan3A_956#20 : vector<16xf32>
    %swap3A_1122 = arith.constant 320 : index
    %swap3A_1123 = tpu.vector_load %arg5[%swap3A_1122] {strides = array<i32>} : memref<768xf32, #tpu.memory_space<vmem>>, vector<16xf32>,
    %swap3A_1124 = vector.shape_cast %swap3A_1123 : vector<16xf32> to vector<16xf32>
    %swap3A_1125 = vector.shape_cast %add3A_1121 : vector<16xf32> to vector<16xf32>
    tpu.vector_store %arg5[%swap3A_1122], %swap3A_1125 {strides = array<i32>} : memref<768xf32, #tpu.memory_space<vmem>>, vector<16xf32>,
    %get3A_1126 = arith.constant 336 : index
    %get3A_1127 = tpu.vector_load %arg5[%get3A_1126] {strides = array<i32>} : memref<768xf32, #tpu.memory_space<vmem>>, vector<16xf32>,
    %get3A_1128 = vector.shape_cast %get3A_1127 : vector<16xf32> to vector<16xf32>
    %add3A_1129 = arith.addf %get3A_1128, %scan3A_956#21 : vector<16xf32>
    %swap3A_1130 = arith.constant 336 : index
    %swap3A_1131 = tpu.vector_load %arg5[%swap3A_1130] {strides = array<i32>} : memref<768xf32, #tpu.memory_space<vmem>>, vector<16xf32>,
    %swap3A_1132 = vector.shape_cast %swap3A_1131 : vector<16xf32> to vector<16xf32>
    %swap3A_1133 = vector.shape_cast %add3A_1129 : vector<16xf32> to vector<16xf32>
    tpu.vector_store %arg5[%swap3A_1130], %swap3A_1133 {strides = array<i32>} : memref<768xf32, #tpu.memory_space<vmem>>, vector<16xf32>,
    %get3A_1134 = arith.constant 352 : index
    %get3A_1135 = tpu.vector_load %arg5[%get3A_1134] {strides = array<i32>} : memref<768xf32, #tpu.memory_space<vmem>>, vector<16xf32>,
    %get3A_1136 = vector.shape_cast %get3A_1135 : vector<16xf32> to vector<16xf32>
    %add3A_1137 = arith.addf %get3A_1136, %scan3A_956#22 : vector<16xf32>
    %swap3A_1138 = arith.constant 352 : index
    %swap3A_1139 = tpu.vector_load %arg5[%swap3A_1138] {strides = array<i32>} : memref<768xf32, #tpu.memory_space<vmem>>, vector<16xf32>,
    %swap3A_1140 = vector.shape_cast %swap3A_1139 : vector<16xf32> to vector<16xf32>
    %swap3A_1141 = vector.shape_cast %add3A_1137 : vector<16xf32> to vector<16xf32>
    tpu.vector_store %arg5[%swap3A_1138], %swap3A_1141 {strides = array<i32>} : memref<768xf32, #tpu.memory_space<vmem>>, vector<16xf32>,
    %get3A_1142 = arith.constant 368 : index
    %get3A_1143 = tpu.vector_load %arg5[%get3A_1142] {strides = array<i32>} : memref<768xf32, #tpu.memory_space<vmem>>, vector<16xf32>,
    %get3A_1144 = vector.shape_cast %get3A_1143 : vector<16xf32> to vector<16xf32>
    %add3A_1145 = arith.addf %get3A_1144, %scan3A_956#23 : vector<16xf32>
    %swap3A_1146 = arith.constant 368 : index
    %swap3A_1147 = tpu.vector_load %arg5[%swap3A_1146] {strides = array<i32>} : memref<768xf32, #tpu.memory_space<vmem>>, vector<16xf32>,
    %swap3A_1148 = vector.shape_cast %swap3A_1147 : vector<16xf32> to vector<16xf32>
    %swap3A_1149 = vector.shape_cast %add3A_1145 : vector<16xf32> to vector<16xf32>
    tpu.vector_store %arg5[%swap3A_1146], %swap3A_1149 {strides = array<i32>} : memref<768xf32, #tpu.memory_space<vmem>>, vector<16xf32>,
    %broadcast_in_dim3A_1150 = arith.constant 0.000000e+00 : f32
    %broadcast_in_dim3A_1151 = vector.broadcast %broadcast_in_dim3A_1150 : f32 to vector<16xf32>
    %broadcast_in_dim3A_1152 = arith.constant 0.000000e+00 : f32
    %broadcast_in_dim3A_1153 = vector.broadcast %broadcast_in_dim3A_1152 : f32 to vector<16xf32>
    %broadcast_in_dim3A_1154 = arith.constant 0.000000e+00 : f32
    %broadcast_in_dim3A_1155 = vector.broadcast %broadcast_in_dim3A_1154 : f32 to vector<16xf32>
    %broadcast_in_dim3A_1156 = arith.constant 0.000000e+00 : f32
    %broadcast_in_dim3A_1157 = vector.broadcast %broadcast_in_dim3A_1156 : f32 to vector<16xf32>
    %broadcast_in_dim3A_1158 = arith.constant 0.000000e+00 : f32
    %broadcast_in_dim3A_1159 = vector.broadcast %broadcast_in_dim3A_1158 : f32 to vector<16xf32>
    %broadcast_in_dim3A_1160 = arith.constant 0.000000e+00 : f32
    %broadcast_in_dim3A_1161 = vector.broadcast %broadcast_in_dim3A_1160 : f32 to vector<16xf32>
    %broadcast_in_dim3A_1162 = arith.constant 0.000000e+00 : f32
    %broadcast_in_dim3A_1163 = vector.broadcast %broadcast_in_dim3A_1162 : f32 to vector<16xf32>
    %broadcast_in_dim3A_1164 = arith.constant 0.000000e+00 : f32
    %broadcast_in_dim3A_1165 = vector.broadcast %broadcast_in_dim3A_1164 : f32 to vector<16xf32>
    %broadcast_in_dim3A_1166 = arith.constant 0.000000e+00 : f32
    %broadcast_in_dim3A_1167 = vector.broadcast %broadcast_in_dim3A_1166 : f32 to vector<16xf32>
    %broadcast_in_dim3A_1168 = arith.constant 0.000000e+00 : f32
    %broadcast_in_dim3A_1169 = vector.broadcast %broadcast_in_dim3A_1168 : f32 to vector<16xf32>
    %broadcast_in_dim3A_1170 = arith.constant 0.000000e+00 : f32
    %broadcast_in_dim3A_1171 = vector.broadcast %broadcast_in_dim3A_1170 : f32 to vector<16xf32>
    %broadcast_in_dim3A_1172 = arith.constant 0.000000e+00 : f32
    %broadcast_in_dim3A_1173 = vector.broadcast %broadcast_in_dim3A_1172 : f32 to vector<16xf32>
    %broadcast_in_dim3A_1174 = arith.constant 0.000000e+00 : f32
    %broadcast_in_dim3A_1175 = vector.broadcast %broadcast_in_dim3A_1174 : f32 to vector<16xf32>
    %broadcast_in_dim3A_1176 = arith.constant 0.000000e+00 : f32
    %broadcast_in_dim3A_1177 = vector.broadcast %broadcast_in_dim3A_1176 : f32 to vector<16xf32>
    %broadcast_in_dim3A_1178 = arith.constant 0.000000e+00 : f32
    %broadcast_in_dim3A_1179 = vector.broadcast %broadcast_in_dim3A_1178 : f32 to vector<16xf32>
    %broadcast_in_dim3A_1180 = arith.constant 0.000000e+00 : f32
    %broadcast_in_dim3A_1181 = vector.broadcast %broadcast_in_dim3A_1180 : f32 to vector<16xf32>
    %broadcast_in_dim3A_1182 = arith.constant 0.000000e+00 : f32
    %broadcast_in_dim3A_1183 = vector.broadcast %broadcast_in_dim3A_1182 : f32 to vector<16xf32>
    %broadcast_in_dim3A_1184 = arith.constant 0.000000e+00 : f32
    %broadcast_in_dim3A_1185 = vector.broadcast %broadcast_in_dim3A_1184 : f32 to vector<16xf32>
    %broadcast_in_dim3A_1186 = arith.constant 0.000000e+00 : f32
    %broadcast_in_dim3A_1187 = vector.broadcast %broadcast_in_dim3A_1186 : f32 to vector<16xf32>
    %broadcast_in_dim3A_1188 = arith.constant 0.000000e+00 : f32
    %broadcast_in_dim3A_1189 = vector.broadcast %broadcast_in_dim3A_1188 : f32 to vector<16xf32>
    %broadcast_in_dim3A_1190 = arith.constant 0.000000e+00 : f32
    %broadcast_in_dim3A_1191 = vector.broadcast %broadcast_in_dim3A_1190 : f32 to vector<16xf32>
    %broadcast_in_dim3A_1192 = arith.constant 0.000000e+00 : f32
    %broadcast_in_dim3A_1193 = vector.broadcast %broadcast_in_dim3A_1192 : f32 to vector<16xf32>
    %broadcast_in_dim3A_1194 = arith.constant 0.000000e+00 : f32
    %broadcast_in_dim3A_1195 = vector.broadcast %broadcast_in_dim3A_1194 : f32 to vector<16xf32>
    %broadcast_in_dim3A_1196 = arith.constant 0.000000e+00 : f32
    %broadcast_in_dim3A_1197 = vector.broadcast %broadcast_in_dim3A_1196 : f32 to vector<16xf32>
    %scan3A_1198 = arith.constant 0 : i32
    %scan3A_1199 = arith.constant 32 : i32
    %scan3A_1200 = arith.addi %scan3A_1198, %scan3A_1199 : i32
    %scan3A_1201 = arith.constant 1 : i32
    %scan3A_1202:24 = scf.for %scan3A_1396 = %scan3A_1198 to %scan3A_1200 step %scan3A_1201 iter_args(%scan3A_1397 = %broadcast_in_dim3A_1151, %scan3A_1398 = %broadcast_in_dim3A_1153, %scan3A_1399 = %broadcast_in_dim3A_1155, %scan3A_1400 = %broadcast_in_dim3A_1157, %scan3A_1401 = %broadcast_in_dim3A_1159, %scan3A_1402 = %broadcast_in_dim3A_1161, %scan3A_1403 = %broadcast_in_dim3A_1163, %scan3A_1404 = %broadcast_in_dim3A_1165, %scan3A_1405 = %broadcast_in_dim3A_1167, %scan3A_1406 = %broadcast_in_dim3A_1169, %scan3A_1407 = %broadcast_in_dim3A_1171, %scan3A_1408 = %broadcast_in_dim3A_1173, %scan3A_1409 = %broadcast_in_dim3A_1175, %scan3A_1410 = %broadcast_in_dim3A_1177, %scan3A_1411 = %broadcast_in_dim3A_1179, %scan3A_1412 = %broadcast_in_dim3A_1181, %scan3A_1413 = %broadcast_in_dim3A_1183, %scan3A_1414 = %broadcast_in_dim3A_1185, %scan3A_1415 = %broadcast_in_dim3A_1187, %scan3A_1416 = %broadcast_in_dim3A_1189, %scan3A_1417 = %broadcast_in_dim3A_1191, %scan3A_1418 = %broadcast_in_dim3A_1193, %scan3A_1419 = %broadcast_in_dim3A_1195, %scan3A_1420 = %broadcast_in_dim3A_1197) -> (vector<16xf32>, vector<16xf32>, vector<16xf32>, vector<16xf32>, vector<16xf32>, vector<16xf32>, vector<16xf32>, vector<16xf32>, vector<16xf32>, vector<16xf32>, vector<16xf32>, vector<16xf32>, vector<16xf32>, vector<16xf32>, vector<16xf32>, vector<16xf32>, vector<16xf32>, vector<16xf32>, vector<16xf32>, vector<16xf32>, vector<16xf32>, vector<16xf32>, vector<16xf32>, vector<16xf32>)  : i32 {
      %get3A_1421 = arith.constant 1 : i32
      %get3A_1422 = arith.index_cast %get3A_1421 : i32 to index
      %get3A_1423 = arith.index_cast %scan3A_1396 : i32 to index
      %get3A_1424 = arith.constant 384 : index
      %get3A_1425 = tpu.vector_load %arg4[%get3A_1422, %get3A_1423, %get3A_1424] {strides = array<i32>} : memref<2x32x768xf32, #tpu.memory_space<vmem>>, vector<1x1x16xf32>,
      %get3A_1426 = vector.shape_cast %get3A_1425 : vector<1x1x16xf32> to vector<16xf32>
      %add3A_1427 = arith.addf %scan3A_1397, %get3A_1426 : vector<16xf32>
      %get3A_1428 = arith.constant 1 : i32
      %get3A_1429 = arith.index_cast %get3A_1428 : i32 to index
      %get3A_1430 = arith.index_cast %scan3A_1396 : i32 to index
      %get3A_1431 = arith.constant 400 : index
      %get3A_1432 = tpu.vector_load %arg4[%get3A_1429, %get3A_1430, %get3A_1431] {strides = array<i32>} : memref<2x32x768xf32, #tpu.memory_space<vmem>>, vector<1x1x16xf32>,
      %get3A_1433 = vector.shape_cast %get3A_1432 : vector<1x1x16xf32> to vector<16xf32>
      %add3A_1434 = arith.addf %scan3A_1398, %get3A_1433 : vector<16xf32>
      %get3A_1435 = arith.constant 1 : i32
      %get3A_1436 = arith.index_cast %get3A_1435 : i32 to index
      %get3A_1437 = arith.index_cast %scan3A_1396 : i32 to index
      %get3A_1438 = arith.constant 416 : index
      %get3A_1439 = tpu.vector_load %arg4[%get3A_1436, %get3A_1437, %get3A_1438] {strides = array<i32>} : memref<2x32x768xf32, #tpu.memory_space<vmem>>, vector<1x1x16xf32>,
      %get3A_1440 = vector.shape_cast %get3A_1439 : vector<1x1x16xf32> to vector<16xf32>
      %add3A_1441 = arith.addf %scan3A_1399, %get3A_1440 : vector<16xf32>
      %get3A_1442 = arith.constant 1 : i32
      %get3A_1443 = arith.index_cast %get3A_1442 : i32 to index
      %get3A_1444 = arith.index_cast %scan3A_1396 : i32 to index
      %get3A_1445 = arith.constant 432 : index
      %get3A_1446 = tpu.vector_load %arg4[%get3A_1443, %get3A_1444, %get3A_1445] {strides = array<i32>} : memref<2x32x768xf32, #tpu.memory_space<vmem>>, vector<1x1x16xf32>,
      %get3A_1447 = vector.shape_cast %get3A_1446 : vector<1x1x16xf32> to vector<16xf32>
      %add3A_1448 = arith.addf %scan3A_1400, %get3A_1447 : vector<16xf32>
      %get3A_1449 = arith.constant 1 : i32
      %get3A_1450 = arith.index_cast %get3A_1449 : i32 to index
      %get3A_1451 = arith.index_cast %scan3A_1396 : i32 to index
      %get3A_1452 = arith.constant 448 : index
      %get3A_1453 = tpu.vector_load %arg4[%get3A_1450, %get3A_1451, %get3A_1452] {strides = array<i32>} : memref<2x32x768xf32, #tpu.memory_space<vmem>>, vector<1x1x16xf32>,
      %get3A_1454 = vector.shape_cast %get3A_1453 : vector<1x1x16xf32> to vector<16xf32>
      %add3A_1455 = arith.addf %scan3A_1401, %get3A_1454 : vector<16xf32>
      %get3A_1456 = arith.constant 1 : i32
      %get3A_1457 = arith.index_cast %get3A_1456 : i32 to index
      %get3A_1458 = arith.index_cast %scan3A_1396 : i32 to index
      %get3A_1459 = arith.constant 464 : index
      %get3A_1460 = tpu.vector_load %arg4[%get3A_1457, %get3A_1458, %get3A_1459] {strides = array<i32>} : memref<2x32x768xf32, #tpu.memory_space<vmem>>, vector<1x1x16xf32>,
      %get3A_1461 = vector.shape_cast %get3A_1460 : vector<1x1x16xf32> to vector<16xf32>
      %add3A_1462 = arith.addf %scan3A_1402, %get3A_1461 : vector<16xf32>
      %get3A_1463 = arith.constant 1 : i32
      %get3A_1464 = arith.index_cast %get3A_1463 : i32 to index
      %get3A_1465 = arith.index_cast %scan3A_1396 : i32 to index
      %get3A_1466 = arith.constant 480 : index
      %get3A_1467 = tpu.vector_load %arg4[%get3A_1464, %get3A_1465, %get3A_1466] {strides = array<i32>} : memref<2x32x768xf32, #tpu.memory_space<vmem>>, vector<1x1x16xf32>,
      %get3A_1468 = vector.shape_cast %get3A_1467 : vector<1x1x16xf32> to vector<16xf32>
      %add3A_1469 = arith.addf %scan3A_1403, %get3A_1468 : vector<16xf32>
      %get3A_1470 = arith.constant 1 : i32
      %get3A_1471 = arith.index_cast %get3A_1470 : i32 to index
      %get3A_1472 = arith.index_cast %scan3A_1396 : i32 to index
      %get3A_1473 = arith.constant 496 : index
      %get3A_1474 = tpu.vector_load %arg4[%get3A_1471, %get3A_1472, %get3A_1473] {strides = array<i32>} : memref<2x32x768xf32, #tpu.memory_space<vmem>>, vector<1x1x16xf32>,
      %get3A_1475 = vector.shape_cast %get3A_1474 : vector<1x1x16xf32> to vector<16xf32>
      %add3A_1476 = arith.addf %scan3A_1404, %get3A_1475 : vector<16xf32>
      %get3A_1477 = arith.constant 1 : i32
      %get3A_1478 = arith.index_cast %get3A_1477 : i32 to index
      %get3A_1479 = arith.index_cast %scan3A_1396 : i32 to index
      %get3A_1480 = arith.constant 512 : index
      %get3A_1481 = tpu.vector_load %arg4[%get3A_1478, %get3A_1479, %get3A_1480] {strides = array<i32>} : memref<2x32x768xf32, #tpu.memory_space<vmem>>, vector<1x1x16xf32>,
      %get3A_1482 = vector.shape_cast %get3A_1481 : vector<1x1x16xf32> to vector<16xf32>
      %add3A_1483 = arith.addf %scan3A_1405, %get3A_1482 : vector<16xf32>
      %get3A_1484 = arith.constant 1 : i32
      %get3A_1485 = arith.index_cast %get3A_1484 : i32 to index
      %get3A_1486 = arith.index_cast %scan3A_1396 : i32 to index
      %get3A_1487 = arith.constant 528 : index
      %get3A_1488 = tpu.vector_load %arg4[%get3A_1485, %get3A_1486, %get3A_1487] {strides = array<i32>} : memref<2x32x768xf32, #tpu.memory_space<vmem>>, vector<1x1x16xf32>,
      %get3A_1489 = vector.shape_cast %get3A_1488 : vector<1x1x16xf32> to vector<16xf32>
      %add3A_1490 = arith.addf %scan3A_1406, %get3A_1489 : vector<16xf32>
      %get3A_1491 = arith.constant 1 : i32
      %get3A_1492 = arith.index_cast %get3A_1491 : i32 to index
      %get3A_1493 = arith.index_cast %scan3A_1396 : i32 to index
      %get3A_1494 = arith.constant 544 : index
      %get3A_1495 = tpu.vector_load %arg4[%get3A_1492, %get3A_1493, %get3A_1494] {strides = array<i32>} : memref<2x32x768xf32, #tpu.memory_space<vmem>>, vector<1x1x16xf32>,
      %get3A_1496 = vector.shape_cast %get3A_1495 : vector<1x1x16xf32> to vector<16xf32>
      %add3A_1497 = arith.addf %scan3A_1407, %get3A_1496 : vector<16xf32>
      %get3A_1498 = arith.constant 1 : i32
      %get3A_1499 = arith.index_cast %get3A_1498 : i32 to index
      %get3A_1500 = arith.index_cast %scan3A_1396 : i32 to index
      %get3A_1501 = arith.constant 560 : index
      %get3A_1502 = tpu.vector_load %arg4[%get3A_1499, %get3A_1500, %get3A_1501] {strides = array<i32>} : memref<2x32x768xf32, #tpu.memory_space<vmem>>, vector<1x1x16xf32>,
      %get3A_1503 = vector.shape_cast %get3A_1502 : vector<1x1x16xf32> to vector<16xf32>
      %add3A_1504 = arith.addf %scan3A_1408, %get3A_1503 : vector<16xf32>
      %get3A_1505 = arith.constant 1 : i32
      %get3A_1506 = arith.index_cast %get3A_1505 : i32 to index
      %get3A_1507 = arith.index_cast %scan3A_1396 : i32 to index
      %get3A_1508 = arith.constant 576 : index
      %get3A_1509 = tpu.vector_load %arg4[%get3A_1506, %get3A_1507, %get3A_1508] {strides = array<i32>} : memref<2x32x768xf32, #tpu.memory_space<vmem>>, vector<1x1x16xf32>,
      %get3A_1510 = vector.shape_cast %get3A_1509 : vector<1x1x16xf32> to vector<16xf32>
      %add3A_1511 = arith.addf %scan3A_1409, %get3A_1510 : vector<16xf32>
      %get3A_1512 = arith.constant 1 : i32
      %get3A_1513 = arith.index_cast %get3A_1512 : i32 to index
      %get3A_1514 = arith.index_cast %scan3A_1396 : i32 to index
      %get3A_1515 = arith.constant 592 : index
      %get3A_1516 = tpu.vector_load %arg4[%get3A_1513, %get3A_1514, %get3A_1515] {strides = array<i32>} : memref<2x32x768xf32, #tpu.memory_space<vmem>>, vector<1x1x16xf32>,
      %get3A_1517 = vector.shape_cast %get3A_1516 : vector<1x1x16xf32> to vector<16xf32>
      %add3A_1518 = arith.addf %scan3A_1410, %get3A_1517 : vector<16xf32>
      %get3A_1519 = arith.constant 1 : i32
      %get3A_1520 = arith.index_cast %get3A_1519 : i32 to index
      %get3A_1521 = arith.index_cast %scan3A_1396 : i32 to index
      %get3A_1522 = arith.constant 608 : index
      %get3A_1523 = tpu.vector_load %arg4[%get3A_1520, %get3A_1521, %get3A_1522] {strides = array<i32>} : memref<2x32x768xf32, #tpu.memory_space<vmem>>, vector<1x1x16xf32>,
      %get3A_1524 = vector.shape_cast %get3A_1523 : vector<1x1x16xf32> to vector<16xf32>
      %add3A_1525 = arith.addf %scan3A_1411, %get3A_1524 : vector<16xf32>
      %get3A_1526 = arith.constant 1 : i32
      %get3A_1527 = arith.index_cast %get3A_1526 : i32 to index
      %get3A_1528 = arith.index_cast %scan3A_1396 : i32 to index
      %get3A_1529 = arith.constant 624 : index
      %get3A_1530 = tpu.vector_load %arg4[%get3A_1527, %get3A_1528, %get3A_1529] {strides = array<i32>} : memref<2x32x768xf32, #tpu.memory_space<vmem>>, vector<1x1x16xf32>,
      %get3A_1531 = vector.shape_cast %get3A_1530 : vector<1x1x16xf32> to vector<16xf32>
      %add3A_1532 = arith.addf %scan3A_1412, %get3A_1531 : vector<16xf32>
      %get3A_1533 = arith.constant 1 : i32
      %get3A_1534 = arith.index_cast %get3A_1533 : i32 to index
      %get3A_1535 = arith.index_cast %scan3A_1396 : i32 to index
      %get3A_1536 = arith.constant 640 : index
      %get3A_1537 = tpu.vector_load %arg4[%get3A_1534, %get3A_1535, %get3A_1536] {strides = array<i32>} : memref<2x32x768xf32, #tpu.memory_space<vmem>>, vector<1x1x16xf32>,
      %get3A_1538 = vector.shape_cast %get3A_1537 : vector<1x1x16xf32> to vector<16xf32>
      %add3A_1539 = arith.addf %scan3A_1413, %get3A_1538 : vector<16xf32>
      %get3A_1540 = arith.constant 1 : i32
      %get3A_1541 = arith.index_cast %get3A_1540 : i32 to index
      %get3A_1542 = arith.index_cast %scan3A_1396 : i32 to index
      %get3A_1543 = arith.constant 656 : index
      %get3A_1544 = tpu.vector_load %arg4[%get3A_1541, %get3A_1542, %get3A_1543] {strides = array<i32>} : memref<2x32x768xf32, #tpu.memory_space<vmem>>, vector<1x1x16xf32>,
      %get3A_1545 = vector.shape_cast %get3A_1544 : vector<1x1x16xf32> to vector<16xf32>
      %add3A_1546 = arith.addf %scan3A_1414, %get3A_1545 : vector<16xf32>
      %get3A_1547 = arith.constant 1 : i32
      %get3A_1548 = arith.index_cast %get3A_1547 : i32 to index
      %get3A_1549 = arith.index_cast %scan3A_1396 : i32 to index
      %get3A_1550 = arith.constant 672 : index
      %get3A_1551 = tpu.vector_load %arg4[%get3A_1548, %get3A_1549, %get3A_1550] {strides = array<i32>} : memref<2x32x768xf32, #tpu.memory_space<vmem>>, vector<1x1x16xf32>,
      %get3A_1552 = vector.shape_cast %get3A_1551 : vector<1x1x16xf32> to vector<16xf32>
      %add3A_1553 = arith.addf %scan3A_1415, %get3A_1552 : vector<16xf32>
      %get3A_1554 = arith.constant 1 : i32
      %get3A_1555 = arith.index_cast %get3A_1554 : i32 to index
      %get3A_1556 = arith.index_cast %scan3A_1396 : i32 to index
      %get3A_1557 = arith.constant 688 : index
      %get3A_1558 = tpu.vector_load %arg4[%get3A_1555, %get3A_1556, %get3A_1557] {strides = array<i32>} : memref<2x32x768xf32, #tpu.memory_space<vmem>>, vector<1x1x16xf32>,
      %get3A_1559 = vector.shape_cast %get3A_1558 : vector<1x1x16xf32> to vector<16xf32>
      %add3A_1560 = arith.addf %scan3A_1416, %get3A_1559 : vector<16xf32>
      %get3A_1561 = arith.constant 1 : i32
      %get3A_1562 = arith.index_cast %get3A_1561 : i32 to index
      %get3A_1563 = arith.index_cast %scan3A_1396 : i32 to index
      %get3A_1564 = arith.constant 704 : index
      %get3A_1565 = tpu.vector_load %arg4[%get3A_1562, %get3A_1563, %get3A_1564] {strides = array<i32>} : memref<2x32x768xf32, #tpu.memory_space<vmem>>, vector<1x1x16xf32>,
      %get3A_1566 = vector.shape_cast %get3A_1565 : vector<1x1x16xf32> to vector<16xf32>
      %add3A_1567 = arith.addf %scan3A_1417, %get3A_1566 : vector<16xf32>
      %get3A_1568 = arith.constant 1 : i32
      %get3A_1569 = arith.index_cast %get3A_1568 : i32 to index
      %get3A_1570 = arith.index_cast %scan3A_1396 : i32 to index
      %get3A_1571 = arith.constant 720 : index
      %get3A_1572 = tpu.vector_load %arg4[%get3A_1569, %get3A_1570, %get3A_1571] {strides = array<i32>} : memref<2x32x768xf32, #tpu.memory_space<vmem>>, vector<1x1x16xf32>,
      %get3A_1573 = vector.shape_cast %get3A_1572 : vector<1x1x16xf32> to vector<16xf32>
      %add3A_1574 = arith.addf %scan3A_1418, %get3A_1573 : vector<16xf32>
      %get3A_1575 = arith.constant 1 : i32
      %get3A_1576 = arith.index_cast %get3A_1575 : i32 to index
      %get3A_1577 = arith.index_cast %scan3A_1396 : i32 to index
      %get3A_1578 = arith.constant 736 : index
      %get3A_1579 = tpu.vector_load %arg4[%get3A_1576, %get3A_1577, %get3A_1578] {strides = array<i32>} : memref<2x32x768xf32, #tpu.memory_space<vmem>>, vector<1x1x16xf32>,
      %get3A_1580 = vector.shape_cast %get3A_1579 : vector<1x1x16xf32> to vector<16xf32>
      %add3A_1581 = arith.addf %scan3A_1419, %get3A_1580 : vector<16xf32>
      %get3A_1582 = arith.constant 1 : i32
      %get3A_1583 = arith.index_cast %get3A_1582 : i32 to index
      %get3A_1584 = arith.index_cast %scan3A_1396 : i32 to index
      %get3A_1585 = arith.constant 752 : index
      %get3A_1586 = tpu.vector_load %arg4[%get3A_1583, %get3A_1584, %get3A_1585] {strides = array<i32>} : memref<2x32x768xf32, #tpu.memory_space<vmem>>, vector<1x1x16xf32>,
      %get3A_1587 = vector.shape_cast %get3A_1586 : vector<1x1x16xf32> to vector<16xf32>
      %add3A_1588 = arith.addf %scan3A_1420, %get3A_1587 : vector<16xf32>
      scf.yield %add3A_1427, %add3A_1434, %add3A_1441, %add3A_1448, %add3A_1455, %add3A_1462, %add3A_1469, %add3A_1476, %add3A_1483, %add3A_1490, %add3A_1497, %add3A_1504, %add3A_1511, %add3A_1518, %add3A_1525, %add3A_1532, %add3A_1539, %add3A_1546, %add3A_1553, %add3A_1560, %add3A_1567, %add3A_1574, %add3A_1581, %add3A_1588 : vector<16xf32>, vector<16xf32>, vector<16xf32>, vector<16xf32>, vector<16xf32>, vector<16xf32>, vector<16xf32>, vector<16xf32>, vector<16xf32>, vector<16xf32>, vector<16xf32>, vector<16xf32>, vector<16xf32>, vector<16xf32>, vector<16xf32>, vector<16xf32>, vector<16xf32>, vector<16xf32>, vector<16xf32>, vector<16xf32>, vector<16xf32>, vector<16xf32>, vector<16xf32>, vector<16xf32>
    }
    %scan3A_1203 = arith.constant 32 : i32
    %get3A_1204 = arith.constant 384 : index
    %get3A_1205 = tpu.vector_load %arg5[%get3A_1204] {strides = array<i32>} : memref<768xf32, #tpu.memory_space<vmem>>, vector<16xf32>,
    %get3A_1206 = vector.shape_cast %get3A_1205 : vector<16xf32> to vector<16xf32>
    %add3A_1207 = arith.addf %get3A_1206, %scan3A_1202#0 : vector<16xf32>
    %swap3A_1208 = arith.constant 384 : index
    %swap3A_1209 = tpu.vector_load %arg5[%swap3A_1208] {strides = array<i32>} : memref<768xf32, #tpu.memory_space<vmem>>, vector<16xf32>,
    %swap3A_1210 = vector.shape_cast %swap3A_1209 : vector<16xf32> to vector<16xf32>
    %swap3A_1211 = vector.shape_cast %add3A_1207 : vector<16xf32> to vector<16xf32>
    tpu.vector_store %arg5[%swap3A_1208], %swap3A_1211 {strides = array<i32>} : memref<768xf32, #tpu.memory_space<vmem>>, vector<16xf32>,
    %get3A_1212 = arith.constant 400 : index
    %get3A_1213 = tpu.vector_load %arg5[%get3A_1212] {strides = array<i32>} : memref<768xf32, #tpu.memory_space<vmem>>, vector<16xf32>,
    %get3A_1214 = vector.shape_cast %get3A_1213 : vector<16xf32> to vector<16xf32>
    %add3A_1215 = arith.addf %get3A_1214, %scan3A_1202#1 : vector<16xf32>
    %swap3A_1216 = arith.constant 400 : index
    %swap3A_1217 = tpu.vector_load %arg5[%swap3A_1216] {strides = array<i32>} : memref<768xf32, #tpu.memory_space<vmem>>, vector<16xf32>,
    %swap3A_1218 = vector.shape_cast %swap3A_1217 : vector<16xf32> to vector<16xf32>
    %swap3A_1219 = vector.shape_cast %add3A_1215 : vector<16xf32> to vector<16xf32>
    tpu.vector_store %arg5[%swap3A_1216], %swap3A_1219 {strides = array<i32>} : memref<768xf32, #tpu.memory_space<vmem>>, vector<16xf32>,
    %get3A_1220 = arith.constant 416 : index
    %get3A_1221 = tpu.vector_load %arg5[%get3A_1220] {strides = array<i32>} : memref<768xf32, #tpu.memory_space<vmem>>, vector<16xf32>,
    %get3A_1222 = vector.shape_cast %get3A_1221 : vector<16xf32> to vector<16xf32>
    %add3A_1223 = arith.addf %get3A_1222, %scan3A_1202#2 : vector<16xf32>
    %swap3A_1224 = arith.constant 416 : index
    %swap3A_1225 = tpu.vector_load %arg5[%swap3A_1224] {strides = array<i32>} : memref<768xf32, #tpu.memory_space<vmem>>, vector<16xf32>,
    %swap3A_1226 = vector.shape_cast %swap3A_1225 : vector<16xf32> to vector<16xf32>
    %swap3A_1227 = vector.shape_cast %add3A_1223 : vector<16xf32> to vector<16xf32>
    tpu.vector_store %arg5[%swap3A_1224], %swap3A_1227 {strides = array<i32>} : memref<768xf32, #tpu.memory_space<vmem>>, vector<16xf32>,
    %get3A_1228 = arith.constant 432 : index
    %get3A_1229 = tpu.vector_load %arg5[%get3A_1228] {strides = array<i32>} : memref<768xf32, #tpu.memory_space<vmem>>, vector<16xf32>,
    %get3A_1230 = vector.shape_cast %get3A_1229 : vector<16xf32> to vector<16xf32>
    %add3A_1231 = arith.addf %get3A_1230, %scan3A_1202#3 : vector<16xf32>
    %swap3A_1232 = arith.constant 432 : index
    %swap3A_1233 = tpu.vector_load %arg5[%swap3A_1232] {strides = array<i32>} : memref<768xf32, #tpu.memory_space<vmem>>, vector<16xf32>,
    %swap3A_1234 = vector.shape_cast %swap3A_1233 : vector<16xf32> to vector<16xf32>
    %swap3A_1235 = vector.shape_cast %add3A_1231 : vector<16xf32> to vector<16xf32>
    tpu.vector_store %arg5[%swap3A_1232], %swap3A_1235 {strides = array<i32>} : memref<768xf32, #tpu.memory_space<vmem>>, vector<16xf32>,
    %get3A_1236 = arith.constant 448 : index
    %get3A_1237 = tpu.vector_load %arg5[%get3A_1236] {strides = array<i32>} : memref<768xf32, #tpu.memory_space<vmem>>, vector<16xf32>,
    %get3A_1238 = vector.shape_cast %get3A_1237 : vector<16xf32> to vector<16xf32>
    %add3A_1239 = arith.addf %get3A_1238, %scan3A_1202#4 : vector<16xf32>
    %swap3A_1240 = arith.constant 448 : index
    %swap3A_1241 = tpu.vector_load %arg5[%swap3A_1240] {strides = array<i32>} : memref<768xf32, #tpu.memory_space<vmem>>, vector<16xf32>,
    %swap3A_1242 = vector.shape_cast %swap3A_1241 : vector<16xf32> to vector<16xf32>
    %swap3A_1243 = vector.shape_cast %add3A_1239 : vector<16xf32> to vector<16xf32>
    tpu.vector_store %arg5[%swap3A_1240], %swap3A_1243 {strides = array<i32>} : memref<768xf32, #tpu.memory_space<vmem>>, vector<16xf32>,
    %get3A_1244 = arith.constant 464 : index
    %get3A_1245 = tpu.vector_load %arg5[%get3A_1244] {strides = array<i32>} : memref<768xf32, #tpu.memory_space<vmem>>, vector<16xf32>,
    %get3A_1246 = vector.shape_cast %get3A_1245 : vector<16xf32> to vector<16xf32>
    %add3A_1247 = arith.addf %get3A_1246, %scan3A_1202#5 : vector<16xf32>
    %swap3A_1248 = arith.constant 464 : index
    %swap3A_1249 = tpu.vector_load %arg5[%swap3A_1248] {strides = array<i32>} : memref<768xf32, #tpu.memory_space<vmem>>, vector<16xf32>,
    %swap3A_1250 = vector.shape_cast %swap3A_1249 : vector<16xf32> to vector<16xf32>
    %swap3A_1251 = vector.shape_cast %add3A_1247 : vector<16xf32> to vector<16xf32>
    tpu.vector_store %arg5[%swap3A_1248], %swap3A_1251 {strides = array<i32>} : memref<768xf32, #tpu.memory_space<vmem>>, vector<16xf32>,
    %get3A_1252 = arith.constant 480 : index
    %get3A_1253 = tpu.vector_load %arg5[%get3A_1252] {strides = array<i32>} : memref<768xf32, #tpu.memory_space<vmem>>, vector<16xf32>,
    %get3A_1254 = vector.shape_cast %get3A_1253 : vector<16xf32> to vector<16xf32>
    %add3A_1255 = arith.addf %get3A_1254, %scan3A_1202#6 : vector<16xf32>
    %swap3A_1256 = arith.constant 480 : index
    %swap3A_1257 = tpu.vector_load %arg5[%swap3A_1256] {strides = array<i32>} : memref<768xf32, #tpu.memory_space<vmem>>, vector<16xf32>,
    %swap3A_1258 = vector.shape_cast %swap3A_1257 : vector<16xf32> to vector<16xf32>
    %swap3A_1259 = vector.shape_cast %add3A_1255 : vector<16xf32> to vector<16xf32>
    tpu.vector_store %arg5[%swap3A_1256], %swap3A_1259 {strides = array<i32>} : memref<768xf32, #tpu.memory_space<vmem>>, vector<16xf32>,
    %get3A_1260 = arith.constant 496 : index
    %get3A_1261 = tpu.vector_load %arg5[%get3A_1260] {strides = array<i32>} : memref<768xf32, #tpu.memory_space<vmem>>, vector<16xf32>,
    %get3A_1262 = vector.shape_cast %get3A_1261 : vector<16xf32> to vector<16xf32>
    %add3A_1263 = arith.addf %get3A_1262, %scan3A_1202#7 : vector<16xf32>
    %swap3A_1264 = arith.constant 496 : index
    %swap3A_1265 = tpu.vector_load %arg5[%swap3A_1264] {strides = array<i32>} : memref<768xf32, #tpu.memory_space<vmem>>, vector<16xf32>,
    %swap3A_1266 = vector.shape_cast %swap3A_1265 : vector<16xf32> to vector<16xf32>
    %swap3A_1267 = vector.shape_cast %add3A_1263 : vector<16xf32> to vector<16xf32>
    tpu.vector_store %arg5[%swap3A_1264], %swap3A_1267 {strides = array<i32>} : memref<768xf32, #tpu.memory_space<vmem>>, vector<16xf32>,
    %get3A_1268 = arith.constant 512 : index
    %get3A_1269 = tpu.vector_load %arg5[%get3A_1268] {strides = array<i32>} : memref<768xf32, #tpu.memory_space<vmem>>, vector<16xf32>,
    %get3A_1270 = vector.shape_cast %get3A_1269 : vector<16xf32> to vector<16xf32>
    %add3A_1271 = arith.addf %get3A_1270, %scan3A_1202#8 : vector<16xf32>
    %swap3A_1272 = arith.constant 512 : index
    %swap3A_1273 = tpu.vector_load %arg5[%swap3A_1272] {strides = array<i32>} : memref<768xf32, #tpu.memory_space<vmem>>, vector<16xf32>,
    %swap3A_1274 = vector.shape_cast %swap3A_1273 : vector<16xf32> to vector<16xf32>
    %swap3A_1275 = vector.shape_cast %add3A_1271 : vector<16xf32> to vector<16xf32>
    tpu.vector_store %arg5[%swap3A_1272], %swap3A_1275 {strides = array<i32>} : memref<768xf32, #tpu.memory_space<vmem>>, vector<16xf32>,
    %get3A_1276 = arith.constant 528 : index
    %get3A_1277 = tpu.vector_load %arg5[%get3A_1276] {strides = array<i32>} : memref<768xf32, #tpu.memory_space<vmem>>, vector<16xf32>,
    %get3A_1278 = vector.shape_cast %get3A_1277 : vector<16xf32> to vector<16xf32>
    %add3A_1279 = arith.addf %get3A_1278, %scan3A_1202#9 : vector<16xf32>
    %swap3A_1280 = arith.constant 528 : index
    %swap3A_1281 = tpu.vector_load %arg5[%swap3A_1280] {strides = array<i32>} : memref<768xf32, #tpu.memory_space<vmem>>, vector<16xf32>,
    %swap3A_1282 = vector.shape_cast %swap3A_1281 : vector<16xf32> to vector<16xf32>
    %swap3A_1283 = vector.shape_cast %add3A_1279 : vector<16xf32> to vector<16xf32>
    tpu.vector_store %arg5[%swap3A_1280], %swap3A_1283 {strides = array<i32>} : memref<768xf32, #tpu.memory_space<vmem>>, vector<16xf32>,
    %get3A_1284 = arith.constant 544 : index
    %get3A_1285 = tpu.vector_load %arg5[%get3A_1284] {strides = array<i32>} : memref<768xf32, #tpu.memory_space<vmem>>, vector<16xf32>,
    %get3A_1286 = vector.shape_cast %get3A_1285 : vector<16xf32> to vector<16xf32>
    %add3A_1287 = arith.addf %get3A_1286, %scan3A_1202#10 : vector<16xf32>
    %swap3A_1288 = arith.constant 544 : index
    %swap3A_1289 = tpu.vector_load %arg5[%swap3A_1288] {strides = array<i32>} : memref<768xf32, #tpu.memory_space<vmem>>, vector<16xf32>,
    %swap3A_1290 = vector.shape_cast %swap3A_1289 : vector<16xf32> to vector<16xf32>
    %swap3A_1291 = vector.shape_cast %add3A_1287 : vector<16xf32> to vector<16xf32>
    tpu.vector_store %arg5[%swap3A_1288], %swap3A_1291 {strides = array<i32>} : memref<768xf32, #tpu.memory_space<vmem>>, vector<16xf32>,
    %get3A_1292 = arith.constant 560 : index
    %get3A_1293 = tpu.vector_load %arg5[%get3A_1292] {strides = array<i32>} : memref<768xf32, #tpu.memory_space<vmem>>, vector<16xf32>,
    %get3A_1294 = vector.shape_cast %get3A_1293 : vector<16xf32> to vector<16xf32>
    %add3A_1295 = arith.addf %get3A_1294, %scan3A_1202#11 : vector<16xf32>
    %swap3A_1296 = arith.constant 560 : index
    %swap3A_1297 = tpu.vector_load %arg5[%swap3A_1296] {strides = array<i32>} : memref<768xf32, #tpu.memory_space<vmem>>, vector<16xf32>,
    %swap3A_1298 = vector.shape_cast %swap3A_1297 : vector<16xf32> to vector<16xf32>
    %swap3A_1299 = vector.shape_cast %add3A_1295 : vector<16xf32> to vector<16xf32>
    tpu.vector_store %arg5[%swap3A_1296], %swap3A_1299 {strides = array<i32>} : memref<768xf32, #tpu.memory_space<vmem>>, vector<16xf32>,
    %get3A_1300 = arith.constant 576 : index
    %get3A_1301 = tpu.vector_load %arg5[%get3A_1300] {strides = array<i32>} : memref<768xf32, #tpu.memory_space<vmem>>, vector<16xf32>,
    %get3A_1302 = vector.shape_cast %get3A_1301 : vector<16xf32> to vector<16xf32>
    %add3A_1303 = arith.addf %get3A_1302, %scan3A_1202#12 : vector<16xf32>
    %swap3A_1304 = arith.constant 576 : index
    %swap3A_1305 = tpu.vector_load %arg5[%swap3A_1304] {strides = array<i32>} : memref<768xf32, #tpu.memory_space<vmem>>, vector<16xf32>,
    %swap3A_1306 = vector.shape_cast %swap3A_1305 : vector<16xf32> to vector<16xf32>
    %swap3A_1307 = vector.shape_cast %add3A_1303 : vector<16xf32> to vector<16xf32>
    tpu.vector_store %arg5[%swap3A_1304], %swap3A_1307 {strides = array<i32>} : memref<768xf32, #tpu.memory_space<vmem>>, vector<16xf32>,
    %get3A_1308 = arith.constant 592 : index
    %get3A_1309 = tpu.vector_load %arg5[%get3A_1308] {strides = array<i32>} : memref<768xf32, #tpu.memory_space<vmem>>, vector<16xf32>,
    %get3A_1310 = vector.shape_cast %get3A_1309 : vector<16xf32> to vector<16xf32>
    %add3A_1311 = arith.addf %get3A_1310, %scan3A_1202#13 : vector<16xf32>
    %swap3A_1312 = arith.constant 592 : index
    %swap3A_1313 = tpu.vector_load %arg5[%swap3A_1312] {strides = array<i32>} : memref<768xf32, #tpu.memory_space<vmem>>, vector<16xf32>,
    %swap3A_1314 = vector.shape_cast %swap3A_1313 : vector<16xf32> to vector<16xf32>
    %swap3A_1315 = vector.shape_cast %add3A_1311 : vector<16xf32> to vector<16xf32>
    tpu.vector_store %arg5[%swap3A_1312], %swap3A_1315 {strides = array<i32>} : memref<768xf32, #tpu.memory_space<vmem>>, vector<16xf32>,
    %get3A_1316 = arith.constant 608 : index
    %get3A_1317 = tpu.vector_load %arg5[%get3A_1316] {strides = array<i32>} : memref<768xf32, #tpu.memory_space<vmem>>, vector<16xf32>,
    %get3A_1318 = vector.shape_cast %get3A_1317 : vector<16xf32> to vector<16xf32>
    %add3A_1319 = arith.addf %get3A_1318, %scan3A_1202#14 : vector<16xf32>
    %swap3A_1320 = arith.constant 608 : index
    %swap3A_1321 = tpu.vector_load %arg5[%swap3A_1320] {strides = array<i32>} : memref<768xf32, #tpu.memory_space<vmem>>, vector<16xf32>,
    %swap3A_1322 = vector.shape_cast %swap3A_1321 : vector<16xf32> to vector<16xf32>
    %swap3A_1323 = vector.shape_cast %add3A_1319 : vector<16xf32> to vector<16xf32>
    tpu.vector_store %arg5[%swap3A_1320], %swap3A_1323 {strides = array<i32>} : memref<768xf32, #tpu.memory_space<vmem>>, vector<16xf32>,
    %get3A_1324 = arith.constant 624 : index
    %get3A_1325 = tpu.vector_load %arg5[%get3A_1324] {strides = array<i32>} : memref<768xf32, #tpu.memory_space<vmem>>, vector<16xf32>,
    %get3A_1326 = vector.shape_cast %get3A_1325 : vector<16xf32> to vector<16xf32>
    %add3A_1327 = arith.addf %get3A_1326, %scan3A_1202#15 : vector<16xf32>
    %swap3A_1328 = arith.constant 624 : index
    %swap3A_1329 = tpu.vector_load %arg5[%swap3A_1328] {strides = array<i32>} : memref<768xf32, #tpu.memory_space<vmem>>, vector<16xf32>,
    %swap3A_1330 = vector.shape_cast %swap3A_1329 : vector<16xf32> to vector<16xf32>
    %swap3A_1331 = vector.shape_cast %add3A_1327 : vector<16xf32> to vector<16xf32>
    tpu.vector_store %arg5[%swap3A_1328], %swap3A_1331 {strides = array<i32>} : memref<768xf32, #tpu.memory_space<vmem>>, vector<16xf32>,
    %get3A_1332 = arith.constant 640 : index
    %get3A_1333 = tpu.vector_load %arg5[%get3A_1332] {strides = array<i32>} : memref<768xf32, #tpu.memory_space<vmem>>, vector<16xf32>,
    %get3A_1334 = vector.shape_cast %get3A_1333 : vector<16xf32> to vector<16xf32>
    %add3A_1335 = arith.addf %get3A_1334, %scan3A_1202#16 : vector<16xf32>
    %swap3A_1336 = arith.constant 640 : index
    %swap3A_1337 = tpu.vector_load %arg5[%swap3A_1336] {strides = array<i32>} : memref<768xf32, #tpu.memory_space<vmem>>, vector<16xf32>,
    %swap3A_1338 = vector.shape_cast %swap3A_1337 : vector<16xf32> to vector<16xf32>
    %swap3A_1339 = vector.shape_cast %add3A_1335 : vector<16xf32> to vector<16xf32>
    tpu.vector_store %arg5[%swap3A_1336], %swap3A_1339 {strides = array<i32>} : memref<768xf32, #tpu.memory_space<vmem>>, vector<16xf32>,
    %get3A_1340 = arith.constant 656 : index
    %get3A_1341 = tpu.vector_load %arg5[%get3A_1340] {strides = array<i32>} : memref<768xf32, #tpu.memory_space<vmem>>, vector<16xf32>,
    %get3A_1342 = vector.shape_cast %get3A_1341 : vector<16xf32> to vector<16xf32>
    %add3A_1343 = arith.addf %get3A_1342, %scan3A_1202#17 : vector<16xf32>
    %swap3A_1344 = arith.constant 656 : index
    %swap3A_1345 = tpu.vector_load %arg5[%swap3A_1344] {strides = array<i32>} : memref<768xf32, #tpu.memory_space<vmem>>, vector<16xf32>,
    %swap3A_1346 = vector.shape_cast %swap3A_1345 : vector<16xf32> to vector<16xf32>
    %swap3A_1347 = vector.shape_cast %add3A_1343 : vector<16xf32> to vector<16xf32>
    tpu.vector_store %arg5[%swap3A_1344], %swap3A_1347 {strides = array<i32>} : memref<768xf32, #tpu.memory_space<vmem>>, vector<16xf32>,
    %get3A_1348 = arith.constant 672 : index
    %get3A_1349 = tpu.vector_load %arg5[%get3A_1348] {strides = array<i32>} : memref<768xf32, #tpu.memory_space<vmem>>, vector<16xf32>,
    %get3A_1350 = vector.shape_cast %get3A_1349 : vector<16xf32> to vector<16xf32>
    %add3A_1351 = arith.addf %get3A_1350, %scan3A_1202#18 : vector<16xf32>
    %swap3A_1352 = arith.constant 672 : index
    %swap3A_1353 = tpu.vector_load %arg5[%swap3A_1352] {strides = array<i32>} : memref<768xf32, #tpu.memory_space<vmem>>, vector<16xf32>,
    %swap3A_1354 = vector.shape_cast %swap3A_1353 : vector<16xf32> to vector<16xf32>
    %swap3A_1355 = vector.shape_cast %add3A_1351 : vector<16xf32> to vector<16xf32>
    tpu.vector_store %arg5[%swap3A_1352], %swap3A_1355 {strides = array<i32>} : memref<768xf32, #tpu.memory_space<vmem>>, vector<16xf32>,
    %get3A_1356 = arith.constant 688 : index
    %get3A_1357 = tpu.vector_load %arg5[%get3A_1356] {strides = array<i32>} : memref<768xf32, #tpu.memory_space<vmem>>, vector<16xf32>,
    %get3A_1358 = vector.shape_cast %get3A_1357 : vector<16xf32> to vector<16xf32>
    %add3A_1359 = arith.addf %get3A_1358, %scan3A_1202#19 : vector<16xf32>
    %swap3A_1360 = arith.constant 688 : index
    %swap3A_1361 = tpu.vector_load %arg5[%swap3A_1360] {strides = array<i32>} : memref<768xf32, #tpu.memory_space<vmem>>, vector<16xf32>,
    %swap3A_1362 = vector.shape_cast %swap3A_1361 : vector<16xf32> to vector<16xf32>
    %swap3A_1363 = vector.shape_cast %add3A_1359 : vector<16xf32> to vector<16xf32>
    tpu.vector_store %arg5[%swap3A_1360], %swap3A_1363 {strides = array<i32>} : memref<768xf32, #tpu.memory_space<vmem>>, vector<16xf32>,
    %get3A_1364 = arith.constant 704 : index
    %get3A_1365 = tpu.vector_load %arg5[%get3A_1364] {strides = array<i32>} : memref<768xf32, #tpu.memory_space<vmem>>, vector<16xf32>,
    %get3A_1366 = vector.shape_cast %get3A_1365 : vector<16xf32> to vector<16xf32>
    %add3A_1367 = arith.addf %get3A_1366, %scan3A_1202#20 : vector<16xf32>
    %swap3A_1368 = arith.constant 704 : index
    %swap3A_1369 = tpu.vector_load %arg5[%swap3A_1368] {strides = array<i32>} : memref<768xf32, #tpu.memory_space<vmem>>, vector<16xf32>,
    %swap3A_1370 = vector.shape_cast %swap3A_1369 : vector<16xf32> to vector<16xf32>
    %swap3A_1371 = vector.shape_cast %add3A_1367 : vector<16xf32> to vector<16xf32>
    tpu.vector_store %arg5[%swap3A_1368], %swap3A_1371 {strides = array<i32>} : memref<768xf32, #tpu.memory_space<vmem>>, vector<16xf32>,
    %get3A_1372 = arith.constant 720 : index
    %get3A_1373 = tpu.vector_load %arg5[%get3A_1372] {strides = array<i32>} : memref<768xf32, #tpu.memory_space<vmem>>, vector<16xf32>,
    %get3A_1374 = vector.shape_cast %get3A_1373 : vector<16xf32> to vector<16xf32>
    %add3A_1375 = arith.addf %get3A_1374, %scan3A_1202#21 : vector<16xf32>
    %swap3A_1376 = arith.constant 720 : index
    %swap3A_1377 = tpu.vector_load %arg5[%swap3A_1376] {strides = array<i32>} : memref<768xf32, #tpu.memory_space<vmem>>, vector<16xf32>,
    %swap3A_1378 = vector.shape_cast %swap3A_1377 : vector<16xf32> to vector<16xf32>
    %swap3A_1379 = vector.shape_cast %add3A_1375 : vector<16xf32> to vector<16xf32>
    tpu.vector_store %arg5[%swap3A_1376], %swap3A_1379 {strides = array<i32>} : memref<768xf32, #tpu.memory_space<vmem>>, vector<16xf32>,
    %get3A_1380 = arith.constant 736 : index
    %get3A_1381 = tpu.vector_load %arg5[%get3A_1380] {strides = array<i32>} : memref<768xf32, #tpu.memory_space<vmem>>, vector<16xf32>,
    %get3A_1382 = vector.shape_cast %get3A_1381 : vector<16xf32> to vector<16xf32>
    %add3A_1383 = arith.addf %get3A_1382, %scan3A_1202#22 : vector<16xf32>
    %swap3A_1384 = arith.constant 736 : index
    %swap3A_1385 = tpu.vector_load %arg5[%swap3A_1384] {strides = array<i32>} : memref<768xf32, #tpu.memory_space<vmem>>, vector<16xf32>,
    %swap3A_1386 = vector.shape_cast %swap3A_1385 : vector<16xf32> to vector<16xf32>
    %swap3A_1387 = vector.shape_cast %add3A_1383 : vector<16xf32> to vector<16xf32>
    tpu.vector_store %arg5[%swap3A_1384], %swap3A_1387 {strides = array<i32>} : memref<768xf32, #tpu.memory_space<vmem>>, vector<16xf32>,
    %get3A_1388 = arith.constant 752 : index
    %get3A_1389 = tpu.vector_load %arg5[%get3A_1388] {strides = array<i32>} : memref<768xf32, #tpu.memory_space<vmem>>, vector<16xf32>,
    %get3A_1390 = vector.shape_cast %get3A_1389 : vector<16xf32> to vector<16xf32>
    %add3A_1391 = arith.addf %get3A_1390, %scan3A_1202#23 : vector<16xf32>
    %swap3A_1392 = arith.constant 752 : index
    %swap3A_1393 = tpu.vector_load %arg5[%swap3A_1392] {strides = array<i32>} : memref<768xf32, #tpu.memory_space<vmem>>, vector<16xf32>,
    %swap3A_1394 = vector.shape_cast %swap3A_1393 : vector<16xf32> to vector<16xf32>
    %swap3A_1395 = vector.shape_cast %add3A_1391 : vector<16xf32> to vector<16xf32>
    tpu.vector_store %arg5[%swap3A_1392], %swap3A_1395 {strides = array<i32>} : memref<768xf32, #tpu.memory_space<vmem>>, vector<16xf32>,
    "tpu.region"() ({
      %run_scoped3A = tpu.sem_alloc : memref<!tpu.dma_semaphore, #tpu.memory_space<semaphore_mem>>
      %dma_start3A_1396 = arith.constant 0 : i32
      %dma_start3A_1397 = tpu.memref_slice %arg3[%add3A, %dma_start3A_1396] : memref<32x768xf32, #tpu.memory_space<hbm>> -> memref<1x768xf32, #tpu.memory_space<hbm>>
      %dma_start3A_1398 = tpu.memref_squeeze %dma_start3A_1397 : memref<1x768xf32, #tpu.memory_space<hbm>> -> memref<768xf32, #tpu.memory_space<hbm>>
      %dma_start3A_1399 = arith.constant 0 : i32
      %dma_start3A_1400 = tpu.memref_slice %arg3[%add3A, %dma_start3A_1399] : memref<32x768xf32, #tpu.memory_space<hbm>> -> memref<1x768xf32, #tpu.memory_space<hbm>>
      %dma_start3A_1401 = tpu.memref_squeeze %dma_start3A_1400 : memref<1x768xf32, #tpu.memory_space<hbm>> -> memref<768xf32, #tpu.memory_space<hbm>>
      tpu.enqueue_dma source(%arg5 : memref<768xf32, #tpu.memory_space<vmem>>) target(%dma_start3A_1401 : memref<768xf32, #tpu.memory_space<hbm>>) target_semaphore(%run_scoped3A : memref<!tpu.dma_semaphore, #tpu.memory_space<semaphore_mem>>)
      %dma_wait3A_1402 = arith.constant 0 : i32
      %dma_wait3A_1403 = tpu.memref_slice %arg3[%add3A, %dma_wait3A_1402] : memref<32x768xf32, #tpu.memory_space<hbm>> -> memref<1x768xf32, #tpu.memory_space<hbm>>
      %dma_wait3A_1404 = tpu.memref_squeeze %dma_wait3A_1403 : memref<1x768xf32, #tpu.memory_space<hbm>> -> memref<768xf32, #tpu.memory_space<hbm>>
      %dma_wait3A_1405 = arith.constant 0 : i32
      %dma_wait3A_1406 = tpu.memref_slice %arg3[%add3A, %dma_wait3A_1405] : memref<32x768xf32, #tpu.memory_space<hbm>> -> memref<1x768xf32, #tpu.memory_space<hbm>>
      %dma_wait3A_1407 = tpu.memref_squeeze %dma_wait3A_1406 : memref<1x768xf32, #tpu.memory_space<hbm>> -> memref<768xf32, #tpu.memory_space<hbm>>
      tpu.wait_dma2 semaphore(%run_scoped3A : memref<!tpu.dma_semaphore, #tpu.memory_space<semaphore_mem>>) src(%arg5 : memref<768xf32, #tpu.memory_space<vmem>>) dst(%dma_wait3A_1407 : memref<768xf32, #tpu.memory_space<hbm>>)
      tpu.yield
    }) : () -> ()
    return
  }
}

module attributes {stable_mosaic.version = 14 : i64} {
  func.func @_finalize_kernel(%arg0: memref<4x768xf32, #tpu.memory_space<vmem>>, %arg1: memref<4x8x768xf32, #tpu.memory_space<vmem>>, %arg2: memref<768x768xf32, #tpu.memory_space<vmem>>, %arg3: memref<1x768xf32, #tpu.memory_space<vmem>>, %arg4: memref<768x64xf32, #tpu.memory_space<vmem>>, %arg5: memref<1x64xf32, #tpu.memory_space<vmem>>, %arg6: memref<4x2xf32, #tpu.memory_space<vmem>>, %arg7: memref<4x2xi32, #tpu.memory_space<vmem>>) attributes {dimension_semantics = [], scalar_prefetch = 0 : i64, scratch_operands = 0 : i64, tpu.core_type = #tpu.core_type<tc>} {
    %get3A = arith.constant 0 : index
    %get3A_0 = arith.constant 0 : index
    %get3A_1 = vector.load %arg0[%get3A, %get3A_0] : memref<4x768xf32, #tpu.memory_space<vmem>>, vector<4x768xf32>
    %get3A_2 = arith.constant 0 : index
    %get3A_3 = arith.constant 0 : index
    %get3A_4 = arith.constant 0 : index
    %get3A_5 = vector.load %arg1[%get3A_2, %get3A_3, %get3A_4] : memref<4x8x768xf32, #tpu.memory_space<vmem>>, vector<4x8x768xf32>
    %reduce_sum3A = arith.constant dense<0.000000e+00> : vector<4x768xf32>
    %reduce_sum3A_6 = vector.multi_reduction <add>, %get3A_5, %reduce_sum3A [1] : vector<4x8x768xf32> to vector<4x768xf32>
    %add3A = arith.addf %get3A_1, %reduce_sum3A_6 : vector<4x768xf32>
    %mul3A = arith.constant 1.22070313E-4 : f32
    %mul3A_7 = vector.broadcast %mul3A : f32 to vector<4x768xf32>
    %mul3A_8 = arith.mulf %add3A, %mul3A_7 : vector<4x768xf32>
    %get3A_9 = arith.constant 0 : index
    %get3A_10 = arith.constant 0 : index
    %get3A_11 = vector.load %arg2[%get3A_9, %get3A_10] : memref<768x768xf32, #tpu.memory_space<vmem>>, vector<768x768xf32>
    %dot_general3A = arith.constant dense<0.000000e+00> : vector<4x768xf32>
    %dot_general3A_12 = tpu.matmul %mul3A_8, %get3A_11, %dot_general3A {dimension_numbers = #tpu.dot_dimension_numbers<[1], [0], [0], [1], [0, 0, 1, 1], [], []>, transpose_lhs_hint = false} : vector<4x768xf32>, vector<768x768xf32>, vector<4x768xf32> -> vector<4x768xf32>
    %get3A_13 = arith.constant 0 : index
    %get3A_14 = arith.constant 0 : index
    %get3A_15 = vector.load %arg3[%get3A_13, %get3A_14] : memref<1x768xf32, #tpu.memory_space<vmem>>, vector<1x768xf32>
    %add3A_16 = vector.broadcast %get3A_15 : vector<1x768xf32> to vector<4x768xf32>
    %add3A_17 = arith.addf %dot_general3A_12, %add3A_16 : vector<4x768xf32>
    %logistic3A = arith.negf %add3A_17 : vector<4x768xf32>
    %logistic3A_18 = math.exp %logistic3A : vector<4x768xf32>
    %logistic3A_19 = arith.constant 1.000000e+00 : f32
    %logistic3A_20 = vector.broadcast %logistic3A_19 : f32 to vector<4x768xf32>
    %logistic3A_21 = arith.addf %logistic3A_20, %logistic3A_18 : vector<4x768xf32>
    %logistic3A_22 = arith.divf %logistic3A_20, %logistic3A_21 : vector<4x768xf32>
    %mul3A_23 = arith.mulf %add3A_17, %logistic3A_22 : vector<4x768xf32>
    %get3A_24 = arith.constant 0 : index
    %get3A_25 = arith.constant 0 : index
    %get3A_26 = vector.load %arg4[%get3A_24, %get3A_25] : memref<768x64xf32, #tpu.memory_space<vmem>>, vector<768x64xf32>
    %dot_general3A_27 = arith.constant dense<0.000000e+00> : vector<4x64xf32>
    %dot_general3A_28 = tpu.matmul %mul3A_23, %get3A_26, %dot_general3A_27 {dimension_numbers = #tpu.dot_dimension_numbers<[1], [0], [0], [1], [0, 0, 1, 1], [], []>, transpose_lhs_hint = false} : vector<4x768xf32>, vector<768x64xf32>, vector<4x64xf32> -> vector<4x64xf32>
    %get3A_29 = arith.constant 0 : index
    %get3A_30 = arith.constant 0 : index
    %get3A_31 = vector.load %arg5[%get3A_29, %get3A_30] : memref<1x64xf32, #tpu.memory_space<vmem>>, vector<1x64xf32>
    %add3A_32 = vector.broadcast %get3A_31 : vector<1x64xf32> to vector<4x64xf32>
    %add3A_33 = arith.addf %dot_general3A_28, %add3A_32 : vector<4x64xf32>
    %iota3A = tpu.iota {dimensions = array<i32: 1>} : vector<4x64xi32>
    %reduce_max3A = arith.constant dense<0xFF800000> : vector<4xf32>
    %reduce_max3A_34 = vector.multi_reduction <maximumf>, %add3A_33, %reduce_max3A [1] : vector<4x64xf32> to vector<4xf32>
    %broadcast_in_dim3A = vector.shape_cast %reduce_max3A_34 : vector<4xf32> to vector<4x1xf32>
    %eq3A = vector.broadcast %broadcast_in_dim3A : vector<4x1xf32> to vector<4x64xf32>
    %eq3A_35 = arith.cmpf oeq, %add3A_33, %eq3A : vector<4x64xf32>
    %jit3A = arith.constant 64 : i32
    %broadcast_in_dim3A_36 = vector.broadcast %jit3A : i32 to vector<4x64xi32>
    %select_n3A = arith.select %eq3A_35, %iota3A, %broadcast_in_dim3A_36 : vector<4x64xi1>, vector<4x64xi32>
    %reduce_min3A = arith.constant dense<2147483647> : vector<4xi32>
    %reduce_min3A_37 = vector.multi_reduction <minsi>, %select_n3A, %reduce_min3A [1] : vector<4x64xi32> to vector<4xi32>
    %broadcast_in_dim3A_38 = vector.shape_cast %reduce_min3A_37 : vector<4xi32> to vector<4x1xi32>
    %eq3A_39 = vector.broadcast %broadcast_in_dim3A_38 : vector<4x1xi32> to vector<4x64xi32>
    %eq3A_40 = arith.cmpi eq, %iota3A, %eq3A_39 : vector<4x64xi32>
    %jit3A_41 = arith.constant 0xFF800000 : f32
    %broadcast_in_dim3A_42 = vector.broadcast %jit3A_41 : f32 to vector<4x64xf32>
    %select_n3A_43 = arith.select %eq3A_40, %broadcast_in_dim3A_42, %add3A_33 : vector<4x64xi1>, vector<4x64xf32>
    %reduce_max3A_44 = arith.constant dense<0xFF800000> : vector<4xf32>
    %reduce_max3A_45 = vector.multi_reduction <maximumf>, %select_n3A_43, %reduce_max3A_44 [1] : vector<4x64xf32> to vector<4xf32>
    %broadcast_in_dim3A_46 = vector.shape_cast %reduce_max3A_45 : vector<4xf32> to vector<4x1xf32>
    %eq3A_47 = vector.broadcast %broadcast_in_dim3A_46 : vector<4x1xf32> to vector<4x64xf32>
    %eq3A_48 = arith.cmpf oeq, %select_n3A_43, %eq3A_47 : vector<4x64xf32>
    %jit3A_49 = arith.constant 64 : i32
    %broadcast_in_dim3A_50 = vector.broadcast %jit3A_49 : i32 to vector<4x64xi32>
    %select_n3A_51 = arith.select %eq3A_48, %iota3A, %broadcast_in_dim3A_50 : vector<4x64xi1>, vector<4x64xi32>
    %reduce_min3A_52 = arith.constant dense<2147483647> : vector<4xi32>
    %reduce_min3A_53 = vector.multi_reduction <minsi>, %select_n3A_51, %reduce_min3A_52 [1] : vector<4x64xi32> to vector<4xi32>
    %broadcast_in_dim3A_54 = vector.shape_cast %reduce_min3A_53 : vector<4xi32> to vector<4x1xi32>
    %sub3A = arith.subf %broadcast_in_dim3A_46, %broadcast_in_dim3A : vector<4x1xf32>
    %exp3A = math.exp %sub3A : vector<4x1xf32>
    %add3A_55 = arith.constant 1.000000e+00 : f32
    %add3A_56 = vector.broadcast %add3A_55 : f32 to vector<4x1xf32>
    %add3A_57 = arith.addf %add3A_56, %exp3A : vector<4x1xf32>
    %div3A = arith.constant 1.000000e+00 : f32
    %div3A_58 = vector.broadcast %div3A : f32 to vector<4x1xf32>
    %div3A_59 = arith.divf %div3A_58, %add3A_57 : vector<4x1xf32>
    %div3A_60 = arith.divf %exp3A, %add3A_57 : vector<4x1xf32>
    %concatenate3A = tpu.concatenate %div3A_59, %div3A_60 in 1 : vector<4x1xf32>, vector<4x1xf32> -> vector<4x2xf32>
    %swap3A = arith.constant 0 : index
    %swap3A_61 = arith.constant 0 : index
    %swap3A_62 = vector.load %arg6[%swap3A, %swap3A_61] : memref<4x2xf32, #tpu.memory_space<vmem>>, vector<4x2xf32>
    tpu.vector_store %arg6[%swap3A, %swap3A_61], %concatenate3A {strides = array<i32>} : memref<4x2xf32, #tpu.memory_space<vmem>>, vector<4x2xf32>,
    %concatenate3A_63 = tpu.concatenate %broadcast_in_dim3A_38, %broadcast_in_dim3A_54 in 1 : vector<4x1xi32>, vector<4x1xi32> -> vector<4x2xi32>
    %swap3A_64 = arith.constant 0 : index
    %swap3A_65 = arith.constant 0 : index
    %swap3A_66 = vector.load %arg7[%swap3A_64, %swap3A_65] : memref<4x2xi32, #tpu.memory_space<vmem>>, vector<4x2xi32>
    tpu.vector_store %arg7[%swap3A_64, %swap3A_65], %concatenate3A_63 {strides = array<i32>} : memref<4x2xi32, #tpu.memory_space<vmem>>, vector<4x2xi32>,
    return
  }
}

module attributes {stable_mosaic.version = 14 : i64} {
  func.func @_tc_head_kernel(%arg0: i32, %arg1: memref<4x256x768xf32, #tpu.memory_space<vmem>>, %arg2: memref<4x768xf32, #tpu.memory_space<vmem>>) attributes {dimension_semantics = [#tpu.dimension_semantics<arbitrary>], iteration_bounds = array<i64: 30>, scalar_prefetch = 0 : i64, scratch_operands = 0 : i64, tpu.core_type = #tpu.core_type<tc>, window_params = [{transform_indices = @transform_0, window_bounds = array<i64: 4, 256, 768>}, {pipeline_mode = #tpu.pipeline_mode<synchronous>, transform_indices = @transform_1, window_bounds = array<i64: 4, 768>}]} {
    %eq3A = arith.constant 0 : i32
    %eq3A_0 = arith.cmpi eq, %arg0, %eq3A : i32
    %convert_element_type3A = arith.extui %eq3A_0 : i1 to i32
    %cond3A = arith.constant 0 : i32
    %cond3A_1 = arith.cmpi ne, %convert_element_type3A, %cond3A : i32
    scf.if %cond3A_1 {
      %broadcast_in_dim3A = arith.constant 0.000000e+00 : f32
      %broadcast_in_dim3A_11 = vector.broadcast %broadcast_in_dim3A : f32 to vector<4x768xf32>
      %swap3A_12 = arith.constant 0 : index
      %swap3A_13 = arith.constant 0 : index
      %swap3A_14 = vector.load %arg2[%swap3A_12, %swap3A_13] : memref<4x768xf32, #tpu.memory_space<vmem>>, vector<4x768xf32>
      tpu.vector_store %arg2[%swap3A_12, %swap3A_13], %broadcast_in_dim3A_11 {strides = array<i32>} : memref<4x768xf32, #tpu.memory_space<vmem>>, vector<4x768xf32>,
    } else {
    }
    %get3A = arith.constant 0 : index
    %get3A_2 = arith.constant 0 : index
    %get3A_3 = vector.load %arg2[%get3A, %get3A_2] : memref<4x768xf32, #tpu.memory_space<vmem>>, vector<4x768xf32>
    %get3A_4 = arith.constant 0 : index
    %get3A_5 = arith.constant 0 : index
    %get3A_6 = arith.constant 0 : index
    %get3A_7 = vector.load %arg1[%get3A_4, %get3A_5, %get3A_6] : memref<4x256x768xf32, #tpu.memory_space<vmem>>, vector<4x256x768xf32>
    %reduce_sum3A = arith.constant dense<0.000000e+00> : vector<4x768xf32>
    %reduce_sum3A_8 = vector.multi_reduction <add>, %get3A_7, %reduce_sum3A [1] : vector<4x256x768xf32> to vector<4x768xf32>
    %add3A = arith.addf %get3A_3, %reduce_sum3A_8 : vector<4x768xf32>
    %swap3A = arith.constant 0 : index
    %swap3A_9 = arith.constant 0 : index
    %swap3A_10 = vector.load %arg2[%swap3A, %swap3A_9] : memref<4x768xf32, #tpu.memory_space<vmem>>, vector<4x768xf32>
    tpu.vector_store %arg2[%swap3A, %swap3A_9], %add3A {strides = array<i32>} : memref<4x768xf32, #tpu.memory_space<vmem>>, vector<4x768xf32>,
    return
  }
  func.func @transform_0(%arg0: i32) -> (i32, i32, i32) {
    %c0_i32 = arith.constant 0 : i32
    %c0_i32_0 = arith.constant 0 : i32
    %c0_i32_1 = arith.constant 0 : i32
    return %c0_i32, %arg0, %c0_i32_0 : i32, i32, i32
  }
  func.func @transform_1(%arg0: i32) -> (i32, i32) {
    %c0_i32 = arith.constant 0 : i32
    %c0_i32_0 = arith.constant 0 : i32
    %c0_i32_1 = arith.constant 0 : i32
    return %c0_i32, %c0_i32_0 : i32, i32
  }
}

</mosaic_0001>

<sc_bundles>
// kernel: kernel.5.cloned.1.call-start
scs
__scs_entry_jumppad:
0x0: {  	(pc) =	sbr.rel $0x88, $3  }
0x1: {  	(tag) =	ssettag $0x0;
	lr =	simm.s32 $0x1  }
0x2: {  	[smem:$0x3F9C] =	sst lr;
	_ =	strace $0xD0000000  }
0x3: {  	_ = 	snop  }
0x4: {  	_ = 	snop  }
0x5: {  	_ = 	snop  }
0x6: {  	_ = 	snop  }
0x7: {  	_ = 	snop  }
__scs_overlays_trampoline_lowered:
0x8: {  	[smem:$0x3FAB] =	sst s0  }
0x9: {  	[smem:$0x3FAC] =	sst s1  }
0xa: {  	[smem:$0x3FAD] =	sst s2  }
0xb: {  	[smem:$0x3FAE] =	sst s3  }
0xc: {  	[smem:$0x3FAF] =	sst s4  }
0xd: {  	[smem:$0x3FB0] =	sst s5  }
0xe: {  	[smem:$0x3FB1] =	sst s6  }
0xf: {  	[smem:$0x3FB2] =	sst s7  }
0x10: {  	[smem:$0x3FB3] =	sst s8  }
0x11: {  	[smem:$0x3FB4] =	sst s9;
	s0 =	simm.s32 @!p0 $0x0  }
0x12: {  	s1 =	sld [smem:$0x3F9A];
	s0 =	simm.s32 @p0 $0x1  }
0x13: {  	[smem:$0x3FB5] =	sst s0;
	s0 =	simm.s32 @!p1 $0x0  }
0x14: {  	s2 =	sld [smem:$0x3F99];
	s0 =	simm.s32 @p1 $0x1  }
0x15: {  	[smem:$0x3FB6] =	sst s0;
	s0 =	simm.s32 @!p2 $0x0  }
0x16: {  	s3 =	sld [smem:$0x3FDB];
	s0 =	simm.s32 @p2 $0x1  }
0x17: {  	s4 =	simm.s32 $0x1BF5;
	[smem:$0x3FB8] =	sst s0  }
0x18: {  	s0 =	sld [smem:$0x3F9B];
	_ =	swait.ge [sflag:s4], $0x0  }
0x19: {  	s7 =	sld [smem:$0x3F9C]  }
0x1a: {  	s8 =	sadd.s32 $0xFFFFE003, lr  }
0x1b: {  	s9 =	sadd.s32 $0xFFFFFEF7, lr;
	s5 =	simm.s32 $0xFFFFFFFF;
	p2 =	slt.u32 s8, $0xFFFFF086  }
0x1c: {  	p1 =	slt.u32 s9, $0xF7A;
	s5 =	simm.s32 @!p2 $0x0  }
0x1d: {  	s5 =	simm.s32 @p1 $0x1;
	p0 =	seq.s32 s7, s2  }
0x1e: {  	s7 =	smul.u32 @!p0 $0xF7A, s2;
	p2 =	seq.s32 @!p0 s5, $0x0  }
0x1f: {  	s9 =	smul.u32 $0xF7A, s1;
	s8 =	simm.s32 @!p0 $0x1BF5;
	p2 =	por !p2, p0  }
0x20: {  	[sflag:s8] =	ssyncset.s32 @!p0 $0xFFFFF086;
	s6 =	sadd.s32 @!p0 s3, s7;
	s7 =	simm.s32 @!p0 $0x108  }
0x21: {  	s3 =	sadd.s32 s3, s9;
	s6 =	sadd.s32 @!p0 $0x88, s6;
	s7 =	simm.s32 @p2 $0x1082  }
0x22: {  	[simem:s7], [sflag:s8] =	dma.local @!p0 [hbm:s6], $0xF7A  }
0x23: {  	s9 =	sor.u32 $0xD0000000, s2;
	s6 =	simm.s32 $0x108;
	_ =	swait.ge @!p0 [sflag:s8], $0x0  }
0x24: {  	s3 =	sadd.s32 $0x88, s3;
	s6 =	simm.s32 @!p1 $0x1082;
	[sflag:s4] =	ssyncset.s32 $0xFFFFF086  }
0x25: {  	[simem:s6], [sflag:s4] =	dma.local [hbm:s3], $0xF7A  }
0x26: {  	[smem:$0x3F9C] =	sst s1;
	(tag) =	ssettag s2;
	_ =	strace s9  }
0x27: {  	s1 =	sld [smem:$0x3FAC]  }
0x28: {  	s2 =	sld [smem:$0x3FAD]  }
0x29: {  	s4 =	sld [smem:$0x3FAF]  }
0x2a: {  	p0 =	seq.s32 s5, $0x0;
	s5 =	sld [smem:$0x3FB0]  }
0x2b: {  	s6 =	sld [smem:$0x3FB1]  }
0x2c: {  	s7 =	sld [smem:$0x3FB2]  }
0x2d: {  	s3 =	simm.s32 $0x108;
	s8 =	sld [smem:$0x3FB3]  }
0x2e: {  	s3 =	simm.s32 @!p0 $0x1082;
	s9 =	sld [smem:$0x3FB4]  }
0x2f: {  	lr =	sadd.s32 s0, s3;
	s0 =	sld [smem:$0x3FAB]  }
0x30: {  	s3 =	sld [smem:$0x3FAE]  }
0x31: {  	[smem:$0x3FB7] =	sst s10  }
0x32: {  	s10 =	sld [smem:$0x3FB5];
	_ =	sdelay $0x3  }
0x33: {  	p0 =	seq.s32 s10, $0x1;
	s10 =	sld [smem:$0x3FB7];
	_ =	sdelay $0x3  }
0x34: {  	[smem:$0x3FB7] =	sst s10  }
0x35: {  	s10 =	sld [smem:$0x3FB6];
	_ =	sdelay $0x3  }
0x36: {  	p1 =	seq.s32 s10, $0x1;
	s10 =	sld [smem:$0x3FB7];
	_ =	sdelay $0x3  }
0x37: {  	[smem:$0x3FB7] =	sst s10  }
0x38: {  	s10 =	sld [smem:$0x3FB8]  }
0x39: {  	_ = 	snop;
	(pc) =	sbr.ind lr, $3  }
0x3a: {  	_ = 	snop  }
0x3b: {  	_ = 	snop  }
0x3c: {  	p2 =	seq.s32 s10, $0x1;
	s10 =	sld [smem:$0x3FB7]  }
0x3d: {  	_ =	shalt  }
0x3e: {  	_ =	shalt  }
0x3f: {  	_ =	shalt  }
0x40: {  	_ =	shalt  }
0x41: {  	_ =	shalt  }
0x42: {  	_ =	shalt  }
0x43: {  	_ =	shalt  }
0x44: {  	_ =	shalt  }
0x45: {  	_ =	shalt  }
0x46: {  	_ =	shalt  }
0x47: {  	_ =	shalt  }
0x48: {  	_ =	shalt  }
0x49: {  	_ =	shalt  }
0x4a: {  	_ =	shalt  }
0x4b: {  	_ =	shalt  }
0x4c: {  	_ =	shalt  }
0x4d: {  	_ =	shalt  }
0x4e: {  	_ =	shalt  }
0x4f: {  	_ =	shalt  }
0x50: {  	_ =	shalt  }
0x51: {  	_ =	shalt  }
0x52: {  	_ =	shalt  }
0x53: {  	_ =	shalt  }
0x54: {  	_ =	shalt  }
0x55: {  	_ =	shalt  }
0x56: {  	_ =	shalt  }
0x57: {  	_ =	shalt  }
0x58: {  	_ =	shalt  }
0x59: {  	_ =	shalt  }
0x5a: {  	_ =	shalt  }
0x5b: {  	_ =	shalt  }
0x5c: {  	_ =	shalt  }
0x5d: {  	_ =	shalt  }
0x5e: {  	_ =	shalt  }
0x5f: {  	_ =	shalt  }
0x60: {  	_ =	shalt  }
0x61: {  	_ =	shalt  }
0x62: {  	_ =	shalt  }
0x63: {  	_ =	shalt  }
0x64: {  	_ =	shalt  }
0x65: {  	_ =	shalt  }
0x66: {  	_ =	shalt  }
0x67: {  	_ =	shalt  }
0x68: {  	_ =	shalt  }
0x69: {  	_ =	shalt  }
0x6a: {  	_ =	shalt  }
0x6b: {  	_ =	shalt  }
0x6c: {  	_ =	shalt  }
0x6d: {  	_ =	shalt  }
0x6e: {  	_ =	shalt  }
0x6f: {  	_ =	shalt  }
0x70: {  	_ =	shalt  }
0x71: {  	_ =	shalt  }
0x72: {  	_ =	shalt  }
0x73: {  	_ =	shalt  }
0x74: {  	_ =	shalt  }
0x75: {  	_ =	shalt  }
0x76: {  	_ =	shalt  }
0x77: {  	_ =	shalt  }
0x78: {  	_ =	shalt  }
0x79: {  	_ =	shalt  }
0x7a: {  	_ =	shalt  }
0x7b: {  	_ =	shalt  }
0x7c: {  	_ =	shalt  }
0x7d: {  	_ =	shalt  }
0x7e: {  	_ =	shalt  }
0x7f: {  	_ =	shalt  }
0x80: {  	_ =	shalt  }
0x81: {  	_ =	shalt  }
0x82: {  	_ =	shalt  }
0x83: {  	_ =	shalt  }
0x84: {  	_ =	shalt  }
0x85: {  	_ =	shalt  }
0x86: {  	_ =	shalt  }
0x87: {  	_ =	shalt  }
.Lfunc_end0:
.L_simem_size_0:
called_computation_lowered:
.L_overlay_start_0:
0x88: {  	s2 =	sld [smem:$0x3FD9]  }
0x89: {  	s3 =	sld [smem:$0x3FFE];
	_ =	sdelay $0x1  }
0x8a: {  	s1 =	srdreg.scid  }
0x8b: {  	s0 =	sand.u32 $0x1, s1  }
0x8c: {  	s17 =	sshll.u32 s0, $0xA;
	s2 =	sadd.s32 s3, s2  }
0x8d: {  	s2 =	sadd.s32 s2, s17  }
0x8e: {  	[smem:$0x3FC3] =	sst s2  }
0x8f: {  	_ = 	snop  }
0x90: {  	s2 =	sld [smem:$0x3FC9];
	(tm) =	ssettm $0x1  }
0x91: {  	s18 =	sld [smem:$0x3FFB];
	_ =	sdelay $0x3  }
0x92: {  	_ =	strace s18  }
0x93: {  	s3 =	sld [smem:$0x3FFC];
	_ =	sdelay $0x3  }
0x94: {  	_ =	strace s3  }
0x95: {  	s3 =	sld [smem:$0x3FFD];
	_ =	sdelay $0x3  }
0x96: {  	_ =	strace s3  }
0x97: {  	_ =	strace $0x8FFFFFFF  }
0x98: {  	s19 =	sld [smem:$0x3FDB];
	_ =	sdelay $0x1  }
0x99: {  	s4 =	simm.s32 $_scs_section_size  }
0x9a: {  	s5 =	simm.s32 $_size__tile_overlayer_lowered;
	s6 =	simm.s32 $_tile_overlayer_lowered  }
0x9b: {  	s22 =	simm.s32 $0x1BFF;
	s21 =	sshll.u32 s6, $0x1;
	s3 =	sadd.s32 s4, s19  }
0x9c: {  	s7 =	simm.s32 $0x0;
	s20 =	sshll.u32 s5, $0x1;
	s5 =	sadd.s32 s21, s3  }
0x9d: {  	[timem:s7], [sflag:s22] =	dma.local [hbm:s5], s20  }
0x9e: {  	_ =	swait.ge [sflag:s22], s20  }
0x9f: {  	s4 =	ssub.s32 $0x0, s20;
	[sflag:s22] =	ssyncset.done $0x0  }
0xa0: {  	[sflag:s22] =	ssyncadd.s32 s4;
	_ =	sdelay $0x1  }
0xa1: {  	s23 =	simm.s32 $0x1B8B  }
0xa2: {  	_ =	swait.ge [sflag:s23], $0x1  }
0xa3: {  	[sflag:s23] =	ssyncset.done $0x0  }
0xa4: {  	s25 =	simm.s32 $0x1B8E;
	s24 =	sld [smem:$0x3FFE];
	[sflag:s23] =	ssyncadd.s32 $0xFFFFFFFF  }
0xa5: {  	s26 =	simm.s32 $execute0_lowered;
	[smem:$0x3FD2] =	sst s25  }
0xa6: {  	s5 =	sshll.u32 s26, $0x1;
	_ =	strace $0x80000046;
	[dreg:$0x1] =	wrdreg $0xFFFFFFFF  }
0xa7: {  	s28 =	simm.s32 $_size_execute0_lowered;
	s3 =	sadd.s32 s3, s5;
	[dreg:$0x0] =	wrdreg $0x0  }
0xa8: {  	s5 =	sshll.u32 s28, $0x1;
	[dreg:$0x2] =	wrdreg s3  }
0xa9: {  	[dreg:$0x3] =	wrdreg s5  }
0xaa: {  	[dreg:$0x4] =	wrdreg $0xC0  }
0xab: {  	_ =	task [dreg:s7], $0x5FFFF  }
0xac: {  	[dreg:$0x1] =	wrdreg $0xFFFFFFFF  }
0xad: {  	[dreg:$0x0] =	wrdreg $0x60  }
0xae: {  	[dreg:$0x2] =	wrdreg s2  }
0xaf: {  	[dreg:$0x3] =	wrdreg s24  }
0xb0: {  	[dreg:$0x4] =	wrdreg $0x9  }
0xb1: {  	_ =	task.clear_ibuf [dreg:s7], $0x5FFFF;
	_ =	strace $0x90000046  }
0xb2: {  	s29 =	simm.s32 $0x9;
	_ =	strace $0x80000048  }
0xb3: {  	_ =	swait.ge [sflag:s29], $0x1  }
0xb4: {  	[sflag:s29] =	ssyncadd.s32 $0xFFFFFFFF  }
0xb5: {  	_ =	strace $0x90000048  }
0xb6: {  	_ =	sfence  }
0xb7: {  	s30 =	sld [smem:$0x0];
	_ =	sdelay $0x2  }
0xb8: {  	s31 =	sshll.u32 s1, $0xD;
	s1 =	sshrl.u32 s1, $0x2  }
0xb9: {  	s3 =	sand.u32 $0x4000, s31;
	s1 =	sadd.s32 s1, s30  }
0xba: {  	s0 =	sor.u32 s3, s0;
	s1 =	sshll.u32 s1, $0x11  }
0xbb: {  	s0 =	sor.u32 s1, s0  }
0xbc: {  	s0 =	sadd.s32 $0x8F2B, s0  }
0xbd: {  	[sflag:s0] =	ssyncadd.remote.s32 $0x1  }
0xbe: {  	_ =	sfence.sel $0xFFFF  }
0xbf: {  	[dreg:$0x0] =	wrdreg $0xFFFFFFFF;
	(pc) =	sbr.abs _section_cstart, $3  }
0xc0: {  	[dreg:$0x1] =	wrdreg $0xFFFFFFFF  }
0xc1: {  	_ =	task.clear_ibuf [dreg:s7], $0x2FFFF;
	_ =	strace $0x9FFFFFFF  }
0xc2: {  	(tm) =	ssettm $0x7FFFFFFF  }
0xc3: {  	_ =	shalt  }
tec
execute0_lowered:
.L_overlay_start_1:
0x0: {  	(tag) =	ssettag $0x1  }
0x1: {  	s1 =	srdreg.scid;
	s7 =	stileid.u32  }
0x2: {  	s1 =	sand.u32 $0x1, s1;
	s4 =	sshll.u32 s7, $0x1  }
0x3: {  	s5 =	sshrl.u32 s7, $0x2;
	s25 =	sshll.u32 s7, $0xB;
	s4 =	sor.u32 s1, s4  }
0x4: {  	s5 =	smul.u32 $0x1800, s5;
	s6 =	sshll.u32 s4, $0x7;
	s4 =	sshll.u32 s4, $0x6  }
0x5: {  	s6 =	sand.u32 $0x380, s6;
	s4 =	sor.u32 s25, s4  }
0x6: {  	s2 =	rddreg [dreg:$0x0];
	s5 =	sor.u32 s5, s6;
	s6 =	sand.u32 $0x61C0, s4  }
0x7: {  	s0 =	rddreg [dreg:$0x1];
	s3 =	simm.s32 $0x0;
	v0 =	vlaneseq.u32;
	s8 =	sor.u32 $0x1E00, s6  }
0x8: {  	[smem:$0x7FF] =	sst s3;
	v1 =	vor.u32 s8, v0  }
0x9: {  	s18 =	simm.s32 $0x5800;
	v5 =	vand.u32 $0x7, v0;
	_ =	strace $0x80000047;
	s10 =	sor.u32 $0x1E20, s6;
	[tilespmem:$0x1FF50] =	vst v1;
	v1 =	vshrl.u32 v1, $0x3  }
0xa: {  	s19 =	simm.s32 $0x6000;
	s20 =	simm.s32 $0x6800;
	s21 =	simm.s32 $0x7000;
	v4 =	vshrl.u32 v0, $0x3;
	[tilespmem:$0x1FF80] =	vst v5;
	v2 =	vor.u32 s10, v0;
	v1 =	vmul.u32 $0x30, v1  }
0xb: {  	s22 =	simm.s32 $0x7800;
	s23 =	simm.s32 $0x8000;
	s24 =	simm.s32 $0x8800;
	v6 =	vor.u32 $0x8, v0;
	v7 =	vmul.u32 $0x8, v4;
	[tilespmem:$0x1FF60] =	vst v2;
	v2 =	vshrl.u32 v2, $0x3  }
0xc: {  	s28 =	simm.s32 $0xA000;
	s29 =	simm.s32 $0xA800;
	[tilespmem:$0x1FF90] =	vst v6;
	s9 =	sor.u32 $0x1E10, s6;
	v2 =	vmul.u32 $0x30, v2;
	v1 =	vor.u32 v5, v1  }
0xd: {  	s30 =	simm.s32 $0xB000;
	s1 =	ssub.s32 $0x2, s1;
	[tilespmem:$0x1FFE0] =	vst v7;
	s11 =	sor.u32 $0x1E30, s6;
	v58 =	vor.u32 s9, v0;
	v3 =	vperm.xlane v1, v5  }
0xe: {  	s31 =	simm.s32 $0xB800;
	s12 =	simm.s32 $0x0;
	s26 =	sshrl.u32 s1, $0x1;
	v0 =	vor.u32 s11, v0;
	[tilespmem:$0x1FF70] =	vst v58;
	v2 =	vor.u32 v5, v2;
	v1 =	vperm.xlane v1, v6  }
0xf: {  	s1 =	ssub.s32 s1, s26;
	s25 =	simm.s32 $0x9000;
	s26 =	simm.s32 $0x9800;
	[tilespmem:$0x1FFA0] =	vst v0;
	v59 =	vperm.xlane v2, v5;
	v60 =	vadd.s32 v7, v3  }
0x10: {  	s4 =	sadd.s32 $0x100, s2;
	s7 =	smax.u32 s1, $0x1;
	s5 =	sshrl.u32 s5, $0x3;
	v2 =	vperm.xlane v2, v6;
	v61 =	vadd.s32 v7, v1;
	[tilespmem:$0x1FFB0] =	vst v60  }
0x11: {  	s1 =	simm.s32 $0x2;
	s0 =	sadd.s32 s5, s0;
	s5 =	sadd.s32 $0x200, s2;
	v62 =	vadd.s32 v7, v59;
	[tilespmem:$0x1FFC0] =	vst v61  }
0x12: {  	s8 =	simm.s32 $0x80;
	s9 =	simm.s32 $0x400;
	s10 =	simm.s32 $0xC000;
	v63 =	vadd.s32 v7, v2;
	[tilespmem:$0x1FFD0] =	vst v62  }
0x13: {  	vm0 =	vmmov $0xffff;
	s11 =	simm.s32 $0x3;
	s6 =	sadd.s32 $0x1000, s0;
	s0 =	simm.s32 $0x1;
	[tilespmem:$0x1FFF0] =	vst v63  }
.LBB2_1:
0x14: {  	v11 =	vimm.f32 $0.0e+00  }
0x15: {  	[tilespmem:$0xC000] =	vst v11  }
0x16: {  	[tilespmem:$0xC010] =	vst v11  }
0x17: {  	[tilespmem:$0xC020] =	vst v11  }
0x18: {  	[tilespmem:$0xC030] =	vst v11  }
0x19: {  	[tilespmem:$0xC040] =	vst v11  }
0x1a: {  	[tilespmem:$0xC050] =	vst v11  }
0x1b: {  	[tilespmem:$0xC060] =	vst v11  }
0x1c: {  	[tilespmem:$0xC070] =	vst v11  }
0x1d: {  	[tilespmem:$0xC080] =	vst v11  }
0x1e: {  	[tilespmem:$0xC090] =	vst v11  }
0x1f: {  	[tilespmem:$0xC0A0] =	vst v11  }
0x20: {  	[tilespmem:$0xC0B0] =	vst v11  }
0x21: {  	[tilespmem:$0xC0C0] =	vst v11  }
0x22: {  	[tilespmem:$0xC0D0] =	vst v11  }
0x23: {  	[tilespmem:$0xC0E0] =	vst v11  }
0x24: {  	[tilespmem:$0xC0F0] =	vst v11  }
0x25: {  	[tilespmem:$0xC100] =	vst v11  }
0x26: {  	[tilespmem:$0xC110] =	vst v11  }
0x27: {  	[tilespmem:$0xC120] =	vst v11  }
0x28: {  	[tilespmem:$0xC130] =	vst v11  }
0x29: {  	[tilespmem:$0xC140] =	vst v11  }
0x2a: {  	[tilespmem:$0xC150] =	vst v11  }
0x2b: {  	[tilespmem:$0xC160] =	vst v11  }
0x2c: {  	[tilespmem:$0xC170] =	vst v11  }
0x2d: {  	[tilespmem:$0xC180] =	vst v11  }
0x2e: {  	[tilespmem:$0xC190] =	vst v11  }
0x2f: {  	[tilespmem:$0xC1A0] =	vst v11  }
0x30: {  	[tilespmem:$0xC1B0] =	vst v11  }
0x31: {  	[tilespmem:$0xC1C0] =	vst v11  }
0x32: {  	[tilespmem:$0xC1D0] =	vst v11  }
0x33: {  	[tilespmem:$0xC1E0] =	vst v11  }
0x34: {  	[tilespmem:$0xC1F0] =	vst v11  }
0x35: {  	v0 =	vld [tilespmem:$0x1FF50];
	[tilespmem:$0xC200] =	vst v11  }
0x36: {  	[tilespmem:$0xC210] =	vst v11  }
0x37: {  	[tilespmem:$0xC220] =	vst v11  }
0x38: {  	[tilespmem:$0xC230] =	vst v11  }
0x39: {  	[tilespmem:$0xC240] =	vst v11  }
0x3a: {  	[tilespmem:$0xC300] =	vst v0;
	v0 =	vld [tilespmem:$0x1FF70]  }
0x3b: {  	[tilespmem:$0xC250] =	vst v11  }
0x3c: {  	[tilespmem:$0xC260] =	vst v11  }
0x3d: {  	[tilespmem:$0xC270] =	vst v11  }
0x3e: {  	[tilespmem:$0xC280] =	vst v11  }
0x3f: {  	[tilespmem:$0xC310] =	vst v0;
	v0 =	vld [tilespmem:$0x1FFB0]  }
0x40: {  	[tilespmem:$0xC290] =	vst v11  }
0x41: {  	[tilespmem:$0xC2A0] =	vst v11  }
0x42: {  	[tilespmem:$0xC2B0] =	vst v11  }
0x43: {  	[tilespmem:$0xC2C0] =	vst v11  }
0x44: {  	[tilespmem:$0xC2D0] =	vst v11  }
0x45: {  	[tilespmem:$0xC2E0] =	vst v11  }
0x46: {  	[tilespmem:$0xC2F0] =	vst v11  }
0x47: {  	[tilespmem:s3], [sflag:$0x1] =	stream.indirect_vreg.gather [hbm4b:s2+s3], $0x80, v0, vm0, $0xb8;
	[tilespmem:$0xC400] =	vst v63  }
0x48: {  	s13 =	simm.s32 $0x800  }
0x49: {  	[tilespmem:s13], [sflag:$0x1] =	stream.indirect_vreg.gather [hbm4b:s4+s3], $0x80, v0, vm0, $0xb8;
	[tilespmem:$0xC400] =	vst v63  }
0x4a: {  	s16 =	simm.s32 $0x1000  }
0x4b: {  	[tilespmem:s16], [sflag:$0x1] =	stream.indirect_vreg.gather [hbm4b:s5+s3], $0x80, v0, vm0, $0xb8;
	v0 =	vld [tilespmem:$0x1FFC0]  }
0x4c: {  	_ =	sdelay $0x5  }
0x4d: {  	s17 =	simm.s32 $0x1800  }
0x4e: {  	[tilespmem:s17], [sflag:$0x1] =	stream.indirect_vreg.gather [hbm4b:s2+s3], $0x80, v0, vm0, $0xb8;
	[tilespmem:$0xC400] =	vst v63  }
0x4f: {  	s14 =	simm.s32 $0x2000  }
0x50: {  	[tilespmem:s14], [sflag:$0x1] =	stream.indirect_vreg.gather [hbm4b:s4+s3], $0x80, v0, vm0, $0xb8;
	[tilespmem:$0xC400] =	vst v63  }
0x51: {  	s15 =	simm.s32 $0x2800  }
0x52: {  	[tilespmem:s15], [sflag:$0x1] =	stream.indirect_vreg.gather [hbm4b:s5+s3], $0x80, v0, vm0, $0xb8;
	[tilespmem:$0xC400] =	vst v63  }
0x53: {  	v0 =	vld [tilespmem:$0xC310];
	_ =	sdelay $0x3  }
0x54: {  	v2 =	vld [tilespmem:$0x1FF80]  }
0x55: {  	v1 =	vshrl.u32 v0, $0x3  }
0x56: {  	v4 =	vld [tilespmem:$0x1FFE0];
	v1 =	vmul.u32 $0x30, v1  }
0x57: {  	v0 =	vand.u32 $0x7, v0  }
0x58: {  	v0 =	vor.u32 v0, v1  }
0x59: {  	v1 =	vperm.xlane v0, v2  }
0x5a: {  	v3 =	vld [tilespmem:$0x1FF90]  }
0x5b: {  	v1 =	vadd.s32 v4, v1;
	_ =	sdelay $0x3  }
0x5c: {  	s16 =	simm.s32 $0x3000;
	v0 =	vperm.xlane v0, v3  }
0x5d: {  	[tilespmem:s16], [sflag:$0x1] =	stream.indirect_vreg.gather [hbm4b:s2+s3], $0x80, v1, vm0, $0xb8;
	[tilespmem:$0xC400] =	vst v63  }
0x5e: {  	s17 =	simm.s32 $0x3800;
	v0 =	vadd.s32 v4, v0  }
0x5f: {  	[tilespmem:s17], [sflag:$0x1] =	stream.indirect_vreg.gather [hbm4b:s4+s3], $0x80, v1, vm0, $0xb8;
	[tilespmem:$0xC400] =	vst v63  }
0x60: {  	s14 =	simm.s32 $0x4000  }
0x61: {  	[tilespmem:s14], [sflag:$0x1] =	stream.indirect_vreg.gather [hbm4b:s5+s3], $0x80, v1, vm0, $0xb8;
	[tilespmem:$0xC400] =	vst v63  }
0x62: {  	s15 =	simm.s32 $0x4800  }
0x63: {  	[tilespmem:s15], [sflag:$0x1] =	stream.indirect_vreg.gather [hbm4b:s2+s3], $0x80, v0, vm0, $0xb8;
	[tilespmem:$0xC400] =	vst v63  }
0x64: {  	s16 =	simm.s32 $0x5000  }
0x65: {  	[tilespmem:s16], [sflag:$0x1] =	stream.indirect_vreg.gather [hbm4b:s4+s3], $0x80, v0, vm0, $0xb8;
	[tilespmem:$0xC400] =	vst v63  }
0x66: {  	_ = 	snop  }
0x67: {  	[tilespmem:s18], [sflag:$0x1] =	stream.indirect_vreg.gather [hbm4b:s5+s3], $0x80, v0, vm0, $0xb8;
	v0 =	vld [tilespmem:$0x1FF60]  }
0x68: {  	_ =	sdelay $0x3  }
0x69: {  	[tilespmem:$0xC380] =	vst v0;
	v0 =	vld [tilespmem:$0x1FFA0];
	_ =	sdelay $0x4  }
0x6a: {  	[tilespmem:$0xC390] =	vst v0;
	v0 =	vld [tilespmem:$0x1FFD0];
	_ =	sdelay $0x7  }
0x6b: {  	[tilespmem:s19], [sflag:$0x2] =	stream.indirect_vreg.gather [hbm4b:s2+s3], $0x80, v0, vm0, $0xb8;
	[tilespmem:$0xC400] =	vst v63  }
0x6c: {  	_ = 	snop  }
0x6d: {  	[tilespmem:s20], [sflag:$0x2] =	stream.indirect_vreg.gather [hbm4b:s4+s3], $0x80, v0, vm0, $0xb8;
	[tilespmem:$0xC400] =	vst v63  }
0x6e: {  	_ = 	snop  }
0x6f: {  	[tilespmem:s21], [sflag:$0x2] =	stream.indirect_vreg.gather [hbm4b:s5+s3], $0x80, v0, vm0, $0xb8;
	v0 =	vld [tilespmem:$0x1FFF0]  }
0x70: {  	_ =	sdelay $0x6  }
0x71: {  	[tilespmem:s22], [sflag:$0x2] =	stream.indirect_vreg.gather [hbm4b:s2+s3], $0x80, v0, vm0, $0xb8;
	[tilespmem:$0xC400] =	vst v63  }
0x72: {  	_ = 	snop  }
0x73: {  	[tilespmem:s23], [sflag:$0x2] =	stream.indirect_vreg.gather [hbm4b:s4+s3], $0x80, v0, vm0, $0xb8;
	[tilespmem:$0xC400] =	vst v63  }
0x74: {  	_ = 	snop  }
0x75: {  	[tilespmem:s24], [sflag:$0x2] =	stream.indirect_vreg.gather [hbm4b:s5+s3], $0x80, v0, vm0, $0xb8;
	[tilespmem:$0xC400] =	vst v63  }
0x76: {  	v0 =	vld [tilespmem:$0xC390];
	_ =	sdelay $0x4  }
0x77: {  	v1 =	vshrl.u32 v0, $0x3  }
0x78: {  	v1 =	vmul.u32 $0x30, v1  }
0x79: {  	v0 =	vand.u32 $0x7, v0  }
0x7a: {  	v0 =	vor.u32 v0, v1  }
0x7b: {  	v1 =	vperm.xlane v0, v2;
	_ =	sdelay $0x1  }
0x7c: {  	v1 =	vadd.s32 v4, v1;
	_ =	sdelay $0x3  }
0x7d: {  	v0 =	vperm.xlane v0, v3  }
0x7e: {  	[tilespmem:s25], [sflag:$0x2] =	stream.indirect_vreg.gather [hbm4b:s2+s3], $0x80, v1, vm0, $0xb8;
	[tilespmem:$0xC400] =	vst v63  }
0x7f: {  	v0 =	vadd.s32 v4, v0  }
0x80: {  	[tilespmem:s26], [sflag:$0x2] =	stream.indirect_vreg.gather [hbm4b:s4+s3], $0x80, v1, vm0, $0xb8;
	[tilespmem:$0xC400] =	vst v63  }
0x81: {  	_ = 	snop  }
0x82: {  	[tilespmem:s28], [sflag:$0x2] =	stream.indirect_vreg.gather [hbm4b:s5+s3], $0x80, v1, vm0, $0xb8;
	[tilespmem:$0xC400] =	vst v63  }
0x83: {  	_ = 	snop  }
0x84: {  	[tilespmem:s29], [sflag:$0x2] =	stream.indirect_vreg.gather [hbm4b:s2+s3], $0x80, v0, vm0, $0xb8;
	[tilespmem:$0xC400] =	vst v63  }
0x85: {  	s17 =	simm.s32 $0x0  }
0x86: {  	[tilespmem:s30], [sflag:$0x2] =	stream.indirect_vreg.gather [hbm4b:s4+s3], $0x80, v0, vm0, $0xb8;
	[tilespmem:$0xC400] =	vst v63  }
0x87: {  	s13 =	smul.u32 $0x6000, s17  }
0x88: {  	[tilespmem:s31], [sflag:$0x2] =	stream.indirect_vreg.gather [hbm4b:s5+s3], $0x80, v0, vm0, $0xb8;
	[tilespmem:$0xC400] =	vst v63  }
0x89: {  	_ =	swait.ge [sflag:s0], $0x6000  }
0x8a: {  	s14 =	sand.u32 $0x380, s3;
	s13 =	sshra.s32 s13, $0x2;
	[sflag:s0] =	ssyncset.done $0x0  }
0x8b: {  	s13 =	sor.u32 s14, s13;
	[sflag:s0] =	ssyncadd.s32 $0xFFFFA000  }
0x8c: {  	v0 =	vld [tilespmem:s13+$0x870]  }
0x8d: {  	v1 =	vld [tilespmem:s13+$0x0]  }
0x8e: {  	v2 =	vld [tilespmem:s13+$0x10]  }
0x8f: {  	v3 =	vld [tilespmem:s13+$0x20]  }
0x90: {  	v4 =	vld [tilespmem:s13+$0x30]  }
0x91: {  	v5 =	vld [tilespmem:s13+$0x40]  }
0x92: {  	v7 =	vld [tilespmem:s13+$0x50]  }
0x93: {  	v8 =	vld [tilespmem:s13+$0x60]  }
0x94: {  	v9 =	vld [tilespmem:s13+$0x70]  }
0x95: {  	v10 =	vld [tilespmem:s13+$0x400]  }
0x96: {  	v18 =	vld [tilespmem:s13+$0x410]  }
0x97: {  	v19 =	vld [tilespmem:s13+$0x420];
	v32 =	vadd.f32 v0, v11  }
0x98: {  	v13 =	vadd.f32 v1, v11;
	v1 =	vld [tilespmem:s13+$0x430];
	v6 =	vadd.f32 v2, v11  }
0x99: {  	v12 =	vadd.f32 v3, v11;
	v2 =	vld [tilespmem:s13+$0x440];
	v0 =	vadd.f32 v4, v11  }
0x9a: {  	v5 =	vadd.f32 v5, v11;
	v3 =	vld [tilespmem:s13+$0x450];
	v14 =	vadd.f32 v7, v11  }
0x9b: {  	v15 =	vadd.f32 v8, v11;
	v16 =	vadd.f32 v9, v11  }
0x9c: {  	v24 =	vld [tilespmem:s13+$0x460];
	v17 =	vadd.f32 v10, v11;
	v18 =	vadd.f32 v18, v11  }
0x9d: {  	v25 =	vld [tilespmem:s13+$0x470];
	v19 =	vadd.f32 v19, v11;
	v4 =	vimm.f32 $0.0e+00;
	v7 =	vimm.f32 $0.0e+00  }
0x9e: {  	v23 =	vld [tilespmem:s13+$0x800];
	v10 =	vimm.f32 $0.0e+00;
	v9 =	vimm.f32 $0.0e+00;
	v20 =	vadd.f32 v1, v11  }
0x9f: {  	v26 =	vld [tilespmem:s13+$0x810];
	v8 =	vimm.f32 $0.0e+00;
	v21 =	vadd.f32 v2, v11;
	v22 =	vadd.f32 v3, v11  }
0xa0: {  	s15 =	simm.s32 $0x2;
	s14 =	simm.s32 $0x0;
	s16 =	simm.s32 $0x0;
	v27 =	vld [tilespmem:s13+$0x820];
	v2 =	vimm.f32 $0.0e+00;
	v3 =	vimm.f32 $0.0e+00;
	v1 =	vimm.f32 $0.0e+00  }
.LBB2_2:
0xa1: {  	p0 =	sne.s32 s15, $0x1F;
	s16 =	smul.u32 $0x6000, s16;
	v11 =	vadd.f32 v24, v11;
	v24 =	vld [tilespmem:s13+$0x830]  }
0xa2: {  	s14 =	sadd.s32 $0x80, s14;
	v2 =	vadd.f32 v25, v2;
	v25 =	vld [tilespmem:s13+$0x840]  }
0xa3: {  	s17 =	sand.u32 $0x380, s14;
	s16 =	sshra.s32 s16, $0x2;
	v3 =	vadd.f32 v23, v3;
	v23 =	vld [tilespmem:s13+$0x850]  }
0xa4: {  	v4 =	vadd.f32 v26, v4;
	v26 =	vld [tilespmem:s13+$0x860];
	s13 =	sor.u32 s17, s16  }
0xa5: {  	v28 =	vld [tilespmem:s13+$0x870];
	v7 =	vadd.f32 v27, v7  }
0xa6: {  	v27 =	vld [tilespmem:s13+$0x0];
	v1 =	vadd.f32 v24, v1  }
0xa7: {  	v24 =	vld [tilespmem:s13+$0x10];
	v10 =	vadd.f32 v25, v10  }
0xa8: {  	v25 =	vld [tilespmem:s13+$0x20];
	v9 =	vadd.f32 v23, v9  }
0xa9: {  	v23 =	vld [tilespmem:s13+$0x30];
	v8 =	vadd.f32 v26, v8  }
0xaa: {  	v26 =	vld [tilespmem:s13+$0x40];
	v32 =	vadd.f32 v28, v32  }
0xab: {  	v13 =	vadd.f32 v27, v13;
	v27 =	vld [tilespmem:s13+$0x50]  }
0xac: {  	v6 =	vadd.f32 v24, v6;
	v24 =	vld [tilespmem:s13+$0x60]  }
0xad: {  	v12 =	vadd.f32 v25, v12;
	v25 =	vld [tilespmem:s13+$0x70]  }
0xae: {  	v0 =	vadd.f32 v23, v0;
	v23 =	vld [tilespmem:s13+$0x400]  }
0xaf: {  	v5 =	vadd.f32 v26, v5;
	v26 =	vld [tilespmem:s13+$0x410]  }
0xb0: {  	v14 =	vadd.f32 v27, v14;
	v27 =	vld [tilespmem:s13+$0x420]  }
0xb1: {  	v15 =	vadd.f32 v24, v15;
	v28 =	vld [tilespmem:s13+$0x430]  }
0xb2: {  	v16 =	vadd.f32 v25, v16;
	v29 =	vld [tilespmem:s13+$0x440]  }
0xb3: {  	v17 =	vadd.f32 v23, v17;
	v30 =	vld [tilespmem:s13+$0x450]  }
.Ltmp0:
0xb4: {  	v18 =	vadd.f32 v26, v18;
	v24 =	vld [tilespmem:s13+$0x460];
	(pc) =	sbr.rel @p0 .LBB2_2-.Ltmp0, $4  }
0xb5: {  	v19 =	vadd.f32 v27, v19;
	v25 =	vld [tilespmem:s13+$0x470]  }
0xb6: {  	v20 =	vadd.f32 v28, v20;
	v23 =	vld [tilespmem:s13+$0x800]  }
0xb7: {  	v21 =	vadd.f32 v29, v21;
	v26 =	vld [tilespmem:s13+$0x810]  }
0xb8: {  	s16 =	sshrl.u32 s15, $0x3;
	s15 =	sadd.s32 $0x1, s15;
	v22 =	vadd.f32 v30, v22;
	v27 =	vld [tilespmem:s13+$0x820]  }
0xb9: {  	v28 =	vld [tilespmem:s13+$0x830]  }
0xba: {  	v29 =	vld [tilespmem:s13+$0x840]  }
0xbb: {  	v30 =	vld [tilespmem:s13+$0x850]  }
0xbc: {  	v31 =	vld [tilespmem:s13+$0x860]  }
0xbd: {  	s15 =	smul.u32 $0x6000, s16;
	v61 =	vld [tilespmem:$0xC000]  }
0xbe: {  	s14 =	sadd.s32 $0x80, s14;
	v62 =	vld [tilespmem:$0xC010]  }
0xbf: {  	v63 =	vld [tilespmem:$0xC020];
	s14 =	sand.u32 $0x380, s14;
	s15 =	sshra.s32 s15, $0x2  }
0xc0: {  	v57 =	vld [tilespmem:$0xC040];
	s14 =	sor.u32 s14, s15  }
0xc1: {  	v33 =	vld [tilespmem:s14+$0x870]  }
0xc2: {  	v34 =	vld [tilespmem:s14+$0x0]  }
0xc3: {  	v35 =	vld [tilespmem:s14+$0x10]  }
0xc4: {  	v36 =	vld [tilespmem:s14+$0x20]  }
0xc5: {  	v37 =	vld [tilespmem:s14+$0x30]  }
0xc6: {  	v38 =	vld [tilespmem:s14+$0x40]  }
0xc7: {  	v39 =	vld [tilespmem:s14+$0x50]  }
0xc8: {  	v40 =	vld [tilespmem:s14+$0x60]  }
0xc9: {  	v41 =	vld [tilespmem:s14+$0x70]  }
0xca: {  	v42 =	vld [tilespmem:s14+$0x400]  }
0xcb: {  	v43 =	vld [tilespmem:s14+$0x410]  }
0xcc: {  	v44 =	vld [tilespmem:s14+$0x420]  }
0xcd: {  	v45 =	vld [tilespmem:s14+$0x430]  }
0xce: {  	v46 =	vld [tilespmem:s14+$0x440]  }
0xcf: {  	v47 =	vld [tilespmem:s14+$0x450]  }
0xd0: {  	v48 =	vld [tilespmem:s14+$0x460]  }
0xd1: {  	v49 =	vld [tilespmem:s14+$0x470]  }
0xd2: {  	v50 =	vld [tilespmem:s14+$0x800]  }
0xd3: {  	v51 =	vld [tilespmem:s14+$0x810]  }
0xd4: {  	v52 =	vld [tilespmem:s14+$0x820]  }
0xd5: {  	v53 =	vld [tilespmem:s14+$0x830]  }
0xd6: {  	v54 =	vld [tilespmem:s14+$0x840]  }
0xd7: {  	v11 =	vadd.f32 v24, v11;
	v55 =	vld [tilespmem:s14+$0x850];
	v13 =	vadd.f32 v34, v13  }
0xd8: {  	v3 =	vadd.f32 v23, v3;
	v34 =	vld [tilespmem:$0xC030];
	v6 =	vadd.f32 v35, v6  }
0xd9: {  	v12 =	vadd.f32 v36, v12;
	v23 =	vadd.f32 v61, v13;
	v13 =	vld [tilespmem:$0xC050]  }
0xda: {  	v5 =	vadd.f32 v38, v5;
	v24 =	vadd.f32 v62, v6;
	v6 =	vld [tilespmem:$0xC060]  }
0xdb: {  	v56 =	vld [tilespmem:s14+$0x860];
	v0 =	vadd.f32 v37, v0;
	v58 =	vadd.f32 v63, v12;
	[tilespmem:$0xC000] =	vst v23  }
0xdc: {  	v14 =	vadd.f32 v39, v14;
	v12 =	vld [tilespmem:$0xC070];
	v60 =	vadd.f32 v57, v5;
	[tilespmem:$0xC010] =	vst v24  }
0xdd: {  	v15 =	vadd.f32 v40, v15;
	[tilespmem:$0xC020] =	vst v58;
	v59 =	vadd.f32 v34, v0;
	v0 =	vld [tilespmem:$0xC080]  }
0xde: {  	v16 =	vadd.f32 v41, v16;
	[tilespmem:$0xC040] =	vst v60;
	v61 =	vadd.f32 v13, v14  }
0xdf: {  	v5 =	vld [tilespmem:$0xC090];
	[tilespmem:$0xC030] =	vst v59;
	v14 =	vadd.f32 v42, v17;
	v17 =	vadd.f32 v6, v15  }
0xe0: {  	v2 =	vadd.f32 v25, v2;
	v4 =	vadd.f32 v26, v4;
	v13 =	vld [tilespmem:$0xC0A0];
	[tilespmem:$0xC050] =	vst v61  }
0xe1: {  	v7 =	vadd.f32 v27, v7;
	v6 =	vld [tilespmem:$0xC0B0];
	v62 =	vadd.f32 v12, v16;
	[tilespmem:$0x1FE30] =	vst v17  }
0xe2: {  	v15 =	vadd.f32 v43, v18;
	[tilespmem:$0xC060] =	vst v17;
	v17 =	vadd.f32 v0, v14  }
0xe3: {  	v1 =	vadd.f32 v28, v1;
	v12 =	vld [tilespmem:$0xC0C0];
	v16 =	vadd.f32 v44, v19;
	[tilespmem:$0xC070] =	vst v62  }
0xe4: {  	v63 =	vadd.f32 v5, v15;
	v5 =	vld [tilespmem:$0xC0E0];
	v14 =	vadd.f32 v45, v20;
	[tilespmem:$0x1FE50] =	vst v17  }
0xe5: {  	v10 =	vadd.f32 v29, v10;
	v0 =	vld [tilespmem:$0xC0D0];
	[tilespmem:$0xC080] =	vst v17;
	v17 =	vadd.f32 v13, v16  }
0xe6: {  	v15 =	vadd.f32 v46, v21;
	[tilespmem:$0xC090] =	vst v63;
	v13 =	vld [tilespmem:$0xC0F0];
	v14 =	vadd.f32 v6, v14  }
0xe7: {  	v9 =	vadd.f32 v30, v9;
	v11 =	vadd.f32 v48, v11;
	v6 =	vld [tilespmem:$0xC100];
	[tilespmem:$0xC0A0] =	vst v17  }
0xe8: {  	v16 =	vadd.f32 v47, v22;
	v15 =	vadd.f32 v12, v15;
	v12 =	vld [tilespmem:$0xC110];
	[tilespmem:$0x1FE80] =	vst v14  }
0xe9: {  	v8 =	vadd.f32 v31, v8;
	[tilespmem:$0xC0B0] =	vst v14;
	v11 =	vadd.f32 v5, v11;
	v5 =	vld [tilespmem:$0xC130]  }
0xea: {  	v2 =	vadd.f32 v49, v2;
	[tilespmem:$0xC0C0] =	vst v15;
	v14 =	vadd.f32 v0, v16;
	v0 =	vld [tilespmem:$0xC120]  }
0xeb: {  	v3 =	vadd.f32 v50, v3;
	v4 =	vadd.f32 v51, v4;
	[tilespmem:$0x1FEB0] =	vst v11  }
0xec: {  	v7 =	vadd.f32 v52, v7;
	[tilespmem:$0xC0E0] =	vst v11;
	v13 =	vadd.f32 v13, v2;
	v2 =	vld [tilespmem:$0xC140]  }
0xed: {  	v1 =	vadd.f32 v53, v1;
	[tilespmem:$0xC0D0] =	vst v14;
	v11 =	vadd.f32 v6, v3;
	v3 =	vld [tilespmem:$0xC150]  }
0xee: {  	v12 =	vadd.f32 v12, v4;
	v4 =	vld [tilespmem:$0xC160];
	v6 =	vadd.f32 v54, v10;
	[tilespmem:$0xC0F0] =	vst v13  }
0xef: {  	[tilespmem:$0xC100] =	vst v11;
	v5 =	vadd.f32 v5, v1;
	v10 =	vadd.f32 v0, v7;
	v0 =	vld [tilespmem:$0xC170]  }
0xf0: {  	[tilespmem:$0xC110] =	vst v12;
	v7 =	vadd.f32 v55, v9  }
0xf1: {  	v1 =	vadd.f32 v56, v8;
	[tilespmem:$0xC130] =	vst v5;
	v6 =	vadd.f32 v2, v6  }
0xf2: {  	s15 =	simm.s32 $0x0;
	[tilespmem:$0xC120] =	vst v10;
	v2 =	vadd.f32 v33, v32;
	v3 =	vadd.f32 v3, v7  }
0xf3: {  	s16 =	smul.u32 $0x6000, s15;
	v1 =	vadd.f32 v4, v1;
	[tilespmem:$0xC140] =	vst v6  }
0xf4: {  	s13 =	simm.s32 $0x0;
	[tilespmem:$0xC150] =	vst v3;
	v0 =	vadd.f32 v0, v2  }
0xf5: {  	s17 =	sand.u32 $0x380, s13;
	s14 =	sshra.s32 s16, $0x2;
	[tilespmem:$0xC160] =	vst v1  }
0xf6: {  	s14 =	sor.u32 s17, s14;
	[tilespmem:$0xC170] =	vst v0  }
0xf7: {  	[tilespmem:$0x1FF40] =	vst v0;
	v0 =	vld [tilespmem:s14+$0x1470]  }
0xf8: {  	[tilespmem:$0x1FF30] =	vst v1;
	v1 =	vld [tilespmem:s14+$0xC00]  }
0xf9: {  	[tilespmem:$0x1FF20] =	vst v3;
	v3 =	vld [tilespmem:s14+$0xC10]  }
0xfa: {  	[tilespmem:$0x1FDD0] =	vst v23;
	v4 =	vld [tilespmem:s14+$0xC20]  }
0xfb: {  	[tilespmem:$0x1FF00] =	vst v5;
	v5 =	vld [tilespmem:s14+$0xC30]  }
0xfc: {  	[tilespmem:$0x1FDE0] =	vst v24;
	v7 =	vld [tilespmem:s14+$0xC40]  }
0xfd: {  	[tilespmem:$0x1FDF0] =	vst v58;
	v8 =	vld [tilespmem:s14+$0xC50]  }
0xfe: {  	[tilespmem:$0x1FEA0] =	vst v14;
	v9 =	vld [tilespmem:s14+$0xC60]  }
0xff: {  	[tilespmem:$0x1FEF0] =	vst v10;
	v10 =	vld [tilespmem:s14+$0xC70]  }
0x100: {  	[tilespmem:$0x1FED0] =	vst v11;
	v11 =	vld [tilespmem:s14+$0x1000]  }
0x101: {  	[tilespmem:$0x1FEE0] =	vst v12;
	v2 =	vimm.f32 $0.0e+00;
	v12 =	vld [tilespmem:s14+$0x1010]  }
0x102: {  	[tilespmem:$0x1FEC0] =	vst v13;
	v13 =	vld [tilespmem:s14+$0x1020];
	v56 =	vadd.f32 v0, v2;
	v1 =	vadd.f32 v1, v2  }
0x103: {  	[tilespmem:$0x1FF10] =	vst v6;
	v14 =	vld [tilespmem:s14+$0x1030];
	v35 =	vadd.f32 v3, v2;
	v6 =	vadd.f32 v4, v2  }
0x104: {  	[tilespmem:$0x1FE10] =	vst v60;
	v3 =	vld [tilespmem:s14+$0x1040];
	v0 =	vadd.f32 v5, v2;
	v5 =	vadd.f32 v7, v2  }
0x105: {  	[tilespmem:$0x1FE00] =	vst v59;
	v4 =	vld [tilespmem:s14+$0x1050];
	v38 =	vadd.f32 v8, v2;
	v39 =	vadd.f32 v9, v2  }
0x106: {  	v37 =	vimm.f32 $0.0e+00;
	[tilespmem:$0x1FE20] =	vst v61;
	v40 =	vadd.f32 v10, v2;
	v42 =	vadd.f32 v12, v2;
	v12 =	vld [tilespmem:s14+$0x1060]  }
0x107: {  	v36 =	vimm.f32 $0.0e+00;
	[tilespmem:$0x1FE40] =	vst v62;
	v41 =	vadd.f32 v11, v2;
	v43 =	vadd.f32 v13, v2;
	v13 =	vld [tilespmem:s14+$0x1070]  }
0x108: {  	[tilespmem:$0x1FE60] =	vst v63;
	v44 =	vadd.f32 v14, v2;
	v11 =	vld [tilespmem:s14+$0x1400];
	v7 =	vimm.f32 $0.0e+00;
	v8 =	vimm.f32 $0.0e+00  }
0x109: {  	[tilespmem:$0x1FE70] =	vst v17;
	v14 =	vld [tilespmem:s14+$0x1410];
	v9 =	vimm.f32 $0.0e+00;
	v10 =	vimm.f32 $0.0e+00;
	v45 =	vadd.f32 v3, v2  }
0x10a: {  	s15 =	simm.s32 $0x2;
	s16 =	simm.s32 $0x0;
	[tilespmem:$0x1FE90] =	vst v15;
	v15 =	vld [tilespmem:s14+$0x1420];
	v46 =	vadd.f32 v4, v2;
	v3 =	vimm.f32 $0.0e+00;
	v4 =	vimm.f32 $0.0e+00  }
.LBB2_4:
0x10b: {  	p0 =	sne.s32 s15, $0x1F;
	s16 =	smul.u32 $0x6000, s16;
	v2 =	vadd.f32 v12, v2;
	v12 =	vld [tilespmem:s14+$0x1430]  }
0x10c: {  	s13 =	sadd.s32 $0x80, s13;
	v7 =	vadd.f32 v13, v7;
	v13 =	vld [tilespmem:s14+$0x1440]  }
0x10d: {  	s17 =	sand.u32 $0x380, s13;
	s16 =	sshra.s32 s16, $0x2;
	v8 =	vadd.f32 v11, v8;
	v11 =	vld [tilespmem:s14+$0x1450]  }
0x10e: {  	v9 =	vadd.f32 v14, v9;
	v14 =	vld [tilespmem:s14+$0x1460];
	s14 =	sor.u32 s17, s16  }
0x10f: {  	v16 =	vld [tilespmem:s14+$0x1470];
	v10 =	vadd.f32 v15, v10  }
0x110: {  	v15 =	vld [tilespmem:s14+$0xC00];
	v3 =	vadd.f32 v12, v3  }
0x111: {  	v12 =	vld [tilespmem:s14+$0xC10];
	v37 =	vadd.f32 v13, v37  }
0x112: {  	v13 =	vld [tilespmem:s14+$0xC20];
	v36 =	vadd.f32 v11, v36  }
0x113: {  	v11 =	vld [tilespmem:s14+$0xC30];
	v4 =	vadd.f32 v14, v4  }
0x114: {  	v14 =	vld [tilespmem:s14+$0xC40];
	v56 =	vadd.f32 v16, v56  }
0x115: {  	v1 =	vadd.f32 v15, v1;
	v15 =	vld [tilespmem:s14+$0xC50]  }
0x116: {  	v35 =	vadd.f32 v12, v35;
	v12 =	vld [tilespmem:s14+$0xC60]  }
0x117: {  	v6 =	vadd.f32 v13, v6;
	v13 =	vld [tilespmem:s14+$0xC70]  }
0x118: {  	v0 =	vadd.f32 v11, v0;
	v11 =	vld [tilespmem:s14+$0x1000]  }
0x119: {  	v5 =	vadd.f32 v14, v5;
	v14 =	vld [tilespmem:s14+$0x1010]  }
0x11a: {  	v38 =	vadd.f32 v15, v38;
	v15 =	vld [tilespmem:s14+$0x1020]  }
0x11b: {  	v39 =	vadd.f32 v12, v39;
	v16 =	vld [tilespmem:s14+$0x1030]  }
0x11c: {  	v40 =	vadd.f32 v13, v40;
	v17 =	vld [tilespmem:s14+$0x1040]  }
0x11d: {  	v41 =	vadd.f32 v11, v41;
	v18 =	vld [tilespmem:s14+$0x1050]  }
.Ltmp1:
0x11e: {  	v42 =	vadd.f32 v14, v42;
	v12 =	vld [tilespmem:s14+$0x1060];
	(pc) =	sbr.rel @p0 .LBB2_4-.Ltmp1, $4  }
0x11f: {  	v43 =	vadd.f32 v15, v43;
	v13 =	vld [tilespmem:s14+$0x1070]  }
0x120: {  	v44 =	vadd.f32 v16, v44;
	v11 =	vld [tilespmem:s14+$0x1400]  }
0x121: {  	v45 =	vadd.f32 v17, v45;
	v14 =	vld [tilespmem:s14+$0x1410]  }
0x122: {  	s16 =	sshrl.u32 s15, $0x3;
	s15 =	sadd.s32 $0x1, s15;
	v46 =	vadd.f32 v18, v46;
	v15 =	vld [tilespmem:s14+$0x1420]  }
0x123: {  	v16 =	vld [tilespmem:s14+$0x1430]  }
0x124: {  	v17 =	vld [tilespmem:s14+$0x1440]  }
0x125: {  	s15 =	smul.u32 $0x6000, s16;
	v18 =	vld [tilespmem:s14+$0x1450]  }
0x126: {  	s13 =	sadd.s32 $0x80, s13;
	v19 =	vld [tilespmem:s14+$0x1460]  }
0x127: {  	s13 =	sand.u32 $0x380, s13;
	v7 =	vadd.f32 v13, v7;
	v13 =	vld [tilespmem:$0xC190];
	s15 =	sshra.s32 s15, $0x2  }
0x128: {  	v8 =	vadd.f32 v11, v8;
	v11 =	vld [tilespmem:$0xC180];
	s13 =	sor.u32 s13, s15  }
0x129: {  	v20 =	vld [tilespmem:s13+$0x1470]  }
0x12a: {  	v21 =	vld [tilespmem:s13+$0xC00]  }
0x12b: {  	v22 =	vld [tilespmem:s13+$0xC10]  }
0x12c: {  	v23 =	vld [tilespmem:s13+$0xC20]  }
0x12d: {  	v47 =	vld [tilespmem:s13+$0xC30]  }
0x12e: {  	v48 =	vld [tilespmem:s13+$0xC40]  }
0x12f: {  	v49 =	vld [tilespmem:s13+$0xC50]  }
0x130: {  	v50 =	vld [tilespmem:s13+$0xC60]  }
0x131: {  	v51 =	vld [tilespmem:s13+$0xC70]  }
0x132: {  	v52 =	vld [tilespmem:s13+$0x1000]  }
0x133: {  	v53 =	vld [tilespmem:s13+$0x1010]  }
0x134: {  	v54 =	vld [tilespmem:s13+$0x1020]  }
0x135: {  	v55 =	vld [tilespmem:s13+$0x1030]  }
0x136: {  	v57 =	vld [tilespmem:s13+$0x1040]  }
0x137: {  	v58 =	vld [tilespmem:s13+$0x1050]  }
0x138: {  	v59 =	vld [tilespmem:s13+$0x1060]  }
0x139: {  	v60 =	vld [tilespmem:s13+$0x1070]  }
0x13a: {  	v61 =	vld [tilespmem:s13+$0x1400]  }
0x13b: {  	v62 =	vld [tilespmem:s13+$0x1410]  }
0x13c: {  	v63 =	vld [tilespmem:s13+$0x1420]  }
0x13d: {  	v9 =	vadd.f32 v14, v9;
	v24 =	vld [tilespmem:s13+$0x1430]  }
0x13e: {  	v25 =	vld [tilespmem:s13+$0x1440];
	v3 =	vadd.f32 v16, v3;
	v1 =	vadd.f32 v21, v1  }
0x13f: {  	v16 =	vadd.f32 v18, v36;
	v4 =	vadd.f32 v19, v4;
	v19 =	vld [tilespmem:$0xC1C0]  }
0x140: {  	v26 =	vld [tilespmem:s13+$0x1450];
	v18 =	vadd.f32 v22, v35;
	v21 =	vadd.f32 v11, v1  }
0x141: {  	v10 =	vadd.f32 v15, v10;
	v15 =	vld [tilespmem:$0xC1A0];
	v14 =	vadd.f32 v17, v37  }
0x142: {  	v17 =	vld [tilespmem:$0xC1B0];
	v5 =	vadd.f32 v48, v5;
	v18 =	vadd.f32 v13, v18;
	[tilespmem:$0x1FD40] =	vst v21  }
0x143: {  	v2 =	vadd.f32 v12, v2;
	v12 =	vld [tilespmem:s13+$0x1460];
	[tilespmem:$0xC180] =	vst v21  }
0x144: {  	v6 =	vadd.f32 v23, v6;
	v19 =	vadd.f32 v19, v5;
	[tilespmem:$0x1FD50] =	vst v18  }
0x145: {  	v0 =	vadd.f32 v47, v0;
	v1 =	vld [tilespmem:$0xC1D0];
	[tilespmem:$0xC190] =	vst v18  }
0x146: {  	v21 =	vadd.f32 v15, v6;
	[tilespmem:$0x1FD80] =	vst v19  }
0x147: {  	v11 =	vld [tilespmem:$0xC1E0];
	v18 =	vadd.f32 v17, v0;
	[tilespmem:$0xC1C0] =	vst v19  }
0x148: {  	v13 =	vadd.f32 v49, v38;
	[tilespmem:$0x1FD60] =	vst v21  }
0x149: {  	v6 =	vld [tilespmem:$0xC1F0];
	[tilespmem:$0x1FD70] =	vst v18  }
0x14a: {  	v15 =	vadd.f32 v50, v39;
	[tilespmem:$0xC1B0] =	vst v18;
	v18 =	vadd.f32 v1, v13  }
0x14b: {  	v0 =	vld [tilespmem:$0xC200];
	[tilespmem:$0xC1A0] =	vst v21  }
0x14c: {  	v17 =	vadd.f32 v51, v40;
	v19 =	vadd.f32 v11, v15;
	[tilespmem:$0x1FD90] =	vst v18  }
0x14d: {  	v5 =	vld [tilespmem:$0xC210];
	[tilespmem:$0xC1D0] =	vst v18  }
0x14e: {  	v1 =	vld [tilespmem:$0xC220];
	v13 =	vadd.f32 v52, v41;
	v18 =	vadd.f32 v6, v17;
	[tilespmem:$0x1FDA0] =	vst v19  }
0x14f: {  	v11 =	vld [tilespmem:$0xC230];
	[tilespmem:$0xC1E0] =	vst v19  }
0x150: {  	v15 =	vadd.f32 v53, v42;
	v6 =	vld [tilespmem:$0xC240];
	v19 =	vadd.f32 v0, v13;
	[tilespmem:$0x1FDB0] =	vst v18  }
0x151: {  	v17 =	vadd.f32 v54, v43;
	v0 =	vld [tilespmem:$0xC250];
	[tilespmem:$0xC1F0] =	vst v18  }
0x152: {  	v13 =	vadd.f32 v55, v44;
	v44 =	vadd.f32 v5, v15;
	v5 =	vld [tilespmem:$0xC260];
	[tilespmem:$0x1FDC0] =	vst v19  }
0x153: {  	v15 =	vadd.f32 v57, v45;
	[tilespmem:$0xC200] =	vst v19;
	v45 =	vadd.f32 v1, v17;
	v1 =	vld [tilespmem:$0xC270]  }
0x154: {  	[tilespmem:$0xC210] =	vst v44;
	v17 =	vadd.f32 v58, v46;
	v46 =	vadd.f32 v11, v13;
	v11 =	vld [tilespmem:$0xC280]  }
0x155: {  	v2 =	vadd.f32 v59, v2;
	[tilespmem:$0xC220] =	vst v45;
	v47 =	vadd.f32 v6, v15;
	v6 =	vld [tilespmem:$0xC290]  }
0x156: {  	v7 =	vadd.f32 v60, v7;
	[tilespmem:$0xC230] =	vst v46;
	v48 =	vadd.f32 v0, v17;
	v0 =	vld [tilespmem:$0xC2A0]  }
0x157: {  	v8 =	vadd.f32 v61, v8;
	v49 =	vadd.f32 v5, v2;
	v2 =	vld [tilespmem:$0xC2B0];
	[tilespmem:$0xC240] =	vst v47  }
0x158: {  	v5 =	vadd.f32 v62, v9;
	[tilespmem:$0xC250] =	vst v48;
	v50 =	vadd.f32 v1, v7;
	v1 =	vld [tilespmem:$0xC2C0]  }
0x159: {  	[tilespmem:$0xC260] =	vst v49;
	v7 =	vadd.f32 v63, v10;
	v51 =	vadd.f32 v11, v8;
	v8 =	vld [tilespmem:$0xC2D0]  }
0x15a: {  	v3 =	vadd.f32 v24, v3;
	[tilespmem:$0xC270] =	vst v50;
	v52 =	vadd.f32 v6, v5;
	v5 =	vld [tilespmem:$0xC2E0]  }
0x15b: {  	v6 =	vadd.f32 v25, v14;
	[tilespmem:$0xC280] =	vst v51;
	v53 =	vadd.f32 v0, v7;
	v0 =	vld [tilespmem:$0xC2F0]  }
0x15c: {  	v7 =	vadd.f32 v26, v16;
	v54 =	vadd.f32 v2, v3;
	[tilespmem:$0xC290] =	vst v52  }
0x15d: {  	v2 =	vadd.f32 v12, v4;
	[tilespmem:$0xC2A0] =	vst v53;
	v55 =	vadd.f32 v1, v6  }
0x15e: {  	[tilespmem:$0xC2B0] =	vst v54;
	v1 =	vadd.f32 v20, v56;
	v56 =	vadd.f32 v8, v7  }
0x15f: {  	[tilespmem:$0xC2C0] =	vst v55;
	v57 =	vadd.f32 v5, v2  }
0x160: {  	[tilespmem:$0xC2D0] =	vst v56;
	v58 =	vadd.f32 v0, v1  }
0x161: {  	s15 =	simm.s32 $0x0;
	[tilespmem:$0xC2E0] =	vst v57  }
0x162: {  	s16 =	smul.u32 $0x6000, s15;
	[tilespmem:$0xC2F0] =	vst v58  }
0x163: {  	s13 =	simm.s32 $0x0;
	_ =	swait.ge [sflag:s1], $0x6000  }
0x164: {  	s17 =	sand.u32 $0x380, s13;
	s14 =	sshra.s32 s16, $0x2;
	[sflag:s1] =	ssyncset.done $0x0  }
0x165: {  	s14 =	sor.u32 s17, s14;
	[sflag:s1] =	ssyncadd.s32 $0xFFFFA000  }
0x166: {  	v0 =	vld [tilespmem:s14+$0x6870]  }
0x167: {  	v1 =	vld [tilespmem:s14+$0x6000]  }
0x168: {  	v2 =	vld [tilespmem:s14+$0x6010]  }
0x169: {  	v3 =	vld [tilespmem:s14+$0x6020]  }
0x16a: {  	v5 =	vld [tilespmem:s14+$0x6030]  }
0x16b: {  	v6 =	vld [tilespmem:s14+$0x6040]  }
0x16c: {  	v11 =	vld [tilespmem:s14+$0x6050]  }
0x16d: {  	v12 =	vld [tilespmem:s14+$0x6060]  }
0x16e: {  	v13 =	vld [tilespmem:s14+$0x6070]  }
0x16f: {  	v14 =	vld [tilespmem:s14+$0x6400]  }
0x170: {  	v15 =	vld [tilespmem:s14+$0x6410]  }
0x171: {  	v4 =	vimm.f32 $0.0e+00;
	v16 =	vld [tilespmem:s14+$0x6420]  }
0x172: {  	v17 =	vld [tilespmem:s14+$0x6430];
	v59 =	vadd.f32 v0, v4;
	v10 =	vadd.f32 v1, v4  }
0x173: {  	v18 =	vld [tilespmem:s14+$0x6440];
	v9 =	vadd.f32 v2, v4;
	v8 =	vadd.f32 v3, v4  }
0x174: {  	v22 =	vld [tilespmem:s14+$0x6450];
	v7 =	vadd.f32 v5, v4;
	v2 =	vadd.f32 v6, v4  }
0x175: {  	v3 =	vadd.f32 v11, v4;
	v1 =	vadd.f32 v12, v4  }
0x176: {  	v6 =	vadd.f32 v13, v4;
	v0 =	vadd.f32 v14, v4  }
0x177: {  	v20 =	vld [tilespmem:s14+$0x6460];
	v5 =	vadd.f32 v15, v4;
	v63 =	vadd.f32 v16, v4  }
0x178: {  	v21 =	vld [tilespmem:s14+$0x6470];
	v62 =	vadd.f32 v17, v4;
	v61 =	vadd.f32 v18, v4  }
0x179: {  	v19 =	vld [tilespmem:s14+$0x6800];
	v60 =	vadd.f32 v22, v4;
	v13 =	vimm.f32 $0.0e+00;
	v14 =	vimm.f32 $0.0e+00  }
0x17a: {  	v22 =	vld [tilespmem:s14+$0x6810];
	v15 =	vimm.f32 $0.0e+00;
	v16 =	vimm.f32 $0.0e+00;
	v11 =	vimm.f32 $0.0e+00  }
0x17b: {  	s15 =	simm.s32 $0x2;
	s16 =	simm.s32 $0x0;
	v23 =	vld [tilespmem:s14+$0x6820];
	v18 =	vimm.f32 $0.0e+00;
	v17 =	vimm.f32 $0.0e+00;
	v12 =	vimm.f32 $0.0e+00  }
.LBB2_6:
0x17c: {  	p0 =	sne.s32 s15, $0x1F;
	s16 =	smul.u32 $0x6000, s16;
	v4 =	vadd.f32 v20, v4;
	v20 =	vld [tilespmem:s14+$0x6830]  }
0x17d: {  	s13 =	sadd.s32 $0x80, s13;
	v13 =	vadd.f32 v21, v13;
	v21 =	vld [tilespmem:s14+$0x6840]  }
0x17e: {  	s17 =	sand.u32 $0x380, s13;
	s16 =	sshra.s32 s16, $0x2;
	v14 =	vadd.f32 v19, v14;
	v19 =	vld [tilespmem:s14+$0x6850]  }
0x17f: {  	v15 =	vadd.f32 v22, v15;
	v22 =	vld [tilespmem:s14+$0x6860];
	s14 =	sor.u32 s17, s16  }
0x180: {  	v24 =	vld [tilespmem:s14+$0x6870];
	v16 =	vadd.f32 v23, v16  }
0x181: {  	v23 =	vld [tilespmem:s14+$0x6000];
	v11 =	vadd.f32 v20, v11  }
0x182: {  	v20 =	vld [tilespmem:s14+$0x6010];
	v18 =	vadd.f32 v21, v18  }
0x183: {  	v21 =	vld [tilespmem:s14+$0x6020];
	v17 =	vadd.f32 v19, v17  }
0x184: {  	v19 =	vld [tilespmem:s14+$0x6030];
	v12 =	vadd.f32 v22, v12  }
0x185: {  	v22 =	vld [tilespmem:s14+$0x6040];
	v59 =	vadd.f32 v24, v59  }
0x186: {  	v10 =	vadd.f32 v23, v10;
	v23 =	vld [tilespmem:s14+$0x6050]  }
0x187: {  	v9 =	vadd.f32 v20, v9;
	v20 =	vld [tilespmem:s14+$0x6060]  }
0x188: {  	v8 =	vadd.f32 v21, v8;
	v21 =	vld [tilespmem:s14+$0x6070]  }
0x189: {  	v7 =	vadd.f32 v19, v7;
	v19 =	vld [tilespmem:s14+$0x6400]  }
0x18a: {  	v2 =	vadd.f32 v22, v2;
	v22 =	vld [tilespmem:s14+$0x6410]  }
0x18b: {  	v3 =	vadd.f32 v23, v3;
	v23 =	vld [tilespmem:s14+$0x6420]  }
0x18c: {  	v1 =	vadd.f32 v20, v1;
	v24 =	vld [tilespmem:s14+$0x6430]  }
0x18d: {  	v6 =	vadd.f32 v21, v6;
	v25 =	vld [tilespmem:s14+$0x6440]  }
0x18e: {  	v0 =	vadd.f32 v19, v0;
	v26 =	vld [tilespmem:s14+$0x6450]  }
.Ltmp2:
0x18f: {  	v5 =	vadd.f32 v22, v5;
	v20 =	vld [tilespmem:s14+$0x6460];
	(pc) =	sbr.rel @p0 .LBB2_6-.Ltmp2, $4  }
0x190: {  	v63 =	vadd.f32 v23, v63;
	v21 =	vld [tilespmem:s14+$0x6470]  }
0x191: {  	v62 =	vadd.f32 v24, v62;
	v19 =	vld [tilespmem:s14+$0x6800]  }
0x192: {  	v61 =	vadd.f32 v25, v61;
	v22 =	vld [tilespmem:s14+$0x6810]  }
0x193: {  	s16 =	sshrl.u32 s15, $0x3;
	s15 =	sadd.s32 $0x1, s15;
	v60 =	vadd.f32 v26, v60;
	v23 =	vld [tilespmem:s14+$0x6820]  }
0x194: {  	s15 =	smul.u32 $0x6000, s16;
	v24 =	vld [tilespmem:s14+$0x6830]  }
0x195: {  	v25 =	vld [tilespmem:s14+$0x6840];
	s13 =	sadd.s32 $0x80, s13  }
0x196: {  	v26 =	vld [tilespmem:s14+$0x6850];
	s13 =	sand.u32 $0x380, s13;
	s15 =	sshra.s32 s15, $0x2  }
0x197: {  	v27 =	vld [tilespmem:s14+$0x6860];
	s13 =	sor.u32 s13, s15  }
0x198: {  	v28 =	vld [tilespmem:s13+$0x6870]  }
0x199: {  	v29 =	vld [tilespmem:s13+$0x6000]  }
0x19a: {  	v30 =	vld [tilespmem:s13+$0x6010]  }
0x19b: {  	v31 =	vld [tilespmem:s13+$0x6020]  }
0x19c: {  	v32 =	vld [tilespmem:s13+$0x6030]  }
0x19d: {  	v33 =	vld [tilespmem:s13+$0x6040]  }
0x19e: {  	v34 =	vld [tilespmem:s13+$0x6050]  }
0x19f: {  	v35 =	vld [tilespmem:s13+$0x6060]  }
0x1a0: {  	v36 =	vld [tilespmem:s13+$0x6070]  }
0x1a1: {  	v37 =	vld [tilespmem:s13+$0x6400]  }
0x1a2: {  	v38 =	vld [tilespmem:s13+$0x6410]  }
0x1a3: {  	v39 =	vld [tilespmem:s13+$0x6420]  }
0x1a4: {  	v40 =	vld [tilespmem:s13+$0x6430]  }
0x1a5: {  	v41 =	vld [tilespmem:s13+$0x6440]  }
0x1a6: {  	v42 =	vld [tilespmem:s13+$0x6450]  }
0x1a7: {  	v43 =	vld [tilespmem:s13+$0x6460]  }
0x1a8: {  	v4 =	vadd.f32 v20, v4;
	v20 =	vld [tilespmem:s13+$0x6470]  }
0x1a9: {  	v14 =	vadd.f32 v19, v14;
	v19 =	vld [tilespmem:s13+$0x6800]  }
0x1aa: {  	v13 =	vadd.f32 v21, v13;
	v21 =	vld [tilespmem:s13+$0x6810]  }
0x1ab: {  	v18 =	vadd.f32 v25, v18;
	v25 =	vld [tilespmem:$0x1FDD0]  }
0x1ac: {  	v17 =	vadd.f32 v26, v17;
	v26 =	vld [tilespmem:$0x1FDE0]  }
0x1ad: {  	v15 =	vadd.f32 v22, v15;
	v22 =	vld [tilespmem:s13+$0x6820]  }
0x1ae: {  	v16 =	vadd.f32 v23, v16;
	v23 =	vld [tilespmem:s13+$0x6830];
	v10 =	vadd.f32 v29, v10  }
0x1af: {  	v11 =	vadd.f32 v24, v11;
	v24 =	vld [tilespmem:s13+$0x6840];
	v9 =	vadd.f32 v30, v9  }
0x1b0: {  	v10 =	vadd.f32 v10, v25;
	v25 =	vld [tilespmem:s13+$0x6850]  }
0x1b1: {  	v9 =	vadd.f32 v9, v26;
	v26 =	vld [tilespmem:s13+$0x6860]  }
0x1b2: {  	[tilespmem:$0xC000] =	vst v10;
	v10 =	vld [tilespmem:$0x1FDF0]  }
0x1b3: {  	[tilespmem:$0xC010] =	vst v9;
	v9 =	vld [tilespmem:$0x1FE00];
	_ =	sdelay $0x1  }
0x1b4: {  	v8 =	vadd.f32 v31, v8  }
0x1b5: {  	v7 =	vadd.f32 v32, v7  }
0x1b6: {  	v8 =	vadd.f32 v8, v10  }
0x1b7: {  	v7 =	vadd.f32 v7, v9  }
0x1b8: {  	[tilespmem:$0xC020] =	vst v8;
	v8 =	vld [tilespmem:$0x1FE10]  }
0x1b9: {  	[tilespmem:$0xC030] =	vst v7;
	v7 =	vld [tilespmem:$0x1FE20];
	_ =	sdelay $0x1  }
0x1ba: {  	v2 =	vadd.f32 v33, v2  }
0x1bb: {  	v3 =	vadd.f32 v34, v3  }
0x1bc: {  	v2 =	vadd.f32 v2, v8  }
0x1bd: {  	v3 =	vadd.f32 v3, v7  }
0x1be: {  	[tilespmem:$0xC040] =	vst v2;
	v2 =	vld [tilespmem:$0x1FE30]  }
0x1bf: {  	[tilespmem:$0xC050] =	vst v3;
	v3 =	vld [tilespmem:$0x1FE40];
	_ =	sdelay $0x1  }
0x1c0: {  	v1 =	vadd.f32 v35, v1  }
0x1c1: {  	v6 =	vadd.f32 v36, v6  }
0x1c2: {  	v1 =	vadd.f32 v1, v2  }
0x1c3: {  	v3 =	vadd.f32 v6, v3  }
0x1c4: {  	[tilespmem:$0xC060] =	vst v1;
	v1 =	vld [tilespmem:$0x1FE50]  }
0x1c5: {  	[tilespmem:$0xC070] =	vst v3;
	v3 =	vld [tilespmem:$0x1FE60];
	_ =	sdelay $0x1  }
0x1c6: {  	v0 =	vadd.f32 v37, v0  }
0x1c7: {  	v2 =	vadd.f32 v38, v5  }
0x1c8: {  	v0 =	vadd.f32 v0, v1  }
0x1c9: {  	v2 =	vadd.f32 v2, v3  }
0x1ca: {  	[tilespmem:$0xC080] =	vst v0;
	v0 =	vld [tilespmem:$0x1FE70]  }
0x1cb: {  	[tilespmem:$0xC090] =	vst v2;
	v2 =	vld [tilespmem:$0x1FE80];
	_ =	sdelay $0x1  }
0x1cc: {  	v5 =	vadd.f32 v39, v63  }
0x1cd: {  	v1 =	vadd.f32 v40, v62  }
0x1ce: {  	v0 =	vadd.f32 v5, v0  }
0x1cf: {  	v1 =	vadd.f32 v1, v2  }
0x1d0: {  	[tilespmem:$0xC0A0] =	vst v0;
	v0 =	vld [tilespmem:$0x1FE90]  }
0x1d1: {  	[tilespmem:$0xC0B0] =	vst v1;
	v1 =	vld [tilespmem:$0x1FEA0];
	_ =	sdelay $0x1  }
0x1d2: {  	v3 =	vadd.f32 v41, v61  }
0x1d3: {  	v5 =	vadd.f32 v42, v60  }
0x1d4: {  	v0 =	vadd.f32 v3, v0  }
0x1d5: {  	v1 =	vadd.f32 v5, v1  }
0x1d6: {  	[tilespmem:$0xC0C0] =	vst v0;
	v0 =	vld [tilespmem:$0x1FEB0]  }
0x1d7: {  	[tilespmem:$0xC0D0] =	vst v1;
	v1 =	vld [tilespmem:$0x1FEC0];
	_ =	sdelay $0x1  }
0x1d8: {  	v2 =	vadd.f32 v43, v4  }
0x1d9: {  	v3 =	vadd.f32 v20, v13  }
0x1da: {  	v0 =	vadd.f32 v2, v0  }
0x1db: {  	v1 =	vadd.f32 v3, v1  }
0x1dc: {  	[tilespmem:$0xC0E0] =	vst v0;
	v0 =	vld [tilespmem:$0x1FED0]  }
0x1dd: {  	[tilespmem:$0xC0F0] =	vst v1;
	v1 =	vld [tilespmem:$0x1FEE0];
	_ =	sdelay $0x1  }
0x1de: {  	v4 =	vadd.f32 v19, v14  }
0x1df: {  	v2 =	vadd.f32 v21, v15  }
0x1e0: {  	v0 =	vadd.f32 v4, v0  }
0x1e1: {  	v1 =	vadd.f32 v2, v1  }
0x1e2: {  	[tilespmem:$0xC100] =	vst v0;
	v0 =	vld [tilespmem:$0x1FEF0]  }
0x1e3: {  	[tilespmem:$0xC110] =	vst v1;
	v1 =	vld [tilespmem:$0x1FF00];
	_ =	sdelay $0x1  }
0x1e4: {  	v3 =	vadd.f32 v22, v16  }
0x1e5: {  	v4 =	vadd.f32 v23, v11  }
0x1e6: {  	v0 =	vadd.f32 v3, v0  }
0x1e7: {  	v1 =	vadd.f32 v4, v1  }
0x1e8: {  	[tilespmem:$0xC120] =	vst v0;
	v0 =	vld [tilespmem:$0x1FF10]  }
0x1e9: {  	[tilespmem:$0xC130] =	vst v1;
	v1 =	vld [tilespmem:$0x1FF20];
	_ =	sdelay $0x1  }
0x1ea: {  	v2 =	vadd.f32 v24, v18  }
0x1eb: {  	v3 =	vadd.f32 v25, v17  }
0x1ec: {  	v0 =	vadd.f32 v2, v0  }
0x1ed: {  	v1 =	vadd.f32 v3, v1  }
0x1ee: {  	[tilespmem:$0xC140] =	vst v0;
	v0 =	vld [tilespmem:$0x1FF30]  }
0x1ef: {  	v12 =	vadd.f32 v27, v12;
	[tilespmem:$0xC150] =	vst v1;
	v1 =	vld [tilespmem:$0x1FF40];
	_ =	sdelay $0x1  }
0x1f0: {  	v4 =	vadd.f32 v26, v12  }
0x1f1: {  	s15 =	simm.s32 $0x0;
	v2 =	vadd.f32 v28, v59  }
0x1f2: {  	s16 =	smul.u32 $0x6000, s15;
	v0 =	vadd.f32 v4, v0  }
0x1f3: {  	s13 =	simm.s32 $0x0;
	v1 =	vadd.f32 v2, v1  }
0x1f4: {  	s14 =	sshra.s32 s16, $0x2;
	s17 =	sand.u32 $0x380, s13;
	[tilespmem:$0xC160] =	vst v0  }
0x1f5: {  	s14 =	sor.u32 s17, s14;
	[tilespmem:$0xC170] =	vst v1  }
0x1f6: {  	v0 =	vld [tilespmem:s14+$0x7470]  }
0x1f7: {  	v1 =	vld [tilespmem:s14+$0x6C00]  }
0x1f8: {  	v2 =	vld [tilespmem:s14+$0x6C10]  }
0x1f9: {  	v3 =	vld [tilespmem:s14+$0x6C20]  }
0x1fa: {  	v5 =	vld [tilespmem:s14+$0x6C30]  }
0x1fb: {  	v6 =	vld [tilespmem:s14+$0x6C40]  }
0x1fc: {  	v12 =	vld [tilespmem:s14+$0x6C50]  }
0x1fd: {  	v13 =	vld [tilespmem:s14+$0x6C60]  }
0x1fe: {  	v14 =	vld [tilespmem:s14+$0x6C70]  }
0x1ff: {  	v15 =	vld [tilespmem:s14+$0x7000]  }
0x200: {  	v16 =	vld [tilespmem:s14+$0x7010]  }
0x201: {  	v4 =	vimm.f32 $0.0e+00;
	v17 =	vld [tilespmem:s14+$0x7020]  }
0x202: {  	v18 =	vld [tilespmem:s14+$0x7030];
	v11 =	vadd.f32 v0, v4;
	v10 =	vadd.f32 v1, v4  }
0x203: {  	v19 =	vld [tilespmem:s14+$0x7040];
	v9 =	vadd.f32 v2, v4;
	v8 =	vadd.f32 v3, v4  }
0x204: {  	v20 =	vld [tilespmem:s14+$0x7050];
	v7 =	vadd.f32 v5, v4;
	v2 =	vadd.f32 v6, v4  }
0x205: {  	v3 =	vadd.f32 v12, v4;
	v1 =	vadd.f32 v13, v4  }
0x206: {  	v21 =	vimm.f32 $0.0e+00;
	v25 =	vld [tilespmem:s14+$0x7060];
	v6 =	vadd.f32 v14, v4;
	v0 =	vadd.f32 v15, v4  }
0x207: {  	v22 =	vimm.f32 $0.0e+00;
	v26 =	vld [tilespmem:s14+$0x7070];
	v5 =	vadd.f32 v16, v4;
	v15 =	vadd.f32 v17, v4  }
0x208: {  	v23 =	vimm.f32 $0.0e+00;
	v24 =	vld [tilespmem:s14+$0x7400];
	v14 =	vadd.f32 v18, v4;
	v13 =	vadd.f32 v19, v4  }
0x209: {  	v27 =	vld [tilespmem:s14+$0x7410];
	v12 =	vadd.f32 v20, v4;
	v18 =	vimm.f32 $0.0e+00;
	v19 =	vimm.f32 $0.0e+00  }
0x20a: {  	s15 =	simm.s32 $0x2;
	s16 =	simm.s32 $0x0;
	v28 =	vld [tilespmem:s14+$0x7420];
	v20 =	vimm.f32 $0.0e+00;
	v16 =	vimm.f32 $0.0e+00;
	v17 =	vimm.f32 $0.0e+00  }
.LBB2_8:
0x20b: {  	p0 =	sne.s32 s15, $0x1F;
	s16 =	smul.u32 $0x6000, s16;
	v4 =	vadd.f32 v25, v4;
	v25 =	vld [tilespmem:s14+$0x7430]  }
0x20c: {  	s13 =	sadd.s32 $0x80, s13;
	v18 =	vadd.f32 v26, v18;
	v26 =	vld [tilespmem:s14+$0x7440]  }
0x20d: {  	s17 =	sand.u32 $0x380, s13;
	s16 =	sshra.s32 s16, $0x2;
	v19 =	vadd.f32 v24, v19;
	v24 =	vld [tilespmem:s14+$0x7450]  }
0x20e: {  	v20 =	vadd.f32 v27, v20;
	v27 =	vld [tilespmem:s14+$0x7460];
	s14 =	sor.u32 s17, s16  }
0x20f: {  	v29 =	vld [tilespmem:s14+$0x7470];
	v21 =	vadd.f32 v28, v21  }
0x210: {  	v28 =	vld [tilespmem:s14+$0x6C00];
	v16 =	vadd.f32 v25, v16  }
0x211: {  	v25 =	vld [tilespmem:s14+$0x6C10];
	v23 =	vadd.f32 v26, v23  }
0x212: {  	v26 =	vld [tilespmem:s14+$0x6C20];
	v22 =	vadd.f32 v24, v22  }
0x213: {  	v24 =	vld [tilespmem:s14+$0x6C30];
	v17 =	vadd.f32 v27, v17  }
0x214: {  	v27 =	vld [tilespmem:s14+$0x6C40];
	v11 =	vadd.f32 v29, v11  }
0x215: {  	v10 =	vadd.f32 v28, v10;
	v28 =	vld [tilespmem:s14+$0x6C50]  }
0x216: {  	v9 =	vadd.f32 v25, v9;
	v25 =	vld [tilespmem:s14+$0x6C60]  }
0x217: {  	v8 =	vadd.f32 v26, v8;
	v26 =	vld [tilespmem:s14+$0x6C70]  }
0x218: {  	v7 =	vadd.f32 v24, v7;
	v24 =	vld [tilespmem:s14+$0x7000]  }
0x219: {  	v2 =	vadd.f32 v27, v2;
	v27 =	vld [tilespmem:s14+$0x7010]  }
0x21a: {  	v3 =	vadd.f32 v28, v3;
	v28 =	vld [tilespmem:s14+$0x7020]  }
0x21b: {  	v1 =	vadd.f32 v25, v1;
	v29 =	vld [tilespmem:s14+$0x7030]  }
0x21c: {  	v6 =	vadd.f32 v26, v6;
	v30 =	vld [tilespmem:s14+$0x7040]  }
0x21d: {  	v0 =	vadd.f32 v24, v0;
	v31 =	vld [tilespmem:s14+$0x7050]  }
.Ltmp3:
0x21e: {  	v5 =	vadd.f32 v27, v5;
	v25 =	vld [tilespmem:s14+$0x7060];
	(pc) =	sbr.rel @p0 .LBB2_8-.Ltmp3, $4  }
0x21f: {  	v15 =	vadd.f32 v28, v15;
	v26 =	vld [tilespmem:s14+$0x7070]  }
0x220: {  	v14 =	vadd.f32 v29, v14;
	v24 =	vld [tilespmem:s14+$0x7400]  }
0x221: {  	v13 =	vadd.f32 v30, v13;
	v27 =	vld [tilespmem:s14+$0x7410]  }
0x222: {  	s16 =	sshrl.u32 s15, $0x3;
	s15 =	sadd.s32 $0x1, s15;
	v12 =	vadd.f32 v31, v12;
	v28 =	vld [tilespmem:s14+$0x7420]  }
0x223: {  	s15 =	smul.u32 $0x6000, s16;
	v29 =	vld [tilespmem:s14+$0x7430]  }
0x224: {  	v30 =	vld [tilespmem:s14+$0x7440];
	s13 =	sadd.s32 $0x80, s13  }
0x225: {  	v31 =	vld [tilespmem:s14+$0x7450];
	s13 =	sand.u32 $0x380, s13;
	s15 =	sshra.s32 s15, $0x2  }
0x226: {  	v32 =	vld [tilespmem:s14+$0x7460];
	s13 =	sor.u32 s13, s15  }
0x227: {  	v33 =	vld [tilespmem:s13+$0x7470]  }
0x228: {  	v34 =	vld [tilespmem:s13+$0x6C00]  }
0x229: {  	v35 =	vld [tilespmem:s13+$0x6C10]  }
0x22a: {  	v36 =	vld [tilespmem:s13+$0x6C20]  }
0x22b: {  	v37 =	vld [tilespmem:s13+$0x6C30]  }
0x22c: {  	v38 =	vld [tilespmem:s13+$0x6C40]  }
0x22d: {  	v39 =	vld [tilespmem:s13+$0x6C50]  }
0x22e: {  	v40 =	vld [tilespmem:s13+$0x6C60]  }
0x22f: {  	v41 =	vld [tilespmem:s13+$0x6C70]  }
0x230: {  	v42 =	vld [tilespmem:s13+$0x7000]  }
0x231: {  	v43 =	vld [tilespmem:s13+$0x7010]  }
0x232: {  	v59 =	vld [tilespmem:s13+$0x7020]  }
0x233: {  	v60 =	vld [tilespmem:s13+$0x7030]  }
0x234: {  	v61 =	vld [tilespmem:s13+$0x7040]  }
0x235: {  	v62 =	vld [tilespmem:s13+$0x7050]  }
0x236: {  	v63 =	vld [tilespmem:s13+$0x7060]  }
0x237: {  	v4 =	vadd.f32 v25, v4;
	v25 =	vld [tilespmem:s13+$0x7070]  }
0x238: {  	v19 =	vadd.f32 v24, v19;
	v24 =	vld [tilespmem:s13+$0x7400]  }
0x239: {  	v18 =	vadd.f32 v26, v18;
	v26 =	vld [tilespmem:s13+$0x7410]  }
0x23a: {  	v20 =	vadd.f32 v27, v20;
	v27 =	vld [tilespmem:s13+$0x7420]  }
0x23b: {  	v21 =	vadd.f32 v28, v21;
	v28 =	vld [tilespmem:s13+$0x7430]  }
0x23c: {  	v16 =	vadd.f32 v29, v16;
	v29 =	vld [tilespmem:s13+$0x7440]  }
0x23d: {  	v23 =	vadd.f32 v30, v23;
	v30 =	vld [tilespmem:s13+$0x7450]  }
0x23e: {  	v17 =	vadd.f32 v32, v17;
	v32 =	vld [tilespmem:$0x1FDC0]  }
0x23f: {  	v8 =	vadd.f32 v36, v8;
	v36 =	vld [tilespmem:$0x1FD40]  }
0x240: {  	v10 =	vadd.f32 v34, v10;
	v7 =	vadd.f32 v37, v7;
	v37 =	vld [tilespmem:$0x1FD50]  }
0x241: {  	v2 =	vadd.f32 v38, v2;
	v38 =	vld [tilespmem:$0x1FD60];
	v0 =	vadd.f32 v42, v0  }
0x242: {  	v9 =	vadd.f32 v35, v9;
	v3 =	vadd.f32 v39, v3;
	v39 =	vld [tilespmem:$0x1FD70]  }
0x243: {  	v1 =	vadd.f32 v40, v1;
	v40 =	vld [tilespmem:$0x1FD80];
	v0 =	vadd.f32 v0, v32  }
0x244: {  	v6 =	vadd.f32 v41, v6;
	v41 =	vld [tilespmem:$0x1FD90];
	v10 =	vadd.f32 v10, v36  }
0x245: {  	v22 =	vadd.f32 v31, v22;
	v31 =	vld [tilespmem:s13+$0x7460];
	[tilespmem:$0xC200] =	vst v0;
	v9 =	vadd.f32 v9, v37  }
0x246: {  	v8 =	vadd.f32 v8, v38;
	[tilespmem:$0xC180] =	vst v10  }
0x247: {  	v15 =	vadd.f32 v59, v15;
	v7 =	vadd.f32 v7, v39;
	[tilespmem:$0xC190] =	vst v9  }
0x248: {  	v34 =	vadd.f32 v60, v14;
	v2 =	vadd.f32 v2, v40;
	[tilespmem:$0xC1A0] =	vst v8  }
0x249: {  	v35 =	vadd.f32 v61, v13;
	v3 =	vadd.f32 v3, v41;
	[tilespmem:$0xC1B0] =	vst v7  }
0x24a: {  	v42 =	vadd.f32 v24, v19;
	v36 =	vadd.f32 v15, v45;
	[tilespmem:$0xC1C0] =	vst v2  }
0x24b: {  	v60 =	vadd.f32 v33, v11;
	v39 =	vadd.f32 v35, v47;
	[tilespmem:$0xC1D0] =	vst v3  }
0x24c: {  	v37 =	vadd.f32 v62, v12;
	v47 =	vadd.f32 v42, v51;
	[tilespmem:$0xC220] =	vst v36  }
0x24d: {  	v38 =	vadd.f32 v63, v4;
	v63 =	vadd.f32 v60, v58;
	[tilespmem:$0xC240] =	vst v39  }
0x24e: {  	v40 =	vadd.f32 v25, v18;
	v8 =	vld [tilespmem:$0x1FDA0];
	v41 =	vadd.f32 v37, v48;
	[tilespmem:$0xC280] =	vst v47  }
0x24f: {  	v9 =	vadd.f32 v43, v5;
	v10 =	vld [tilespmem:$0x1FDB0];
	v43 =	vadd.f32 v38, v49;
	[tilespmem:$0xC2F0] =	vst v63  }
0x250: {  	v45 =	vadd.f32 v40, v50;
	v50 =	vadd.f32 v29, v23;
	[tilespmem:$0xC250] =	vst v41  }
0x251: {  	v2 =	vadd.f32 v9, v44;
	v44 =	vadd.f32 v26, v20;
	[tilespmem:$0xC260] =	vst v43  }
0x252: {  	[tilespmem:$0xC270] =	vst v45;
	v59 =	vadd.f32 v50, v55  }
0x253: {  	[tilespmem:$0xC210] =	vst v2;
	v49 =	vadd.f32 v44, v52;
	v1 =	vadd.f32 v1, v8  }
0x254: {  	v52 =	vadd.f32 v30, v22;
	[tilespmem:$0xC2C0] =	vst v59;
	v3 =	vadd.f32 v6, v10  }
0x255: {  	[tilespmem:$0xC1E0] =	vst v1;
	v1 =	vadd.f32 v34, v46;
	v46 =	vadd.f32 v27, v21  }
0x256: {  	v48 =	vadd.f32 v28, v16;
	[tilespmem:$0xC290] =	vst v49;
	v61 =	vadd.f32 v52, v56  }
0x257: {  	[tilespmem:$0xC1F0] =	vst v3;
	v51 =	vadd.f32 v46, v53  }
0x258: {  	[tilespmem:$0xC2D0] =	vst v61;
	v53 =	vadd.f32 v48, v54;
	v54 =	vadd.f32 v31, v17  }
0x259: {  	[tilespmem:$0xC230] =	vst v1  }
0x25a: {  	s12 =	sadd.s32 $0x1, s12;
	[tilespmem:$0xC2A0] =	vst v51;
	v62 =	vadd.f32 v54, v57  }
0x25b: {  	p0 =	sne.s32 s12, s7;
	[tilespmem:$0xC2B0] =	vst v53  }
.Ltmp4:
0x25c: {  	[tilespmem:$0xC2E0] =	vst v62;
	(pc) =	sbr.rel @p0 .LBB2_1-.Ltmp4, $4  }
0x25d: {  	[hbm4b:s6+s8] =	stream.strided.scatter [tilespmem:s10], [sflag:$0x3], $0x300, s9, s8, $0x38;
	[tilespmem:$0xC400] =	vst v63  }
0x25e: {  	_ =	swait.ge [sflag:s11], $0x300  }
0x25f: {  	[sflag:s11] =	ssyncset.done $0x0  }
0x260: {  	[sflag:s11] =	ssyncadd.s32 $0xFFFFFD00  }
0x261: {  	_ =	sfence.sel $0x180000  }
0x262: {  	[bflag:$0x0] =	sbarrier.arrive $0xFFFF  }
0x263: {  	_ =	strace $0x90000047  }
0x264: {  	s0 =	stileid.u32;
	[bflag:$0x2] =	sbarrier.arrive $0xFFFF  }
0x265: {  	p0 =	sne.s32 s0, $0x0;
	s0 =	rddreg [dreg:$0x2]  }
0x266: {  	s0 =	sadd.s32 @!p0 $0x100000, s0  }
0x267: {  	[sflag:s0] =	ssyncadd.tile.s32 @!p0 $0x1;
	_ =	shalt  }
.Lfunc_end2:
_tile_overlayer_lowered:
.L_overlay_start_2:
0x268: {  	(tag) =	ssettag $0x2  }
0x269: {  	s0 =	rddreg [dreg:$0x0];
	s2 =	stileid.u32  }
0x26a: {  	s1 =	rddreg [dreg:$0x1];
	p0 =	sne.s32 s2, $0x0  }
0x26b: {  	s3 =	rddreg [dreg:$0x2];
	[bflag:$0x3] =	sbarrier.arrive $0xFFFF;
	s2 =	simm.s32 @!p0 $0x1C03  }
0x26c: {  	[timem:s3], [sflag:s2] =	dma.local @!p0 [hbm:s0], s1  }
0x26d: {  	s0 =	simm.s32 @!p0 $0x3  }
0x26e: {  	_ =	swait.ge @!p0 [sflag:s0], s1  }
0x26f: {  	s1 =	ssub.s32 @!p0 $0x0, s1;
	[sflag:s0] =	ssyncset.done @!p0 $0x0  }
0x270: {  	[sflag:s0] =	ssyncadd.s32 @!p0 s1  }
0x271: {  	[bflag:$0x3] =	sbarrier.arrive $0xFFFF  }
0x272: {  	_ =	shalt  }

</sc_bundles>
